<compile_context>
chip_gen: v7x
topology: tpu7x:2x2x1
jax: 0.10.2.dev20260603
libtpu: 0.0.44.dev20260713+nightly
codegen_flags: <defaults>
</compile_context>

<pallas_src>
import functools

import jax
import jax.numpy as jnp
from jax import lax
from jax.experimental import pallas as pl
from jax.experimental.pallas import tpu as pltpu
from jax.experimental.pallas import tpu_sc as plsc

N_NODES = 10000
N_EDGES = 320000
IN_DIM = 128
HID_DIM = 256
OUT_DIM = 64

NC, NS = 2, 16
NW = NC * NS
EPT = N_EDGES // NW
CHUNK = 100
NCHUNK = EPT // CHUNK
NPHASE = 2
PCHUNK = NCHUNK // NPHASE


ROWS_TILE = N_NODES // NS
N_PAD = 10240
CNT_TILE = N_PAD // NS


def _zero_spmem_slice(buf, spm, sid, nbuf_rows, rows_tile=ROWS_TILE, align=1):
    base = pl.multiple_of(sid * rows_tile, align)
    nfull = rows_tile // nbuf_rows
    rem = rows_tile % nbuf_rows
    for k in range(nfull):
        pltpu.sync_copy(buf, spm.at[pl.ds(base + k * nbuf_rows, nbuf_rows)])
    if rem:
        pltpu.sync_copy(buf.at[pl.ds(0, rem)],
                        spm.at[pl.ds(base + rows_tile - rem, rem)])


def _seg_body(D, table_hbm, src_hbm, dst_hbm, acc_out, src_all, dst_all,
              rows0, rows1, acc_sh, sem0, sem1):
    cid = lax.axis_index("c")
    sid = lax.axis_index("s")
    w = cid * NS + sid
    ncol = D // 16
    zero16 = jnp.zeros((16,), jnp.float32)

    def z_rows(k, _):
        rows0[k // ncol, pl.ds((k % ncol) * 16, 16)] = zero16
        return 0
    lax.fori_loop(0, CHUNK * ncol, z_rows, 0)
    _zero_spmem_slice(rows0, acc_sh, sid, CHUNK)

    plsc.subcore_barrier()

    def gather(j, buf, sem):
        return pltpu.async_copy(table_hbm.at[src_all.at[j]], buf, sem)

    def wait_g(buf, sem):
        pltpu.make_async_copy(table_hbm.at[src_all.at[0]], buf, sem).wait()

    def scat(j, buf):
        pltpu.sync_copy(buf, acc_sh.at[dst_all.at[j]], add=True)

    for ph in range(NPHASE):
        pltpu.sync_copy(src_hbm.at[w, ph], src_all)
        pltpu.sync_copy(dst_hbm.at[w, ph], dst_all)
        gather(0, rows0, sem0)

        def step2(i, _):
            j0 = 2 * i
            gather(j0 + 1, rows1, sem1)
            wait_g(rows0, sem0)
            scat(j0, rows0)
            gather(j0 + 2, rows0, sem0)
            wait_g(rows1, sem1)
            scat(j0 + 1, rows1)
            return 0
        lax.fori_loop(0, (PCHUNK - 2) // 2, step2, 0)

        gather(PCHUNK - 1, rows1, sem1)
        wait_g(rows0, sem0)
        scat(PCHUNK - 2, rows0)
        wait_g(rows1, sem1)
        scat(PCHUNK - 1, rows1)

    plsc.subcore_barrier()
    base = sid * ROWS_TILE
    pltpu.sync_copy(acc_sh.at[pl.ds(base, ROWS_TILE)], acc_out.at[cid, sid])


def _cnt_body(dst_hbm, ones_hbm, zeros_hbm, cnt_out, dst_all, ones, cnt_sh):
    cid = lax.axis_index("c")
    sid = lax.axis_index("s")
    w = cid * NS + sid

    pltpu.sync_copy(ones_hbm, ones)
    base = sid * ROWS_TILE
    for k in range(ROWS_TILE // CHUNK):
        pltpu.sync_copy(zeros_hbm, cnt_sh.at[pl.ds(base + k * CHUNK, CHUNK)])
    pltpu.sync_copy(zeros_hbm, cnt_sh.at[pl.ds(base + ROWS_TILE - CHUNK, CHUNK)])

    pltpu.sync_copy(dst_hbm.at[w], dst_all)
    plsc.subcore_barrier()

    for ph in range(NPHASE):
        def step(j, _):
            pltpu.sync_copy(ones, cnt_sh.at[dst_all.at[ph, j]], add=True)
            return 0
        lax.fori_loop(0, PCHUNK, step, 0)

    plsc.subcore_barrier()
    pltpu.sync_copy(cnt_sh.at[pl.ds(base, ROWS_TILE)], cnt_out.at[cid, sid])


def _make_seg_kernel(D):
    mesh = plsc.VectorSubcoreMesh(core_axis_name="c", subcore_axis_name="s",
                                  num_cores=NC, num_subcores=NS)
    out = jax.ShapeDtypeStruct((NC, NS, ROWS_TILE, D), jnp.float32)
    scratch = [
        pltpu.VMEM((PCHUNK, CHUNK), jnp.int32),
        pltpu.VMEM((PCHUNK, CHUNK), jnp.int32),
        pltpu.VMEM((CHUNK, D), jnp.float32),
        pltpu.VMEM((CHUNK, D), jnp.float32),
        pltpu.VMEM_SHARED((N_NODES, D), jnp.float32),
        pltpu.SemaphoreType.DMA,
        pltpu.SemaphoreType.DMA,
    ]
    return pl.kernel(functools.partial(_seg_body, D),
                     out_type=out, mesh=mesh, scratch_types=scratch)


def _make_cnt_kernel():
    mesh = plsc.VectorSubcoreMesh(core_axis_name="c", subcore_axis_name="s",
                                  num_cores=NC, num_subcores=NS)
    out = jax.ShapeDtypeStruct((NC, NS, ROWS_TILE, IN_DIM), jnp.float32)
    scratch = [
        pltpu.VMEM((NPHASE, PCHUNK, CHUNK), jnp.int32),
        pltpu.VMEM((CHUNK, IN_DIM), jnp.float32),
        pltpu.VMEM_SHARED((N_NODES, IN_DIM), jnp.float32),
    ]
    return pl.kernel(_cnt_body, out_type=out, mesh=mesh,
                     scratch_types=scratch)


_seg_l1 = _make_seg_kernel(IN_DIM)
_seg_l2 = _make_seg_kernel(IN_DIM)
_cnt_k = _make_cnt_kernel()

_TC_R = 1000


def _tc0_body(x, b1, w1r, xr_ref):
    xr_ref[...] = b1[...] + jnp.dot(x[...], w1r[...],
                                    preferred_element_type=jnp.float32)


def _tc1_body(s1a, s1b, cnta, cntb, xr, w1l, w2l, h_ref, y2_ref):
    cnt = jnp.maximum(cnta[...] + cntb[...], 1.0)
    agg = (s1a[...] + s1b[...]) / cnt
    h = jnp.dot(agg, w1l[...], preferred_element_type=jnp.float32) + xr[...]
    h = jnp.maximum(h, 0.0)
    h_ref[...] = h
    y2_ref[...] = jnp.dot(h, w2l[...], preferred_element_type=jnp.float32)


def _tc2_body(s2a, s2b, cnta, cntb, h, w2r, b2, out_ref):
    cnt = jnp.maximum(cnta[...] + cntb[...], 1.0)
    s2 = (s2a[...] + s2b[...])[:, :OUT_DIM]
    o = (s2 / cnt + b2[...]
         + jnp.dot(h[...], w2r[...], preferred_element_type=jnp.float32))
    m = jnp.max(o, axis=1, keepdims=True)
    lse = jnp.log(jnp.sum(jnp.exp(o - m), axis=1, keepdims=True)) + m
    out_ref[...] = o - lse


def _row_spec(d):
    return pl.BlockSpec((_TC_R, d), lambda i: (i, 0))


def _full_spec(r, c):
    return pl.BlockSpec((r, c), lambda i: (0, 0))


_tc0 = pl.pallas_call(
    _tc0_body,
    grid=(N_NODES // _TC_R,),
    in_specs=[
        _row_spec(IN_DIM),
        _full_spec(1, HID_DIM), _full_spec(IN_DIM, HID_DIM),
    ],
    out_specs=_row_spec(HID_DIM),
    out_shape=jax.ShapeDtypeStruct((N_NODES, HID_DIM), jnp.float32),
)

_tc1 = pl.pallas_call(
    _tc1_body,
    grid=(N_NODES // _TC_R,),
    in_specs=[
        _row_spec(IN_DIM), _row_spec(IN_DIM),
        _row_spec(1), _row_spec(1),
        _row_spec(HID_DIM),
        _full_spec(IN_DIM, HID_DIM), _full_spec(HID_DIM, IN_DIM),
    ],
    out_specs=[_row_spec(HID_DIM), _row_spec(IN_DIM)],
    out_shape=[jax.ShapeDtypeStruct((N_NODES, HID_DIM), jnp.float32),
               jax.ShapeDtypeStruct((N_NODES, IN_DIM), jnp.float32)],
)

_tc2 = pl.pallas_call(
    _tc2_body,
    grid=(N_NODES // _TC_R,),
    in_specs=[
        _row_spec(IN_DIM), _row_spec(IN_DIM),
        _row_spec(1), _row_spec(1),
        _row_spec(HID_DIM),
        _full_spec(HID_DIM, OUT_DIM), _full_spec(1, OUT_DIM),
    ],
    out_specs=_row_spec(OUT_DIM),
    out_shape=jax.ShapeDtypeStruct((N_NODES, OUT_DIM), jnp.float32),
)


def kernel(x, edge_index, W1_l, b1, W1_r, W2_l, b2, W2_r):
    ei = edge_index.astype(jnp.int32)
    src = ei[0].reshape(NW, NPHASE, PCHUNK, CHUNK)
    dst = ei[1].reshape(NW, NPHASE, PCHUNK, CHUNK)
    s1 = _seg_l1(x, src, dst).reshape(NC, N_NODES, IN_DIM)
    ones_c = jnp.ones((CHUNK, IN_DIM), jnp.float32)
    zeros_c = jnp.zeros((CHUNK, IN_DIM), jnp.float32)
    cnt = (_cnt_k(dst, ones_c, zeros_c)
           .reshape(NC, N_NODES, IN_DIM)[:, :, :1])
    xr = _tc0(x, b1.reshape(1, HID_DIM), W1_r)
    W2_l_pad = jnp.pad(W2_l, ((0, 0), (0, IN_DIM - OUT_DIM)))
    h, y2 = _tc1(s1[0], s1[1], cnt[0], cnt[1], xr, W1_l, W2_l_pad)
    s2 = _seg_l2(y2, src, dst).reshape(NC, N_NODES, IN_DIM)
    out = _tc2(s2[0], s2[1], cnt[0], cnt[1], h, W2_r, b2.reshape(1, OUT_DIM))
    return out

# --- scband reference (transcript-rebuilt; emitter-appended) ---
"""Pipeline reference for scband-graph-sage-74234214744573 (READ-ONLY COPY).

The authoritative reference and input builder live on the scoring server;
editing this copy changes nothing except your own understanding.
"""

import jax, jax.numpy as jnp
import numpy as np

N_NODES = 10000
N_EDGES = 320000
IN_DIM = 128
HID_DIM = 256
OUT_DIM = 64


def setup_inputs(seed: int = 0) -> dict:
    key = jax.random.key(seed)
    k_x, k_e, k1, k2, k3, k4, k5, k6 = jax.random.split(key, 8)
    x = jax.random.normal(k_x, (N_NODES, IN_DIM), dtype=jnp.float32)
    edge_index = jax.random.randint(k_e, (2, N_EDGES), 0, N_NODES, dtype=jnp.int64)
    # SAGEConv layer 1: lin_l (aggregated neighbors, with bias), lin_r (root, no bias)
    s1 = 1.0 / np.sqrt(IN_DIM)
    W1_l = jax.random.uniform(k1, (IN_DIM, HID_DIM), dtype=jnp.float32, minval=-s1, maxval=s1)
    b1 = jnp.zeros((HID_DIM,), dtype=jnp.float32)
    W1_r = jax.random.uniform(k2, (IN_DIM, HID_DIM), dtype=jnp.float32, minval=-s1, maxval=s1)
    # SAGEConv layer 2
    s2 = 1.0 / np.sqrt(HID_DIM)
    W2_l = jax.random.uniform(k3, (HID_DIM, OUT_DIM), dtype=jnp.float32, minval=-s2, maxval=s2)
    b2 = jnp.zeros((OUT_DIM,), dtype=jnp.float32)
    W2_r = jax.random.uniform(k4, (HID_DIM, OUT_DIM), dtype=jnp.float32, minval=-s2, maxval=s2)
    return {"x": x, "edge_index": edge_index, "W1_l": W1_l, "b1": b1, "W1_r": W1_r,
            "W2_l": W2_l, "b2": b2, "W2_r": W2_r}


def _sage_conv(x, src, dst, n_nodes, W_l, b, W_r):
    # mean aggregation of neighbor messages (src -> dst), matching pyg SAGEConv(aggr='mean')
    msgs = jnp.take(x, src, axis=0)
    summed = jax.ops.segment_sum(msgs, dst, num_segments=n_nodes)
    cnt = jax.ops.segment_sum(jnp.ones((src.shape[0], 1), dtype=x.dtype), dst, num_segments=n_nodes)
    agg = summed / jnp.maximum(cnt, 1.0)
    return agg @ W_l + b + x @ W_r


def reference(x, edge_index, W1_l, b1, W1_r, W2_l, b2, W2_r):
    # encoder=None -> encode treated as identity (encoder is an external hook)
    src = edge_index[0]
    dst = edge_index[1]
    n = x.shape[0]
    h = _sage_conv(x, src, dst, n, W1_l, b1, W1_r)
    h = jax.nn.relu(h)
    # dropout=0.0 -> no-op; eval mode
    out = _sage_conv(h, src, dst, n, W2_l, b2, W2_r)
    return jax.nn.log_softmax(out, axis=1).astype(jnp.float32)

if __name__ == "__main__":
    import jax
    _d = setup_inputs()
    print(jax.jit(kernel)(*tuple(_d.values())))

</pallas_src>

<mosaic_0001>
#map = affine_map<(d0, d1) -> (0, 0)>
#map1 = affine_map<(d0, d1) -> (0, 0, 0, 0)>
module attributes {stable_mosaic.version = 14 : i64} {
  func.func @_seg_body(%arg0: i32, %arg1: i32, %arg2: memref<10000x128xf32, #tpu.memory_space<hbm>>, %arg3: memref<32x2x50x100xi32, #tpu.memory_space<hbm>>, %arg4: memref<32x2x50x100xi32, #tpu.memory_space<hbm>>, %arg5: memref<2x16x625x128xf32, #tpu.memory_space<hbm>>, %arg6: memref<50x100xi32, #tpu.memory_space<vmem>>, %arg7: memref<50x100xi32, #tpu.memory_space<vmem>>, %arg8: memref<100x128xf32, #tpu.memory_space<vmem>>, %arg9: memref<100x128xf32, #tpu.memory_space<vmem>>, %arg10: memref<10000x128xf32, #tpu.memory_space<vmem_shared>>, %arg11: memref<!tpu.dma_semaphore, #tpu.memory_space<semaphore_mem>>, %arg12: memref<!tpu.dma_semaphore, #tpu.memory_space<semaphore_mem>>) attributes {dimension_semantics = [#tpu.dimension_semantics<core_parallel>, #tpu.dimension_semantics<subcore_parallel>], iteration_bounds = array<i64: 2, 16>, scalar_prefetch = 0 : i64, scratch_operands = 7 : i64, tpu.core_type = #tpu.core_type<sc_vector_subcore>, window_params = [{transform_indices = #map}, {transform_indices = #map1}, {transform_indices = #map1}, {transform_indices = #map1}]} {
    %mul3A = arith.constant 16 : i32
    %mul3A_0 = arith.muli %arg0, %mul3A : i32
    %add3A = arith.addi %mul3A_0, %arg1 : i32
    %broadcast_in_dim3A = arith.constant 0.000000e+00 : f32
    %broadcast_in_dim3A_1 = vector.broadcast %broadcast_in_dim3A : f32 to vector<16xf32>
    %scan3A = arith.constant 0 : i32
    %scan3A_2 = arith.constant 0 : i32
    %scan3A_3 = arith.constant 800 : i32
    %scan3A_4 = arith.addi %scan3A_2, %scan3A_3 : i32
    %scan3A_5 = arith.constant 1 : i32
    %scan3A_6 = scf.for %scan3A_103 = %scan3A_2 to %scan3A_4 step %scan3A_5 iter_args(%scan3A_104 = %scan3A) -> (i32)  : i32 {
      %jit3A = arith.constant 8 : i32
      %div3A = arith.divsi %scan3A_103, %jit3A : i32
      %sign3A = arith.constant 0 : i32
      %sign3A_105 = arith.cmpi sgt, %scan3A_103, %sign3A : i32
      %sign3A_106 = arith.extui %sign3A_105 : i1 to i32
      %sign3A_107 = arith.constant 0 : i32
      %sign3A_108 = arith.cmpi slt, %scan3A_103, %sign3A_107 : i32
      %sign3A_109 = arith.extui %sign3A_108 : i1 to i32
      %sign3A_110 = arith.subi %sign3A_106, %sign3A_109 : i32
      %sign3A_111 = arith.constant 0 : i32
      %sign3A_112 = arith.cmpi sgt, %jit3A, %sign3A_111 : i32
      %sign3A_113 = arith.extui %sign3A_112 : i1 to i32
      %sign3A_114 = arith.constant 0 : i32
      %sign3A_115 = arith.cmpi slt, %jit3A, %sign3A_114 : i32
      %sign3A_116 = arith.extui %sign3A_115 : i1 to i32
      %sign3A_117 = arith.subi %sign3A_113, %sign3A_116 : i32
      %ne3A = arith.cmpi ne, %sign3A_110, %sign3A_117 : i32
      %rem3A = arith.remsi %scan3A_103, %jit3A : i32
      %ne3A_118 = arith.constant 0 : i32
      %ne3A_119 = arith.cmpi ne, %rem3A, %ne3A_118 : i32
      %and3A = arith.andi %ne3A, %ne3A_119 : i1
      %sub3A_120 = arith.constant 1 : i32
      %sub3A_121 = arith.subi %div3A, %sub3A_120 : i32
      %select_n3A = arith.select %and3A, %sub3A_121, %div3A : i32
      %jit3A_122 = arith.constant 8 : i32
      %eq3A = arith.constant 0 : i32
      %eq3A_123 = arith.cmpi eq, %jit3A_122, %eq3A : i32
      %jit3A_124 = arith.constant 1 : i32
      %select_n3A_125 = arith.select %eq3A_123, %jit3A_124, %jit3A_122 : i32
      %rem3A_126 = arith.remsi %scan3A_103, %select_n3A_125 : i32
      %ne3A_127 = arith.constant 0 : i32
      %ne3A_128 = arith.cmpi ne, %rem3A_126, %ne3A_127 : i32
      %lt3A = arith.constant 0 : i32
      %lt3A_129 = arith.cmpi slt, %rem3A_126, %lt3A : i32
      %lt3A_130 = arith.constant 0 : i32
      %lt3A_131 = arith.cmpi slt, %select_n3A_125, %lt3A_130 : i32
      %ne3A_132 = arith.xori %lt3A_129, %lt3A_131 : i1
      %and3A_133 = arith.andi %ne3A_132, %ne3A_128 : i1
      %add3A_134 = arith.addi %rem3A_126, %select_n3A_125 : i32
      %select_n3A_135 = arith.select %and3A_133, %add3A_134, %rem3A_126 : i32
      %mul3A_136 = arith.constant 16 : i32
      %mul3A_137 = arith.muli %select_n3A_135, %mul3A_136 : i32
      %swap3A = arith.index_cast %select_n3A : i32 to index
      %swap3A_138 = arith.index_cast %mul3A_137 : i32 to index
      %swap3A_139 = tpu.vector_load %arg8[%swap3A, %swap3A_138] {strides = array<i32>} : memref<100x128xf32, #tpu.memory_space<vmem>>, vector<1x16xf32>,
      %swap3A_140 = vector.shape_cast %swap3A_139 : vector<1x16xf32> to vector<16xf32>
      %swap3A_141 = vector.shape_cast %broadcast_in_dim3A_1 : vector<16xf32> to vector<1x16xf32>
      tpu.vector_store %arg8[%swap3A, %swap3A_138], %swap3A_141 {strides = array<i32>} : memref<100x128xf32, #tpu.memory_space<vmem>>, vector<1x16xf32>,
      %scan3A_142 = arith.constant 0 : i32
      scf.yield %scan3A_142 : i32
    }
    %scan3A_7 = arith.constant 800 : i32
    %mul3A_8 = arith.constant 625 : i32
    %mul3A_9 = arith.muli %arg1, %mul3A_8 : i32
    %multiple_of3A = tpu.assume_multiple %mul3A_9, 1 : i32
    %add3A_10 = arith.constant 0 : i32
    %add3A_11 = arith.addi %multiple_of3A, %add3A_10 : i32
    "tpu.region"() ({
      %run_scoped3A_103 = tpu.sem_alloc : memref<!tpu.dma_semaphore, #tpu.memory_space<semaphore_mem>>
      %dma_start3A_104 = arith.constant 0 : i32
      %dma_start3A_105 = tpu.memref_slice %arg10[%add3A_11, %dma_start3A_104] : memref<10000x128xf32, #tpu.memory_space<vmem_shared>> -> memref<100x128xf32, #tpu.memory_space<vmem_shared>>
      %dma_start3A_106 = arith.constant 0 : i32
      %dma_start3A_107 = tpu.memref_slice %arg10[%add3A_11, %dma_start3A_106] : memref<10000x128xf32, #tpu.memory_space<vmem_shared>> -> memref<100x128xf32, #tpu.memory_space<vmem_shared>>
      tpu.enqueue_dma source(%arg8 : memref<100x128xf32, #tpu.memory_space<vmem>>) target(%dma_start3A_107 : memref<100x128xf32, #tpu.memory_space<vmem_shared>>) target_semaphore(%run_scoped3A_103 : memref<!tpu.dma_semaphore, #tpu.memory_space<semaphore_mem>>)
      %dma_wait3A_108 = arith.constant 0 : i32
      %dma_wait3A_109 = tpu.memref_slice %arg10[%add3A_11, %dma_wait3A_108] : memref<10000x128xf32, #tpu.memory_space<vmem_shared>> -> memref<100x128xf32, #tpu.memory_space<vmem_shared>>
      %dma_wait3A_110 = arith.constant 0 : i32
      %dma_wait3A_111 = tpu.memref_slice %arg10[%add3A_11, %dma_wait3A_110] : memref<10000x128xf32, #tpu.memory_space<vmem_shared>> -> memref<100x128xf32, #tpu.memory_space<vmem_shared>>
      tpu.wait_dma2 semaphore(%run_scoped3A_103 : memref<!tpu.dma_semaphore, #tpu.memory_space<semaphore_mem>>) src(%arg8 : memref<100x128xf32, #tpu.memory_space<vmem>>) dst(%dma_wait3A_111 : memref<100x128xf32, #tpu.memory_space<vmem_shared>>)
      tpu.yield
    }) : () -> ()
    %add3A_12 = arith.constant 100 : i32
    %add3A_13 = arith.addi %multiple_of3A, %add3A_12 : i32
    "tpu.region"() ({
      %run_scoped3A_103 = tpu.sem_alloc : memref<!tpu.dma_semaphore, #tpu.memory_space<semaphore_mem>>
      %dma_start3A_104 = arith.constant 0 : i32
      %dma_start3A_105 = tpu.memref_slice %arg10[%add3A_13, %dma_start3A_104] : memref<10000x128xf32, #tpu.memory_space<vmem_shared>> -> memref<100x128xf32, #tpu.memory_space<vmem_shared>>
      %dma_start3A_106 = arith.constant 0 : i32
      %dma_start3A_107 = tpu.memref_slice %arg10[%add3A_13, %dma_start3A_106] : memref<10000x128xf32, #tpu.memory_space<vmem_shared>> -> memref<100x128xf32, #tpu.memory_space<vmem_shared>>
      tpu.enqueue_dma source(%arg8 : memref<100x128xf32, #tpu.memory_space<vmem>>) target(%dma_start3A_107 : memref<100x128xf32, #tpu.memory_space<vmem_shared>>) target_semaphore(%run_scoped3A_103 : memref<!tpu.dma_semaphore, #tpu.memory_space<semaphore_mem>>)
      %dma_wait3A_108 = arith.constant 0 : i32
      %dma_wait3A_109 = tpu.memref_slice %arg10[%add3A_13, %dma_wait3A_108] : memref<10000x128xf32, #tpu.memory_space<vmem_shared>> -> memref<100x128xf32, #tpu.memory_space<vmem_shared>>
      %dma_wait3A_110 = arith.constant 0 : i32
      %dma_wait3A_111 = tpu.memref_slice %arg10[%add3A_13, %dma_wait3A_110] : memref<10000x128xf32, #tpu.memory_space<vmem_shared>> -> memref<100x128xf32, #tpu.memory_space<vmem_shared>>
      tpu.wait_dma2 semaphore(%run_scoped3A_103 : memref<!tpu.dma_semaphore, #tpu.memory_space<semaphore_mem>>) src(%arg8 : memref<100x128xf32, #tpu.memory_space<vmem>>) dst(%dma_wait3A_111 : memref<100x128xf32, #tpu.memory_space<vmem_shared>>)
      tpu.yield
    }) : () -> ()
    %add3A_14 = arith.constant 200 : i32
    %add3A_15 = arith.addi %multiple_of3A, %add3A_14 : i32
    "tpu.region"() ({
      %run_scoped3A_103 = tpu.sem_alloc : memref<!tpu.dma_semaphore, #tpu.memory_space<semaphore_mem>>
      %dma_start3A_104 = arith.constant 0 : i32
      %dma_start3A_105 = tpu.memref_slice %arg10[%add3A_15, %dma_start3A_104] : memref<10000x128xf32, #tpu.memory_space<vmem_shared>> -> memref<100x128xf32, #tpu.memory_space<vmem_shared>>
      %dma_start3A_106 = arith.constant 0 : i32
      %dma_start3A_107 = tpu.memref_slice %arg10[%add3A_15, %dma_start3A_106] : memref<10000x128xf32, #tpu.memory_space<vmem_shared>> -> memref<100x128xf32, #tpu.memory_space<vmem_shared>>
      tpu.enqueue_dma source(%arg8 : memref<100x128xf32, #tpu.memory_space<vmem>>) target(%dma_start3A_107 : memref<100x128xf32, #tpu.memory_space<vmem_shared>>) target_semaphore(%run_scoped3A_103 : memref<!tpu.dma_semaphore, #tpu.memory_space<semaphore_mem>>)
      %dma_wait3A_108 = arith.constant 0 : i32
      %dma_wait3A_109 = tpu.memref_slice %arg10[%add3A_15, %dma_wait3A_108] : memref<10000x128xf32, #tpu.memory_space<vmem_shared>> -> memref<100x128xf32, #tpu.memory_space<vmem_shared>>
      %dma_wait3A_110 = arith.constant 0 : i32
      %dma_wait3A_111 = tpu.memref_slice %arg10[%add3A_15, %dma_wait3A_110] : memref<10000x128xf32, #tpu.memory_space<vmem_shared>> -> memref<100x128xf32, #tpu.memory_space<vmem_shared>>
      tpu.wait_dma2 semaphore(%run_scoped3A_103 : memref<!tpu.dma_semaphore, #tpu.memory_space<semaphore_mem>>) src(%arg8 : memref<100x128xf32, #tpu.memory_space<vmem>>) dst(%dma_wait3A_111 : memref<100x128xf32, #tpu.memory_space<vmem_shared>>)
      tpu.yield
    }) : () -> ()
    %add3A_16 = arith.constant 300 : i32
    %add3A_17 = arith.addi %multiple_of3A, %add3A_16 : i32
    "tpu.region"() ({
      %run_scoped3A_103 = tpu.sem_alloc : memref<!tpu.dma_semaphore, #tpu.memory_space<semaphore_mem>>
      %dma_start3A_104 = arith.constant 0 : i32
      %dma_start3A_105 = tpu.memref_slice %arg10[%add3A_17, %dma_start3A_104] : memref<10000x128xf32, #tpu.memory_space<vmem_shared>> -> memref<100x128xf32, #tpu.memory_space<vmem_shared>>
      %dma_start3A_106 = arith.constant 0 : i32
      %dma_start3A_107 = tpu.memref_slice %arg10[%add3A_17, %dma_start3A_106] : memref<10000x128xf32, #tpu.memory_space<vmem_shared>> -> memref<100x128xf32, #tpu.memory_space<vmem_shared>>
      tpu.enqueue_dma source(%arg8 : memref<100x128xf32, #tpu.memory_space<vmem>>) target(%dma_start3A_107 : memref<100x128xf32, #tpu.memory_space<vmem_shared>>) target_semaphore(%run_scoped3A_103 : memref<!tpu.dma_semaphore, #tpu.memory_space<semaphore_mem>>)
      %dma_wait3A_108 = arith.constant 0 : i32
      %dma_wait3A_109 = tpu.memref_slice %arg10[%add3A_17, %dma_wait3A_108] : memref<10000x128xf32, #tpu.memory_space<vmem_shared>> -> memref<100x128xf32, #tpu.memory_space<vmem_shared>>
      %dma_wait3A_110 = arith.constant 0 : i32
      %dma_wait3A_111 = tpu.memref_slice %arg10[%add3A_17, %dma_wait3A_110] : memref<10000x128xf32, #tpu.memory_space<vmem_shared>> -> memref<100x128xf32, #tpu.memory_space<vmem_shared>>
      tpu.wait_dma2 semaphore(%run_scoped3A_103 : memref<!tpu.dma_semaphore, #tpu.memory_space<semaphore_mem>>) src(%arg8 : memref<100x128xf32, #tpu.memory_space<vmem>>) dst(%dma_wait3A_111 : memref<100x128xf32, #tpu.memory_space<vmem_shared>>)
      tpu.yield
    }) : () -> ()
    %add3A_18 = arith.constant 400 : i32
    %add3A_19 = arith.addi %multiple_of3A, %add3A_18 : i32
    "tpu.region"() ({
      %run_scoped3A_103 = tpu.sem_alloc : memref<!tpu.dma_semaphore, #tpu.memory_space<semaphore_mem>>
      %dma_start3A_104 = arith.constant 0 : i32
      %dma_start3A_105 = tpu.memref_slice %arg10[%add3A_19, %dma_start3A_104] : memref<10000x128xf32, #tpu.memory_space<vmem_shared>> -> memref<100x128xf32, #tpu.memory_space<vmem_shared>>
      %dma_start3A_106 = arith.constant 0 : i32
      %dma_start3A_107 = tpu.memref_slice %arg10[%add3A_19, %dma_start3A_106] : memref<10000x128xf32, #tpu.memory_space<vmem_shared>> -> memref<100x128xf32, #tpu.memory_space<vmem_shared>>
      tpu.enqueue_dma source(%arg8 : memref<100x128xf32, #tpu.memory_space<vmem>>) target(%dma_start3A_107 : memref<100x128xf32, #tpu.memory_space<vmem_shared>>) target_semaphore(%run_scoped3A_103 : memref<!tpu.dma_semaphore, #tpu.memory_space<semaphore_mem>>)
      %dma_wait3A_108 = arith.constant 0 : i32
      %dma_wait3A_109 = tpu.memref_slice %arg10[%add3A_19, %dma_wait3A_108] : memref<10000x128xf32, #tpu.memory_space<vmem_shared>> -> memref<100x128xf32, #tpu.memory_space<vmem_shared>>
      %dma_wait3A_110 = arith.constant 0 : i32
      %dma_wait3A_111 = tpu.memref_slice %arg10[%add3A_19, %dma_wait3A_110] : memref<10000x128xf32, #tpu.memory_space<vmem_shared>> -> memref<100x128xf32, #tpu.memory_space<vmem_shared>>
      tpu.wait_dma2 semaphore(%run_scoped3A_103 : memref<!tpu.dma_semaphore, #tpu.memory_space<semaphore_mem>>) src(%arg8 : memref<100x128xf32, #tpu.memory_space<vmem>>) dst(%dma_wait3A_111 : memref<100x128xf32, #tpu.memory_space<vmem_shared>>)
      tpu.yield
    }) : () -> ()
    %add3A_20 = arith.constant 500 : i32
    %add3A_21 = arith.addi %multiple_of3A, %add3A_20 : i32
    "tpu.region"() ({
      %run_scoped3A_103 = tpu.sem_alloc : memref<!tpu.dma_semaphore, #tpu.memory_space<semaphore_mem>>
      %dma_start3A_104 = arith.constant 0 : i32
      %dma_start3A_105 = tpu.memref_slice %arg10[%add3A_21, %dma_start3A_104] : memref<10000x128xf32, #tpu.memory_space<vmem_shared>> -> memref<100x128xf32, #tpu.memory_space<vmem_shared>>
      %dma_start3A_106 = arith.constant 0 : i32
      %dma_start3A_107 = tpu.memref_slice %arg10[%add3A_21, %dma_start3A_106] : memref<10000x128xf32, #tpu.memory_space<vmem_shared>> -> memref<100x128xf32, #tpu.memory_space<vmem_shared>>
      tpu.enqueue_dma source(%arg8 : memref<100x128xf32, #tpu.memory_space<vmem>>) target(%dma_start3A_107 : memref<100x128xf32, #tpu.memory_space<vmem_shared>>) target_semaphore(%run_scoped3A_103 : memref<!tpu.dma_semaphore, #tpu.memory_space<semaphore_mem>>)
      %dma_wait3A_108 = arith.constant 0 : i32
      %dma_wait3A_109 = tpu.memref_slice %arg10[%add3A_21, %dma_wait3A_108] : memref<10000x128xf32, #tpu.memory_space<vmem_shared>> -> memref<100x128xf32, #tpu.memory_space<vmem_shared>>
      %dma_wait3A_110 = arith.constant 0 : i32
      %dma_wait3A_111 = tpu.memref_slice %arg10[%add3A_21, %dma_wait3A_110] : memref<10000x128xf32, #tpu.memory_space<vmem_shared>> -> memref<100x128xf32, #tpu.memory_space<vmem_shared>>
      tpu.wait_dma2 semaphore(%run_scoped3A_103 : memref<!tpu.dma_semaphore, #tpu.memory_space<semaphore_mem>>) src(%arg8 : memref<100x128xf32, #tpu.memory_space<vmem>>) dst(%dma_wait3A_111 : memref<100x128xf32, #tpu.memory_space<vmem_shared>>)
      tpu.yield
    }) : () -> ()
    %add3A_22 = arith.constant 625 : i32
    %add3A_23 = arith.addi %multiple_of3A, %add3A_22 : i32
    %sub3A = arith.constant 25 : i32
    %sub3A_24 = arith.subi %add3A_23, %sub3A : i32
    "tpu.region"() ({
      %run_scoped3A_103 = tpu.sem_alloc : memref<!tpu.dma_semaphore, #tpu.memory_space<semaphore_mem>>
      %dma_start3A_104 = arith.constant 0 : i32
      %dma_start3A_105 = arith.constant 0 : i32
      %dma_start3A_106 = tpu.memref_slice %arg8[%dma_start3A_104, %dma_start3A_105] : memref<100x128xf32, #tpu.memory_space<vmem>> -> memref<25x128xf32, #tpu.memory_space<vmem>>
      %dma_start3A_107 = arith.constant 0 : i32
      %dma_start3A_108 = tpu.memref_slice %arg10[%sub3A_24, %dma_start3A_107] : memref<10000x128xf32, #tpu.memory_space<vmem_shared>> -> memref<25x128xf32, #tpu.memory_space<vmem_shared>>
      %dma_start3A_109 = arith.constant 0 : i32
      %dma_start3A_110 = tpu.memref_slice %arg10[%sub3A_24, %dma_start3A_109] : memref<10000x128xf32, #tpu.memory_space<vmem_shared>> -> memref<25x128xf32, #tpu.memory_space<vmem_shared>>
      %dma_start3A_111 = arith.constant 0 : i32
      %dma_start3A_112 = arith.constant 0 : i32
      %dma_start3A_113 = tpu.memref_slice %arg8[%dma_start3A_111, %dma_start3A_112] : memref<100x128xf32, #tpu.memory_space<vmem>> -> memref<25x128xf32, #tpu.memory_space<vmem>>
      tpu.enqueue_dma source(%dma_start3A_113 : memref<25x128xf32, #tpu.memory_space<vmem>>) target(%dma_start3A_110 : memref<25x128xf32, #tpu.memory_space<vmem_shared>>) target_semaphore(%run_scoped3A_103 : memref<!tpu.dma_semaphore, #tpu.memory_space<semaphore_mem>>)
      %dma_wait3A_114 = arith.constant 0 : i32
      %dma_wait3A_115 = arith.constant 0 : i32
      %dma_wait3A_116 = tpu.memref_slice %arg8[%dma_wait3A_114, %dma_wait3A_115] : memref<100x128xf32, #tpu.memory_space<vmem>> -> memref<25x128xf32, #tpu.memory_space<vmem>>
      %dma_wait3A_117 = arith.constant 0 : i32
      %dma_wait3A_118 = tpu.memref_slice %arg10[%sub3A_24, %dma_wait3A_117] : memref<10000x128xf32, #tpu.memory_space<vmem_shared>> -> memref<25x128xf32, #tpu.memory_space<vmem_shared>>
      %dma_wait3A_119 = arith.constant 0 : i32
      %dma_wait3A_120 = tpu.memref_slice %arg10[%sub3A_24, %dma_wait3A_119] : memref<10000x128xf32, #tpu.memory_space<vmem_shared>> -> memref<25x128xf32, #tpu.memory_space<vmem_shared>>
      %dma_wait3A_121 = arith.constant 0 : i32
      %dma_wait3A_122 = arith.constant 0 : i32
      %dma_wait3A_123 = tpu.memref_slice %arg8[%dma_wait3A_121, %dma_wait3A_122] : memref<100x128xf32, #tpu.memory_space<vmem>> -> memref<25x128xf32, #tpu.memory_space<vmem>>
      tpu.wait_dma2 semaphore(%run_scoped3A_103 : memref<!tpu.dma_semaphore, #tpu.memory_space<semaphore_mem>>) src(%dma_wait3A_123 : memref<25x128xf32, #tpu.memory_space<vmem>>) dst(%dma_wait3A_120 : memref<25x128xf32, #tpu.memory_space<vmem_shared>>)
      tpu.yield
    }) : () -> ()
    %barrier3A = arith.constant 0 : index
    tpu.barrier barrier_id(%barrier3A)
    %run_scoped3A = arith.constant 0 : i32
    "tpu.region"() ({
      %run_scoped3A_103 = tpu.sem_alloc : memref<!tpu.dma_semaphore, #tpu.memory_space<semaphore_mem>>
      %dma_start3A_104 = arith.constant 0 : i32
      %dma_start3A_105 = arith.constant 0 : i32
      %dma_start3A_106 = tpu.memref_slice %arg3[%add3A, %run_scoped3A, %dma_start3A_104, %dma_start3A_105] : memref<32x2x50x100xi32, #tpu.memory_space<hbm>> -> memref<1x1x50x100xi32, #tpu.memory_space<hbm>>
      %dma_start3A_107 = tpu.memref_squeeze %dma_start3A_106 : memref<1x1x50x100xi32, #tpu.memory_space<hbm>> -> memref<50x100xi32, #tpu.memory_space<hbm>>
      %dma_start3A_108 = arith.constant 0 : i32
      %dma_start3A_109 = arith.constant 0 : i32
      %dma_start3A_110 = tpu.memref_slice %arg3[%add3A, %run_scoped3A, %dma_start3A_108, %dma_start3A_109] : memref<32x2x50x100xi32, #tpu.memory_space<hbm>> -> memref<1x1x50x100xi32, #tpu.memory_space<hbm>>
      %dma_start3A_111 = tpu.memref_squeeze %dma_start3A_110 : memref<1x1x50x100xi32, #tpu.memory_space<hbm>> -> memref<50x100xi32, #tpu.memory_space<hbm>>
      tpu.enqueue_dma source(%dma_start3A_111 : memref<50x100xi32, #tpu.memory_space<hbm>>) target(%arg6 : memref<50x100xi32, #tpu.memory_space<vmem>>) target_semaphore(%run_scoped3A_103 : memref<!tpu.dma_semaphore, #tpu.memory_space<semaphore_mem>>)
      %dma_wait3A_112 = arith.constant 0 : i32
      %dma_wait3A_113 = arith.constant 0 : i32
      %dma_wait3A_114 = tpu.memref_slice %arg3[%add3A, %run_scoped3A, %dma_wait3A_112, %dma_wait3A_113] : memref<32x2x50x100xi32, #tpu.memory_space<hbm>> -> memref<1x1x50x100xi32, #tpu.memory_space<hbm>>
      %dma_wait3A_115 = tpu.memref_squeeze %dma_wait3A_114 : memref<1x1x50x100xi32, #tpu.memory_space<hbm>> -> memref<50x100xi32, #tpu.memory_space<hbm>>
      %dma_wait3A_116 = arith.constant 0 : i32
      %dma_wait3A_117 = arith.constant 0 : i32
      %dma_wait3A_118 = tpu.memref_slice %arg3[%add3A, %run_scoped3A, %dma_wait3A_116, %dma_wait3A_117] : memref<32x2x50x100xi32, #tpu.memory_space<hbm>> -> memref<1x1x50x100xi32, #tpu.memory_space<hbm>>
      %dma_wait3A_119 = tpu.memref_squeeze %dma_wait3A_118 : memref<1x1x50x100xi32, #tpu.memory_space<hbm>> -> memref<50x100xi32, #tpu.memory_space<hbm>>
      tpu.wait_dma2 semaphore(%run_scoped3A_103 : memref<!tpu.dma_semaphore, #tpu.memory_space<semaphore_mem>>) src(%dma_wait3A_119 : memref<50x100xi32, #tpu.memory_space<hbm>>) dst(%arg6 : memref<50x100xi32, #tpu.memory_space<vmem>>)
      tpu.yield
    }) : () -> ()
    %run_scoped3A_25 = arith.constant 0 : i32
    "tpu.region"() ({
      %run_scoped3A_103 = tpu.sem_alloc : memref<!tpu.dma_semaphore, #tpu.memory_space<semaphore_mem>>
      %dma_start3A_104 = arith.constant 0 : i32
      %dma_start3A_105 = arith.constant 0 : i32
      %dma_start3A_106 = tpu.memref_slice %arg4[%add3A, %run_scoped3A_25, %dma_start3A_104, %dma_start3A_105] : memref<32x2x50x100xi32, #tpu.memory_space<hbm>> -> memref<1x1x50x100xi32, #tpu.memory_space<hbm>>
      %dma_start3A_107 = tpu.memref_squeeze %dma_start3A_106 : memref<1x1x50x100xi32, #tpu.memory_space<hbm>> -> memref<50x100xi32, #tpu.memory_space<hbm>>
      %dma_start3A_108 = arith.constant 0 : i32
      %dma_start3A_109 = arith.constant 0 : i32
      %dma_start3A_110 = tpu.memref_slice %arg4[%add3A, %run_scoped3A_25, %dma_start3A_108, %dma_start3A_109] : memref<32x2x50x100xi32, #tpu.memory_space<hbm>> -> memref<1x1x50x100xi32, #tpu.memory_space<hbm>>
      %dma_start3A_111 = tpu.memref_squeeze %dma_start3A_110 : memref<1x1x50x100xi32, #tpu.memory_space<hbm>> -> memref<50x100xi32, #tpu.memory_space<hbm>>
      tpu.enqueue_dma source(%dma_start3A_111 : memref<50x100xi32, #tpu.memory_space<hbm>>) target(%arg7 : memref<50x100xi32, #tpu.memory_space<vmem>>) target_semaphore(%run_scoped3A_103 : memref<!tpu.dma_semaphore, #tpu.memory_space<semaphore_mem>>)
      %dma_wait3A_112 = arith.constant 0 : i32
      %dma_wait3A_113 = arith.constant 0 : i32
      %dma_wait3A_114 = tpu.memref_slice %arg4[%add3A, %run_scoped3A_25, %dma_wait3A_112, %dma_wait3A_113] : memref<32x2x50x100xi32, #tpu.memory_space<hbm>> -> memref<1x1x50x100xi32, #tpu.memory_space<hbm>>
      %dma_wait3A_115 = tpu.memref_squeeze %dma_wait3A_114 : memref<1x1x50x100xi32, #tpu.memory_space<hbm>> -> memref<50x100xi32, #tpu.memory_space<hbm>>
      %dma_wait3A_116 = arith.constant 0 : i32
      %dma_wait3A_117 = arith.constant 0 : i32
      %dma_wait3A_118 = tpu.memref_slice %arg4[%add3A, %run_scoped3A_25, %dma_wait3A_116, %dma_wait3A_117] : memref<32x2x50x100xi32, #tpu.memory_space<hbm>> -> memref<1x1x50x100xi32, #tpu.memory_space<hbm>>
      %dma_wait3A_119 = tpu.memref_squeeze %dma_wait3A_118 : memref<1x1x50x100xi32, #tpu.memory_space<hbm>> -> memref<50x100xi32, #tpu.memory_space<hbm>>
      tpu.wait_dma2 semaphore(%run_scoped3A_103 : memref<!tpu.dma_semaphore, #tpu.memory_space<semaphore_mem>>) src(%dma_wait3A_119 : memref<50x100xi32, #tpu.memory_space<hbm>>) dst(%arg7 : memref<50x100xi32, #tpu.memory_space<vmem>>)
      tpu.yield
    }) : () -> ()
    %dma_start3A = arith.constant 0 : i32
    %dma_start3A_26 = arith.constant 0 : i32
    %dma_start3A_27 = tpu.memref_slice %arg6[%dma_start3A, %dma_start3A_26] : memref<50x100xi32, #tpu.memory_space<vmem>> -> memref<1x100xi32, #tpu.memory_space<vmem>>
    %dma_start3A_28 = tpu.memref_squeeze %dma_start3A_27 : memref<1x100xi32, #tpu.memory_space<vmem>> -> memref<100xi32, #tpu.memory_space<vmem>>
    %dma_start3A_29 = arith.constant 0 : i32
    %dma_start3A_30 = arith.constant 0 : i32
    %dma_start3A_31 = tpu.memref_slice %arg2[%dma_start3A_29, %dma_start3A_30] : memref<10000x128xf32, #tpu.memory_space<hbm>> -> memref<10000x128xf32, #tpu.memory_space<hbm>>
    tpu.enqueue_indirect_dma source(%dma_start3A_31 : memref<10000x128xf32, #tpu.memory_space<hbm>>) target(%arg8 : memref<100x128xf32, #tpu.memory_space<vmem>>) offsets(%dma_start3A_28 : memref<100xi32, #tpu.memory_space<vmem>>) semaphore(%arg11 : memref<!tpu.dma_semaphore, #tpu.memory_space<semaphore_mem>>)
    %scan3A_32 = arith.constant 0 : i32
    %scan3A_33 = arith.constant 0 : i32
    %scan3A_34 = arith.constant 24 : i32
    %scan3A_35 = arith.addi %scan3A_33, %scan3A_34 : i32
    %scan3A_36 = arith.constant 1 : i32
    %scan3A_37 = scf.for %scan3A_103 = %scan3A_33 to %scan3A_35 step %scan3A_36 iter_args(%scan3A_104 = %scan3A_32) -> (i32)  : i32 {
      %mul3A_105 = arith.constant 2 : i32
      %mul3A_106 = arith.muli %mul3A_105, %scan3A_103 : i32
      %add3A_107 = arith.constant 1 : i32
      %add3A_108 = arith.addi %mul3A_106, %add3A_107 : i32
      %dma_start3A_109 = arith.constant 0 : i32
      %dma_start3A_110 = tpu.memref_slice %arg6[%add3A_108, %dma_start3A_109] : memref<50x100xi32, #tpu.memory_space<vmem>> -> memref<1x100xi32, #tpu.memory_space<vmem>>
      %dma_start3A_111 = tpu.memref_squeeze %dma_start3A_110 : memref<1x100xi32, #tpu.memory_space<vmem>> -> memref<100xi32, #tpu.memory_space<vmem>>
      %dma_start3A_112 = arith.constant 0 : i32
      %dma_start3A_113 = arith.constant 0 : i32
      %dma_start3A_114 = tpu.memref_slice %arg2[%dma_start3A_112, %dma_start3A_113] : memref<10000x128xf32, #tpu.memory_space<hbm>> -> memref<10000x128xf32, #tpu.memory_space<hbm>>
      tpu.enqueue_indirect_dma source(%dma_start3A_114 : memref<10000x128xf32, #tpu.memory_space<hbm>>) target(%arg9 : memref<100x128xf32, #tpu.memory_space<vmem>>) offsets(%dma_start3A_111 : memref<100xi32, #tpu.memory_space<vmem>>) semaphore(%arg12 : memref<!tpu.dma_semaphore, #tpu.memory_space<semaphore_mem>>)
      %dma_wait3A_115 = arith.constant 0 : i32
      %dma_wait3A_116 = arith.constant 0 : i32
      %dma_wait3A_117 = tpu.memref_slice %arg6[%dma_wait3A_115, %dma_wait3A_116] : memref<50x100xi32, #tpu.memory_space<vmem>> -> memref<1x100xi32, #tpu.memory_space<vmem>>
      %dma_wait3A_118 = tpu.memref_squeeze %dma_wait3A_117 : memref<1x100xi32, #tpu.memory_space<vmem>> -> memref<100xi32, #tpu.memory_space<vmem>>
      %dma_wait3A_119 = arith.constant 0 : i32
      %dma_wait3A_120 = arith.constant 0 : i32
      %dma_wait3A_121 = tpu.memref_slice %arg2[%dma_wait3A_119, %dma_wait3A_120] : memref<10000x128xf32, #tpu.memory_space<hbm>> -> memref<10000x128xf32, #tpu.memory_space<hbm>>
      tpu.wait_indirect_dma semaphore(%arg11 : memref<!tpu.dma_semaphore, #tpu.memory_space<semaphore_mem>>) src(%dma_wait3A_121 : memref<10000x128xf32, #tpu.memory_space<hbm>>) dst(%arg8 : memref<100x128xf32, #tpu.memory_space<vmem>>)
      "tpu.region"() ({
        %run_scoped3A_140 = tpu.sem_alloc : memref<!tpu.dma_semaphore, #tpu.memory_space<semaphore_mem>>
        %dma_start3A_141 = arith.constant 0 : i32
        %dma_start3A_142 = tpu.memref_slice %arg7[%mul3A_106, %dma_start3A_141] : memref<50x100xi32, #tpu.memory_space<vmem>> -> memref<1x100xi32, #tpu.memory_space<vmem>>
        %dma_start3A_143 = tpu.memref_squeeze %dma_start3A_142 : memref<1x100xi32, #tpu.memory_space<vmem>> -> memref<100xi32, #tpu.memory_space<vmem>>
        %dma_start3A_144 = arith.constant 0 : i32
        %dma_start3A_145 = arith.constant 0 : i32
        %dma_start3A_146 = tpu.memref_slice %arg10[%dma_start3A_144, %dma_start3A_145] : memref<10000x128xf32, #tpu.memory_space<vmem_shared>> -> memref<10000x128xf32, #tpu.memory_space<vmem_shared>>
        tpu.enqueue_indirect_dma source(%arg8 : memref<100x128xf32, #tpu.memory_space<vmem>>) target(%dma_start3A_146 : memref<10000x128xf32, #tpu.memory_space<vmem_shared>>) offsets(%dma_start3A_143 : memref<100xi32, #tpu.memory_space<vmem>>) semaphore(%run_scoped3A_140 : memref<!tpu.dma_semaphore, #tpu.memory_space<semaphore_mem>>) {add = true}
        %dma_wait3A_147 = arith.constant 0 : i32
        %dma_wait3A_148 = tpu.memref_slice %arg7[%mul3A_106, %dma_wait3A_147] : memref<50x100xi32, #tpu.memory_space<vmem>> -> memref<1x100xi32, #tpu.memory_space<vmem>>
        %dma_wait3A_149 = tpu.memref_squeeze %dma_wait3A_148 : memref<1x100xi32, #tpu.memory_space<vmem>> -> memref<100xi32, #tpu.memory_space<vmem>>
        %dma_wait3A_150 = arith.constant 0 : i32
        %dma_wait3A_151 = arith.constant 0 : i32
        %dma_wait3A_152 = tpu.memref_slice %arg10[%dma_wait3A_150, %dma_wait3A_151] : memref<10000x128xf32, #tpu.memory_space<vmem_shared>> -> memref<10000x128xf32, #tpu.memory_space<vmem_shared>>
        tpu.wait_indirect_dma semaphore(%run_scoped3A_140 : memref<!tpu.dma_semaphore, #tpu.memory_space<semaphore_mem>>) src(%arg8 : memref<100x128xf32, #tpu.memory_space<vmem>>) dst(%dma_wait3A_152 : memref<10000x128xf32, #tpu.memory_space<vmem_shared>>)
        tpu.yield
      }) : () -> ()
      %add3A_122 = arith.constant 2 : i32
      %add3A_123 = arith.addi %mul3A_106, %add3A_122 : i32
      %dma_start3A_124 = arith.constant 0 : i32
      %dma_start3A_125 = tpu.memref_slice %arg6[%add3A_123, %dma_start3A_124] : memref<50x100xi32, #tpu.memory_space<vmem>> -> memref<1x100xi32, #tpu.memory_space<vmem>>
      %dma_start3A_126 = tpu.memref_squeeze %dma_start3A_125 : memref<1x100xi32, #tpu.memory_space<vmem>> -> memref<100xi32, #tpu.memory_space<vmem>>
      %dma_start3A_127 = arith.constant 0 : i32
      %dma_start3A_128 = arith.constant 0 : i32
      %dma_start3A_129 = tpu.memref_slice %arg2[%dma_start3A_127, %dma_start3A_128] : memref<10000x128xf32, #tpu.memory_space<hbm>> -> memref<10000x128xf32, #tpu.memory_space<hbm>>
      tpu.enqueue_indirect_dma source(%dma_start3A_129 : memref<10000x128xf32, #tpu.memory_space<hbm>>) target(%arg8 : memref<100x128xf32, #tpu.memory_space<vmem>>) offsets(%dma_start3A_126 : memref<100xi32, #tpu.memory_space<vmem>>) semaphore(%arg11 : memref<!tpu.dma_semaphore, #tpu.memory_space<semaphore_mem>>)
      %dma_wait3A_130 = arith.constant 0 : i32
      %dma_wait3A_131 = arith.constant 0 : i32
      %dma_wait3A_132 = tpu.memref_slice %arg6[%dma_wait3A_130, %dma_wait3A_131] : memref<50x100xi32, #tpu.memory_space<vmem>> -> memref<1x100xi32, #tpu.memory_space<vmem>>
      %dma_wait3A_133 = tpu.memref_squeeze %dma_wait3A_132 : memref<1x100xi32, #tpu.memory_space<vmem>> -> memref<100xi32, #tpu.memory_space<vmem>>
      %dma_wait3A_134 = arith.constant 0 : i32
      %dma_wait3A_135 = arith.constant 0 : i32
      %dma_wait3A_136 = tpu.memref_slice %arg2[%dma_wait3A_134, %dma_wait3A_135] : memref<10000x128xf32, #tpu.memory_space<hbm>> -> memref<10000x128xf32, #tpu.memory_space<hbm>>
      tpu.wait_indirect_dma semaphore(%arg12 : memref<!tpu.dma_semaphore, #tpu.memory_space<semaphore_mem>>) src(%dma_wait3A_136 : memref<10000x128xf32, #tpu.memory_space<hbm>>) dst(%arg9 : memref<100x128xf32, #tpu.memory_space<vmem>>)
      %add3A_137 = arith.constant 1 : i32
      %add3A_138 = arith.addi %mul3A_106, %add3A_137 : i32
      "tpu.region"() ({
        %run_scoped3A_140 = tpu.sem_alloc : memref<!tpu.dma_semaphore, #tpu.memory_space<semaphore_mem>>
        %dma_start3A_141 = arith.constant 0 : i32
        %dma_start3A_142 = tpu.memref_slice %arg7[%add3A_138, %dma_start3A_141] : memref<50x100xi32, #tpu.memory_space<vmem>> -> memref<1x100xi32, #tpu.memory_space<vmem>>
        %dma_start3A_143 = tpu.memref_squeeze %dma_start3A_142 : memref<1x100xi32, #tpu.memory_space<vmem>> -> memref<100xi32, #tpu.memory_space<vmem>>
        %dma_start3A_144 = arith.constant 0 : i32
        %dma_start3A_145 = arith.constant 0 : i32
        %dma_start3A_146 = tpu.memref_slice %arg10[%dma_start3A_144, %dma_start3A_145] : memref<10000x128xf32, #tpu.memory_space<vmem_shared>> -> memref<10000x128xf32, #tpu.memory_space<vmem_shared>>
        tpu.enqueue_indirect_dma source(%arg9 : memref<100x128xf32, #tpu.memory_space<vmem>>) target(%dma_start3A_146 : memref<10000x128xf32, #tpu.memory_space<vmem_shared>>) offsets(%dma_start3A_143 : memref<100xi32, #tpu.memory_space<vmem>>) semaphore(%run_scoped3A_140 : memref<!tpu.dma_semaphore, #tpu.memory_space<semaphore_mem>>) {add = true}
        %dma_wait3A_147 = arith.constant 0 : i32
        %dma_wait3A_148 = tpu.memref_slice %arg7[%add3A_138, %dma_wait3A_147] : memref<50x100xi32, #tpu.memory_space<vmem>> -> memref<1x100xi32, #tpu.memory_space<vmem>>
        %dma_wait3A_149 = tpu.memref_squeeze %dma_wait3A_148 : memref<1x100xi32, #tpu.memory_space<vmem>> -> memref<100xi32, #tpu.memory_space<vmem>>
        %dma_wait3A_150 = arith.constant 0 : i32
        %dma_wait3A_151 = arith.constant 0 : i32
        %dma_wait3A_152 = tpu.memref_slice %arg10[%dma_wait3A_150, %dma_wait3A_151] : memref<10000x128xf32, #tpu.memory_space<vmem_shared>> -> memref<10000x128xf32, #tpu.memory_space<vmem_shared>>
        tpu.wait_indirect_dma semaphore(%run_scoped3A_140 : memref<!tpu.dma_semaphore, #tpu.memory_space<semaphore_mem>>) src(%arg9 : memref<100x128xf32, #tpu.memory_space<vmem>>) dst(%dma_wait3A_152 : memref<10000x128xf32, #tpu.memory_space<vmem_shared>>)
        tpu.yield
      }) : () -> ()
      %scan3A_139 = arith.constant 0 : i32
      scf.yield %scan3A_139 : i32
    }
    %scan3A_38 = arith.constant 24 : i32
    %dma_start3A_39 = arith.constant 49 : i32
    %dma_start3A_40 = arith.constant 0 : i32
    %dma_start3A_41 = tpu.memref_slice %arg6[%dma_start3A_39, %dma_start3A_40] : memref<50x100xi32, #tpu.memory_space<vmem>> -> memref<1x100xi32, #tpu.memory_space<vmem>>
    %dma_start3A_42 = tpu.memref_squeeze %dma_start3A_41 : memref<1x100xi32, #tpu.memory_space<vmem>> -> memref<100xi32, #tpu.memory_space<vmem>>
    %dma_start3A_43 = arith.constant 0 : i32
    %dma_start3A_44 = arith.constant 0 : i32
    %dma_start3A_45 = tpu.memref_slice %arg2[%dma_start3A_43, %dma_start3A_44] : memref<10000x128xf32, #tpu.memory_space<hbm>> -> memref<10000x128xf32, #tpu.memory_space<hbm>>
    tpu.enqueue_indirect_dma source(%dma_start3A_45 : memref<10000x128xf32, #tpu.memory_space<hbm>>) target(%arg9 : memref<100x128xf32, #tpu.memory_space<vmem>>) offsets(%dma_start3A_42 : memref<100xi32, #tpu.memory_space<vmem>>) semaphore(%arg12 : memref<!tpu.dma_semaphore, #tpu.memory_space<semaphore_mem>>)
    %dma_wait3A = arith.constant 0 : i32
    %dma_wait3A_46 = arith.constant 0 : i32
    %dma_wait3A_47 = tpu.memref_slice %arg6[%dma_wait3A, %dma_wait3A_46] : memref<50x100xi32, #tpu.memory_space<vmem>> -> memref<1x100xi32, #tpu.memory_space<vmem>>
    %dma_wait3A_48 = tpu.memref_squeeze %dma_wait3A_47 : memref<1x100xi32, #tpu.memory_space<vmem>> -> memref<100xi32, #tpu.memory_space<vmem>>
    %dma_wait3A_49 = arith.constant 0 : i32
    %dma_wait3A_50 = arith.constant 0 : i32
    %dma_wait3A_51 = tpu.memref_slice %arg2[%dma_wait3A_49, %dma_wait3A_50] : memref<10000x128xf32, #tpu.memory_space<hbm>> -> memref<10000x128xf32, #tpu.memory_space<hbm>>
    tpu.wait_indirect_dma semaphore(%arg11 : memref<!tpu.dma_semaphore, #tpu.memory_space<semaphore_mem>>) src(%dma_wait3A_51 : memref<10000x128xf32, #tpu.memory_space<hbm>>) dst(%arg8 : memref<100x128xf32, #tpu.memory_space<vmem>>)
    %run_scoped3A_52 = arith.constant 48 : i32
    "tpu.region"() ({
      %run_scoped3A_103 = tpu.sem_alloc : memref<!tpu.dma_semaphore, #tpu.memory_space<semaphore_mem>>
      %dma_start3A_104 = arith.constant 0 : i32
      %dma_start3A_105 = tpu.memref_slice %arg7[%run_scoped3A_52, %dma_start3A_104] : memref<50x100xi32, #tpu.memory_space<vmem>> -> memref<1x100xi32, #tpu.memory_space<vmem>>
      %dma_start3A_106 = tpu.memref_squeeze %dma_start3A_105 : memref<1x100xi32, #tpu.memory_space<vmem>> -> memref<100xi32, #tpu.memory_space<vmem>>
      %dma_start3A_107 = arith.constant 0 : i32
      %dma_start3A_108 = arith.constant 0 : i32
      %dma_start3A_109 = tpu.memref_slice %arg10[%dma_start3A_107, %dma_start3A_108] : memref<10000x128xf32, #tpu.memory_space<vmem_shared>> -> memref<10000x128xf32, #tpu.memory_space<vmem_shared>>
      tpu.enqueue_indirect_dma source(%arg8 : memref<100x128xf32, #tpu.memory_space<vmem>>) target(%dma_start3A_109 : memref<10000x128xf32, #tpu.memory_space<vmem_shared>>) offsets(%dma_start3A_106 : memref<100xi32, #tpu.memory_space<vmem>>) semaphore(%run_scoped3A_103 : memref<!tpu.dma_semaphore, #tpu.memory_space<semaphore_mem>>) {add = true}
      %dma_wait3A_110 = arith.constant 0 : i32
      %dma_wait3A_111 = tpu.memref_slice %arg7[%run_scoped3A_52, %dma_wait3A_110] : memref<50x100xi32, #tpu.memory_space<vmem>> -> memref<1x100xi32, #tpu.memory_space<vmem>>
      %dma_wait3A_112 = tpu.memref_squeeze %dma_wait3A_111 : memref<1x100xi32, #tpu.memory_space<vmem>> -> memref<100xi32, #tpu.memory_space<vmem>>
      %dma_wait3A_113 = arith.constant 0 : i32
      %dma_wait3A_114 = arith.constant 0 : i32
      %dma_wait3A_115 = tpu.memref_slice %arg10[%dma_wait3A_113, %dma_wait3A_114] : memref<10000x128xf32, #tpu.memory_space<vmem_shared>> -> memref<10000x128xf32, #tpu.memory_space<vmem_shared>>
      tpu.wait_indirect_dma semaphore(%run_scoped3A_103 : memref<!tpu.dma_semaphore, #tpu.memory_space<semaphore_mem>>) src(%arg8 : memref<100x128xf32, #tpu.memory_space<vmem>>) dst(%dma_wait3A_115 : memref<10000x128xf32, #tpu.memory_space<vmem_shared>>)
      tpu.yield
    }) : () -> ()
    %dma_wait3A_53 = arith.constant 0 : i32
    %dma_wait3A_54 = arith.constant 0 : i32
    %dma_wait3A_55 = tpu.memref_slice %arg6[%dma_wait3A_53, %dma_wait3A_54] : memref<50x100xi32, #tpu.memory_space<vmem>> -> memref<1x100xi32, #tpu.memory_space<vmem>>
    %dma_wait3A_56 = tpu.memref_squeeze %dma_wait3A_55 : memref<1x100xi32, #tpu.memory_space<vmem>> -> memref<100xi32, #tpu.memory_space<vmem>>
    %dma_wait3A_57 = arith.constant 0 : i32
    %dma_wait3A_58 = arith.constant 0 : i32
    %dma_wait3A_59 = tpu.memref_slice %arg2[%dma_wait3A_57, %dma_wait3A_58] : memref<10000x128xf32, #tpu.memory_space<hbm>> -> memref<10000x128xf32, #tpu.memory_space<hbm>>
    tpu.wait_indirect_dma semaphore(%arg12 : memref<!tpu.dma_semaphore, #tpu.memory_space<semaphore_mem>>) src(%dma_wait3A_59 : memref<10000x128xf32, #tpu.memory_space<hbm>>) dst(%arg9 : memref<100x128xf32, #tpu.memory_space<vmem>>)
    %run_scoped3A_60 = arith.constant 49 : i32
    "tpu.region"() ({
      %run_scoped3A_103 = tpu.sem_alloc : memref<!tpu.dma_semaphore, #tpu.memory_space<semaphore_mem>>
      %dma_start3A_104 = arith.constant 0 : i32
      %dma_start3A_105 = tpu.memref_slice %arg7[%run_scoped3A_60, %dma_start3A_104] : memref<50x100xi32, #tpu.memory_space<vmem>> -> memref<1x100xi32, #tpu.memory_space<vmem>>
      %dma_start3A_106 = tpu.memref_squeeze %dma_start3A_105 : memref<1x100xi32, #tpu.memory_space<vmem>> -> memref<100xi32, #tpu.memory_space<vmem>>
      %dma_start3A_107 = arith.constant 0 : i32
      %dma_start3A_108 = arith.constant 0 : i32
      %dma_start3A_109 = tpu.memref_slice %arg10[%dma_start3A_107, %dma_start3A_108] : memref<10000x128xf32, #tpu.memory_space<vmem_shared>> -> memref<10000x128xf32, #tpu.memory_space<vmem_shared>>
      tpu.enqueue_indirect_dma source(%arg9 : memref<100x128xf32, #tpu.memory_space<vmem>>) target(%dma_start3A_109 : memref<10000x128xf32, #tpu.memory_space<vmem_shared>>) offsets(%dma_start3A_106 : memref<100xi32, #tpu.memory_space<vmem>>) semaphore(%run_scoped3A_103 : memref<!tpu.dma_semaphore, #tpu.memory_space<semaphore_mem>>) {add = true}
      %dma_wait3A_110 = arith.constant 0 : i32
      %dma_wait3A_111 = tpu.memref_slice %arg7[%run_scoped3A_60, %dma_wait3A_110] : memref<50x100xi32, #tpu.memory_space<vmem>> -> memref<1x100xi32, #tpu.memory_space<vmem>>
      %dma_wait3A_112 = tpu.memref_squeeze %dma_wait3A_111 : memref<1x100xi32, #tpu.memory_space<vmem>> -> memref<100xi32, #tpu.memory_space<vmem>>
      %dma_wait3A_113 = arith.constant 0 : i32
      %dma_wait3A_114 = arith.constant 0 : i32
      %dma_wait3A_115 = tpu.memref_slice %arg10[%dma_wait3A_113, %dma_wait3A_114] : memref<10000x128xf32, #tpu.memory_space<vmem_shared>> -> memref<10000x128xf32, #tpu.memory_space<vmem_shared>>
      tpu.wait_indirect_dma semaphore(%run_scoped3A_103 : memref<!tpu.dma_semaphore, #tpu.memory_space<semaphore_mem>>) src(%arg9 : memref<100x128xf32, #tpu.memory_space<vmem>>) dst(%dma_wait3A_115 : memref<10000x128xf32, #tpu.memory_space<vmem_shared>>)
      tpu.yield
    }) : () -> ()
    %run_scoped3A_61 = arith.constant 1 : i32
    "tpu.region"() ({
      %run_scoped3A_103 = tpu.sem_alloc : memref<!tpu.dma_semaphore, #tpu.memory_space<semaphore_mem>>
      %dma_start3A_104 = arith.constant 0 : i32
      %dma_start3A_105 = arith.constant 0 : i32
      %dma_start3A_106 = tpu.memref_slice %arg3[%add3A, %run_scoped3A_61, %dma_start3A_104, %dma_start3A_105] : memref<32x2x50x100xi32, #tpu.memory_space<hbm>> -> memref<1x1x50x100xi32, #tpu.memory_space<hbm>>
      %dma_start3A_107 = tpu.memref_squeeze %dma_start3A_106 : memref<1x1x50x100xi32, #tpu.memory_space<hbm>> -> memref<50x100xi32, #tpu.memory_space<hbm>>
      %dma_start3A_108 = arith.constant 0 : i32
      %dma_start3A_109 = arith.constant 0 : i32
      %dma_start3A_110 = tpu.memref_slice %arg3[%add3A, %run_scoped3A_61, %dma_start3A_108, %dma_start3A_109] : memref<32x2x50x100xi32, #tpu.memory_space<hbm>> -> memref<1x1x50x100xi32, #tpu.memory_space<hbm>>
      %dma_start3A_111 = tpu.memref_squeeze %dma_start3A_110 : memref<1x1x50x100xi32, #tpu.memory_space<hbm>> -> memref<50x100xi32, #tpu.memory_space<hbm>>
      tpu.enqueue_dma source(%dma_start3A_111 : memref<50x100xi32, #tpu.memory_space<hbm>>) target(%arg6 : memref<50x100xi32, #tpu.memory_space<vmem>>) target_semaphore(%run_scoped3A_103 : memref<!tpu.dma_semaphore, #tpu.memory_space<semaphore_mem>>)
      %dma_wait3A_112 = arith.constant 0 : i32
      %dma_wait3A_113 = arith.constant 0 : i32
      %dma_wait3A_114 = tpu.memref_slice %arg3[%add3A, %run_scoped3A_61, %dma_wait3A_112, %dma_wait3A_113] : memref<32x2x50x100xi32, #tpu.memory_space<hbm>> -> memref<1x1x50x100xi32, #tpu.memory_space<hbm>>
      %dma_wait3A_115 = tpu.memref_squeeze %dma_wait3A_114 : memref<1x1x50x100xi32, #tpu.memory_space<hbm>> -> memref<50x100xi32, #tpu.memory_space<hbm>>
      %dma_wait3A_116 = arith.constant 0 : i32
      %dma_wait3A_117 = arith.constant 0 : i32
      %dma_wait3A_118 = tpu.memref_slice %arg3[%add3A, %run_scoped3A_61, %dma_wait3A_116, %dma_wait3A_117] : memref<32x2x50x100xi32, #tpu.memory_space<hbm>> -> memref<1x1x50x100xi32, #tpu.memory_space<hbm>>
      %dma_wait3A_119 = tpu.memref_squeeze %dma_wait3A_118 : memref<1x1x50x100xi32, #tpu.memory_space<hbm>> -> memref<50x100xi32, #tpu.memory_space<hbm>>
      tpu.wait_dma2 semaphore(%run_scoped3A_103 : memref<!tpu.dma_semaphore, #tpu.memory_space<semaphore_mem>>) src(%dma_wait3A_119 : memref<50x100xi32, #tpu.memory_space<hbm>>) dst(%arg6 : memref<50x100xi32, #tpu.memory_space<vmem>>)
      tpu.yield
    }) : () -> ()
    %run_scoped3A_62 = arith.constant 1 : i32
    "tpu.region"() ({
      %run_scoped3A_103 = tpu.sem_alloc : memref<!tpu.dma_semaphore, #tpu.memory_space<semaphore_mem>>
      %dma_start3A_104 = arith.constant 0 : i32
      %dma_start3A_105 = arith.constant 0 : i32
      %dma_start3A_106 = tpu.memref_slice %arg4[%add3A, %run_scoped3A_62, %dma_start3A_104, %dma_start3A_105] : memref<32x2x50x100xi32, #tpu.memory_space<hbm>> -> memref<1x1x50x100xi32, #tpu.memory_space<hbm>>
      %dma_start3A_107 = tpu.memref_squeeze %dma_start3A_106 : memref<1x1x50x100xi32, #tpu.memory_space<hbm>> -> memref<50x100xi32, #tpu.memory_space<hbm>>
      %dma_start3A_108 = arith.constant 0 : i32
      %dma_start3A_109 = arith.constant 0 : i32
      %dma_start3A_110 = tpu.memref_slice %arg4[%add3A, %run_scoped3A_62, %dma_start3A_108, %dma_start3A_109] : memref<32x2x50x100xi32, #tpu.memory_space<hbm>> -> memref<1x1x50x100xi32, #tpu.memory_space<hbm>>
      %dma_start3A_111 = tpu.memref_squeeze %dma_start3A_110 : memref<1x1x50x100xi32, #tpu.memory_space<hbm>> -> memref<50x100xi32, #tpu.memory_space<hbm>>
      tpu.enqueue_dma source(%dma_start3A_111 : memref<50x100xi32, #tpu.memory_space<hbm>>) target(%arg7 : memref<50x100xi32, #tpu.memory_space<vmem>>) target_semaphore(%run_scoped3A_103 : memref<!tpu.dma_semaphore, #tpu.memory_space<semaphore_mem>>)
      %dma_wait3A_112 = arith.constant 0 : i32
      %dma_wait3A_113 = arith.constant 0 : i32
      %dma_wait3A_114 = tpu.memref_slice %arg4[%add3A, %run_scoped3A_62, %dma_wait3A_112, %dma_wait3A_113] : memref<32x2x50x100xi32, #tpu.memory_space<hbm>> -> memref<1x1x50x100xi32, #tpu.memory_space<hbm>>
      %dma_wait3A_115 = tpu.memref_squeeze %dma_wait3A_114 : memref<1x1x50x100xi32, #tpu.memory_space<hbm>> -> memref<50x100xi32, #tpu.memory_space<hbm>>
      %dma_wait3A_116 = arith.constant 0 : i32
      %dma_wait3A_117 = arith.constant 0 : i32
      %dma_wait3A_118 = tpu.memref_slice %arg4[%add3A, %run_scoped3A_62, %dma_wait3A_116, %dma_wait3A_117] : memref<32x2x50x100xi32, #tpu.memory_space<hbm>> -> memref<1x1x50x100xi32, #tpu.memory_space<hbm>>
      %dma_wait3A_119 = tpu.memref_squeeze %dma_wait3A_118 : memref<1x1x50x100xi32, #tpu.memory_space<hbm>> -> memref<50x100xi32, #tpu.memory_space<hbm>>
      tpu.wait_dma2 semaphore(%run_scoped3A_103 : memref<!tpu.dma_semaphore, #tpu.memory_space<semaphore_mem>>) src(%dma_wait3A_119 : memref<50x100xi32, #tpu.memory_space<hbm>>) dst(%arg7 : memref<50x100xi32, #tpu.memory_space<vmem>>)
      tpu.yield
    }) : () -> ()
    %dma_start3A_63 = arith.constant 0 : i32
    %dma_start3A_64 = arith.constant 0 : i32
    %dma_start3A_65 = tpu.memref_slice %arg6[%dma_start3A_63, %dma_start3A_64] : memref<50x100xi32, #tpu.memory_space<vmem>> -> memref<1x100xi32, #tpu.memory_space<vmem>>
    %dma_start3A_66 = tpu.memref_squeeze %dma_start3A_65 : memref<1x100xi32, #tpu.memory_space<vmem>> -> memref<100xi32, #tpu.memory_space<vmem>>
    %dma_start3A_67 = arith.constant 0 : i32
    %dma_start3A_68 = arith.constant 0 : i32
    %dma_start3A_69 = tpu.memref_slice %arg2[%dma_start3A_67, %dma_start3A_68] : memref<10000x128xf32, #tpu.memory_space<hbm>> -> memref<10000x128xf32, #tpu.memory_space<hbm>>
    tpu.enqueue_indirect_dma source(%dma_start3A_69 : memref<10000x128xf32, #tpu.memory_space<hbm>>) target(%arg8 : memref<100x128xf32, #tpu.memory_space<vmem>>) offsets(%dma_start3A_66 : memref<100xi32, #tpu.memory_space<vmem>>) semaphore(%arg11 : memref<!tpu.dma_semaphore, #tpu.memory_space<semaphore_mem>>)
    %scan3A_70 = arith.constant 0 : i32
    %scan3A_71 = arith.constant 0 : i32
    %scan3A_72 = arith.constant 24 : i32
    %scan3A_73 = arith.addi %scan3A_71, %scan3A_72 : i32
    %scan3A_74 = arith.constant 1 : i32
    %scan3A_75 = scf.for %scan3A_103 = %scan3A_71 to %scan3A_73 step %scan3A_74 iter_args(%scan3A_104 = %scan3A_70) -> (i32)  : i32 {
      %mul3A_105 = arith.constant 2 : i32
      %mul3A_106 = arith.muli %mul3A_105, %scan3A_103 : i32
      %add3A_107 = arith.constant 1 : i32
      %add3A_108 = arith.addi %mul3A_106, %add3A_107 : i32
      %dma_start3A_109 = arith.constant 0 : i32
      %dma_start3A_110 = tpu.memref_slice %arg6[%add3A_108, %dma_start3A_109] : memref<50x100xi32, #tpu.memory_space<vmem>> -> memref<1x100xi32, #tpu.memory_space<vmem>>
      %dma_start3A_111 = tpu.memref_squeeze %dma_start3A_110 : memref<1x100xi32, #tpu.memory_space<vmem>> -> memref<100xi32, #tpu.memory_space<vmem>>
      %dma_start3A_112 = arith.constant 0 : i32
      %dma_start3A_113 = arith.constant 0 : i32
      %dma_start3A_114 = tpu.memref_slice %arg2[%dma_start3A_112, %dma_start3A_113] : memref<10000x128xf32, #tpu.memory_space<hbm>> -> memref<10000x128xf32, #tpu.memory_space<hbm>>
      tpu.enqueue_indirect_dma source(%dma_start3A_114 : memref<10000x128xf32, #tpu.memory_space<hbm>>) target(%arg9 : memref<100x128xf32, #tpu.memory_space<vmem>>) offsets(%dma_start3A_111 : memref<100xi32, #tpu.memory_space<vmem>>) semaphore(%arg12 : memref<!tpu.dma_semaphore, #tpu.memory_space<semaphore_mem>>)
      %dma_wait3A_115 = arith.constant 0 : i32
      %dma_wait3A_116 = arith.constant 0 : i32
      %dma_wait3A_117 = tpu.memref_slice %arg6[%dma_wait3A_115, %dma_wait3A_116] : memref<50x100xi32, #tpu.memory_space<vmem>> -> memref<1x100xi32, #tpu.memory_space<vmem>>
      %dma_wait3A_118 = tpu.memref_squeeze %dma_wait3A_117 : memref<1x100xi32, #tpu.memory_space<vmem>> -> memref<100xi32, #tpu.memory_space<vmem>>
      %dma_wait3A_119 = arith.constant 0 : i32
      %dma_wait3A_120 = arith.constant 0 : i32
      %dma_wait3A_121 = tpu.memref_slice %arg2[%dma_wait3A_119, %dma_wait3A_120] : memref<10000x128xf32, #tpu.memory_space<hbm>> -> memref<10000x128xf32, #tpu.memory_space<hbm>>
      tpu.wait_indirect_dma semaphore(%arg11 : memref<!tpu.dma_semaphore, #tpu.memory_space<semaphore_mem>>) src(%dma_wait3A_121 : memref<10000x128xf32, #tpu.memory_space<hbm>>) dst(%arg8 : memref<100x128xf32, #tpu.memory_space<vmem>>)
      "tpu.region"() ({
        %run_scoped3A_140 = tpu.sem_alloc : memref<!tpu.dma_semaphore, #tpu.memory_space<semaphore_mem>>
        %dma_start3A_141 = arith.constant 0 : i32
        %dma_start3A_142 = tpu.memref_slice %arg7[%mul3A_106, %dma_start3A_141] : memref<50x100xi32, #tpu.memory_space<vmem>> -> memref<1x100xi32, #tpu.memory_space<vmem>>
        %dma_start3A_143 = tpu.memref_squeeze %dma_start3A_142 : memref<1x100xi32, #tpu.memory_space<vmem>> -> memref<100xi32, #tpu.memory_space<vmem>>
        %dma_start3A_144 = arith.constant 0 : i32
        %dma_start3A_145 = arith.constant 0 : i32
        %dma_start3A_146 = tpu.memref_slice %arg10[%dma_start3A_144, %dma_start3A_145] : memref<10000x128xf32, #tpu.memory_space<vmem_shared>> -> memref<10000x128xf32, #tpu.memory_space<vmem_shared>>
        tpu.enqueue_indirect_dma source(%arg8 : memref<100x128xf32, #tpu.memory_space<vmem>>) target(%dma_start3A_146 : memref<10000x128xf32, #tpu.memory_space<vmem_shared>>) offsets(%dma_start3A_143 : memref<100xi32, #tpu.memory_space<vmem>>) semaphore(%run_scoped3A_140 : memref<!tpu.dma_semaphore, #tpu.memory_space<semaphore_mem>>) {add = true}
        %dma_wait3A_147 = arith.constant 0 : i32
        %dma_wait3A_148 = tpu.memref_slice %arg7[%mul3A_106, %dma_wait3A_147] : memref<50x100xi32, #tpu.memory_space<vmem>> -> memref<1x100xi32, #tpu.memory_space<vmem>>
        %dma_wait3A_149 = tpu.memref_squeeze %dma_wait3A_148 : memref<1x100xi32, #tpu.memory_space<vmem>> -> memref<100xi32, #tpu.memory_space<vmem>>
        %dma_wait3A_150 = arith.constant 0 : i32
        %dma_wait3A_151 = arith.constant 0 : i32
        %dma_wait3A_152 = tpu.memref_slice %arg10[%dma_wait3A_150, %dma_wait3A_151] : memref<10000x128xf32, #tpu.memory_space<vmem_shared>> -> memref<10000x128xf32, #tpu.memory_space<vmem_shared>>
        tpu.wait_indirect_dma semaphore(%run_scoped3A_140 : memref<!tpu.dma_semaphore, #tpu.memory_space<semaphore_mem>>) src(%arg8 : memref<100x128xf32, #tpu.memory_space<vmem>>) dst(%dma_wait3A_152 : memref<10000x128xf32, #tpu.memory_space<vmem_shared>>)
        tpu.yield
      }) : () -> ()
      %add3A_122 = arith.constant 2 : i32
      %add3A_123 = arith.addi %mul3A_106, %add3A_122 : i32
      %dma_start3A_124 = arith.constant 0 : i32
      %dma_start3A_125 = tpu.memref_slice %arg6[%add3A_123, %dma_start3A_124] : memref<50x100xi32, #tpu.memory_space<vmem>> -> memref<1x100xi32, #tpu.memory_space<vmem>>
      %dma_start3A_126 = tpu.memref_squeeze %dma_start3A_125 : memref<1x100xi32, #tpu.memory_space<vmem>> -> memref<100xi32, #tpu.memory_space<vmem>>
      %dma_start3A_127 = arith.constant 0 : i32
      %dma_start3A_128 = arith.constant 0 : i32
      %dma_start3A_129 = tpu.memref_slice %arg2[%dma_start3A_127, %dma_start3A_128] : memref<10000x128xf32, #tpu.memory_space<hbm>> -> memref<10000x128xf32, #tpu.memory_space<hbm>>
      tpu.enqueue_indirect_dma source(%dma_start3A_129 : memref<10000x128xf32, #tpu.memory_space<hbm>>) target(%arg8 : memref<100x128xf32, #tpu.memory_space<vmem>>) offsets(%dma_start3A_126 : memref<100xi32, #tpu.memory_space<vmem>>) semaphore(%arg11 : memref<!tpu.dma_semaphore, #tpu.memory_space<semaphore_mem>>)
      %dma_wait3A_130 = arith.constant 0 : i32
      %dma_wait3A_131 = arith.constant 0 : i32
      %dma_wait3A_132 = tpu.memref_slice %arg6[%dma_wait3A_130, %dma_wait3A_131] : memref<50x100xi32, #tpu.memory_space<vmem>> -> memref<1x100xi32, #tpu.memory_space<vmem>>
      %dma_wait3A_133 = tpu.memref_squeeze %dma_wait3A_132 : memref<1x100xi32, #tpu.memory_space<vmem>> -> memref<100xi32, #tpu.memory_space<vmem>>
      %dma_wait3A_134 = arith.constant 0 : i32
      %dma_wait3A_135 = arith.constant 0 : i32
      %dma_wait3A_136 = tpu.memref_slice %arg2[%dma_wait3A_134, %dma_wait3A_135] : memref<10000x128xf32, #tpu.memory_space<hbm>> -> memref<10000x128xf32, #tpu.memory_space<hbm>>
      tpu.wait_indirect_dma semaphore(%arg12 : memref<!tpu.dma_semaphore, #tpu.memory_space<semaphore_mem>>) src(%dma_wait3A_136 : memref<10000x128xf32, #tpu.memory_space<hbm>>) dst(%arg9 : memref<100x128xf32, #tpu.memory_space<vmem>>)
      %add3A_137 = arith.constant 1 : i32
      %add3A_138 = arith.addi %mul3A_106, %add3A_137 : i32
      "tpu.region"() ({
        %run_scoped3A_140 = tpu.sem_alloc : memref<!tpu.dma_semaphore, #tpu.memory_space<semaphore_mem>>
        %dma_start3A_141 = arith.constant 0 : i32
        %dma_start3A_142 = tpu.memref_slice %arg7[%add3A_138, %dma_start3A_141] : memref<50x100xi32, #tpu.memory_space<vmem>> -> memref<1x100xi32, #tpu.memory_space<vmem>>
        %dma_start3A_143 = tpu.memref_squeeze %dma_start3A_142 : memref<1x100xi32, #tpu.memory_space<vmem>> -> memref<100xi32, #tpu.memory_space<vmem>>
        %dma_start3A_144 = arith.constant 0 : i32
        %dma_start3A_145 = arith.constant 0 : i32
        %dma_start3A_146 = tpu.memref_slice %arg10[%dma_start3A_144, %dma_start3A_145] : memref<10000x128xf32, #tpu.memory_space<vmem_shared>> -> memref<10000x128xf32, #tpu.memory_space<vmem_shared>>
        tpu.enqueue_indirect_dma source(%arg9 : memref<100x128xf32, #tpu.memory_space<vmem>>) target(%dma_start3A_146 : memref<10000x128xf32, #tpu.memory_space<vmem_shared>>) offsets(%dma_start3A_143 : memref<100xi32, #tpu.memory_space<vmem>>) semaphore(%run_scoped3A_140 : memref<!tpu.dma_semaphore, #tpu.memory_space<semaphore_mem>>) {add = true}
        %dma_wait3A_147 = arith.constant 0 : i32
        %dma_wait3A_148 = tpu.memref_slice %arg7[%add3A_138, %dma_wait3A_147] : memref<50x100xi32, #tpu.memory_space<vmem>> -> memref<1x100xi32, #tpu.memory_space<vmem>>
        %dma_wait3A_149 = tpu.memref_squeeze %dma_wait3A_148 : memref<1x100xi32, #tpu.memory_space<vmem>> -> memref<100xi32, #tpu.memory_space<vmem>>
        %dma_wait3A_150 = arith.constant 0 : i32
        %dma_wait3A_151 = arith.constant 0 : i32
        %dma_wait3A_152 = tpu.memref_slice %arg10[%dma_wait3A_150, %dma_wait3A_151] : memref<10000x128xf32, #tpu.memory_space<vmem_shared>> -> memref<10000x128xf32, #tpu.memory_space<vmem_shared>>
        tpu.wait_indirect_dma semaphore(%run_scoped3A_140 : memref<!tpu.dma_semaphore, #tpu.memory_space<semaphore_mem>>) src(%arg9 : memref<100x128xf32, #tpu.memory_space<vmem>>) dst(%dma_wait3A_152 : memref<10000x128xf32, #tpu.memory_space<vmem_shared>>)
        tpu.yield
      }) : () -> ()
      %scan3A_139 = arith.constant 0 : i32
      scf.yield %scan3A_139 : i32
    }
    %scan3A_76 = arith.constant 24 : i32
    %dma_start3A_77 = arith.constant 49 : i32
    %dma_start3A_78 = arith.constant 0 : i32
    %dma_start3A_79 = tpu.memref_slice %arg6[%dma_start3A_77, %dma_start3A_78] : memref<50x100xi32, #tpu.memory_space<vmem>> -> memref<1x100xi32, #tpu.memory_space<vmem>>
    %dma_start3A_80 = tpu.memref_squeeze %dma_start3A_79 : memref<1x100xi32, #tpu.memory_space<vmem>> -> memref<100xi32, #tpu.memory_space<vmem>>
    %dma_start3A_81 = arith.constant 0 : i32
    %dma_start3A_82 = arith.constant 0 : i32
    %dma_start3A_83 = tpu.memref_slice %arg2[%dma_start3A_81, %dma_start3A_82] : memref<10000x128xf32, #tpu.memory_space<hbm>> -> memref<10000x128xf32, #tpu.memory_space<hbm>>
    tpu.enqueue_indirect_dma source(%dma_start3A_83 : memref<10000x128xf32, #tpu.memory_space<hbm>>) target(%arg9 : memref<100x128xf32, #tpu.memory_space<vmem>>) offsets(%dma_start3A_80 : memref<100xi32, #tpu.memory_space<vmem>>) semaphore(%arg12 : memref<!tpu.dma_semaphore, #tpu.memory_space<semaphore_mem>>)
    %dma_wait3A_84 = arith.constant 0 : i32
    %dma_wait3A_85 = arith.constant 0 : i32
    %dma_wait3A_86 = tpu.memref_slice %arg6[%dma_wait3A_84, %dma_wait3A_85] : memref<50x100xi32, #tpu.memory_space<vmem>> -> memref<1x100xi32, #tpu.memory_space<vmem>>
    %dma_wait3A_87 = tpu.memref_squeeze %dma_wait3A_86 : memref<1x100xi32, #tpu.memory_space<vmem>> -> memref<100xi32, #tpu.memory_space<vmem>>
    %dma_wait3A_88 = arith.constant 0 : i32
    %dma_wait3A_89 = arith.constant 0 : i32
    %dma_wait3A_90 = tpu.memref_slice %arg2[%dma_wait3A_88, %dma_wait3A_89] : memref<10000x128xf32, #tpu.memory_space<hbm>> -> memref<10000x128xf32, #tpu.memory_space<hbm>>
    tpu.wait_indirect_dma semaphore(%arg11 : memref<!tpu.dma_semaphore, #tpu.memory_space<semaphore_mem>>) src(%dma_wait3A_90 : memref<10000x128xf32, #tpu.memory_space<hbm>>) dst(%arg8 : memref<100x128xf32, #tpu.memory_space<vmem>>)
    %run_scoped3A_91 = arith.constant 48 : i32
    "tpu.region"() ({
      %run_scoped3A_103 = tpu.sem_alloc : memref<!tpu.dma_semaphore, #tpu.memory_space<semaphore_mem>>
      %dma_start3A_104 = arith.constant 0 : i32
      %dma_start3A_105 = tpu.memref_slice %arg7[%run_scoped3A_91, %dma_start3A_104] : memref<50x100xi32, #tpu.memory_space<vmem>> -> memref<1x100xi32, #tpu.memory_space<vmem>>
      %dma_start3A_106 = tpu.memref_squeeze %dma_start3A_105 : memref<1x100xi32, #tpu.memory_space<vmem>> -> memref<100xi32, #tpu.memory_space<vmem>>
      %dma_start3A_107 = arith.constant 0 : i32
      %dma_start3A_108 = arith.constant 0 : i32
      %dma_start3A_109 = tpu.memref_slice %arg10[%dma_start3A_107, %dma_start3A_108] : memref<10000x128xf32, #tpu.memory_space<vmem_shared>> -> memref<10000x128xf32, #tpu.memory_space<vmem_shared>>
      tpu.enqueue_indirect_dma source(%arg8 : memref<100x128xf32, #tpu.memory_space<vmem>>) target(%dma_start3A_109 : memref<10000x128xf32, #tpu.memory_space<vmem_shared>>) offsets(%dma_start3A_106 : memref<100xi32, #tpu.memory_space<vmem>>) semaphore(%run_scoped3A_103 : memref<!tpu.dma_semaphore, #tpu.memory_space<semaphore_mem>>) {add = true}
      %dma_wait3A_110 = arith.constant 0 : i32
      %dma_wait3A_111 = tpu.memref_slice %arg7[%run_scoped3A_91, %dma_wait3A_110] : memref<50x100xi32, #tpu.memory_space<vmem>> -> memref<1x100xi32, #tpu.memory_space<vmem>>
      %dma_wait3A_112 = tpu.memref_squeeze %dma_wait3A_111 : memref<1x100xi32, #tpu.memory_space<vmem>> -> memref<100xi32, #tpu.memory_space<vmem>>
      %dma_wait3A_113 = arith.constant 0 : i32
      %dma_wait3A_114 = arith.constant 0 : i32
      %dma_wait3A_115 = tpu.memref_slice %arg10[%dma_wait3A_113, %dma_wait3A_114] : memref<10000x128xf32, #tpu.memory_space<vmem_shared>> -> memref<10000x128xf32, #tpu.memory_space<vmem_shared>>
      tpu.wait_indirect_dma semaphore(%run_scoped3A_103 : memref<!tpu.dma_semaphore, #tpu.memory_space<semaphore_mem>>) src(%arg8 : memref<100x128xf32, #tpu.memory_space<vmem>>) dst(%dma_wait3A_115 : memref<10000x128xf32, #tpu.memory_space<vmem_shared>>)
      tpu.yield
    }) : () -> ()
    %dma_wait3A_92 = arith.constant 0 : i32
    %dma_wait3A_93 = arith.constant 0 : i32
    %dma_wait3A_94 = tpu.memref_slice %arg6[%dma_wait3A_92, %dma_wait3A_93] : memref<50x100xi32, #tpu.memory_space<vmem>> -> memref<1x100xi32, #tpu.memory_space<vmem>>
    %dma_wait3A_95 = tpu.memref_squeeze %dma_wait3A_94 : memref<1x100xi32, #tpu.memory_space<vmem>> -> memref<100xi32, #tpu.memory_space<vmem>>
    %dma_wait3A_96 = arith.constant 0 : i32
    %dma_wait3A_97 = arith.constant 0 : i32
    %dma_wait3A_98 = tpu.memref_slice %arg2[%dma_wait3A_96, %dma_wait3A_97] : memref<10000x128xf32, #tpu.memory_space<hbm>> -> memref<10000x128xf32, #tpu.memory_space<hbm>>
    tpu.wait_indirect_dma semaphore(%arg12 : memref<!tpu.dma_semaphore, #tpu.memory_space<semaphore_mem>>) src(%dma_wait3A_98 : memref<10000x128xf32, #tpu.memory_space<hbm>>) dst(%arg9 : memref<100x128xf32, #tpu.memory_space<vmem>>)
    %run_scoped3A_99 = arith.constant 49 : i32
    "tpu.region"() ({
      %run_scoped3A_103 = tpu.sem_alloc : memref<!tpu.dma_semaphore, #tpu.memory_space<semaphore_mem>>
      %dma_start3A_104 = arith.constant 0 : i32
      %dma_start3A_105 = tpu.memref_slice %arg7[%run_scoped3A_99, %dma_start3A_104] : memref<50x100xi32, #tpu.memory_space<vmem>> -> memref<1x100xi32, #tpu.memory_space<vmem>>
      %dma_start3A_106 = tpu.memref_squeeze %dma_start3A_105 : memref<1x100xi32, #tpu.memory_space<vmem>> -> memref<100xi32, #tpu.memory_space<vmem>>
      %dma_start3A_107 = arith.constant 0 : i32
      %dma_start3A_108 = arith.constant 0 : i32
      %dma_start3A_109 = tpu.memref_slice %arg10[%dma_start3A_107, %dma_start3A_108] : memref<10000x128xf32, #tpu.memory_space<vmem_shared>> -> memref<10000x128xf32, #tpu.memory_space<vmem_shared>>
      tpu.enqueue_indirect_dma source(%arg9 : memref<100x128xf32, #tpu.memory_space<vmem>>) target(%dma_start3A_109 : memref<10000x128xf32, #tpu.memory_space<vmem_shared>>) offsets(%dma_start3A_106 : memref<100xi32, #tpu.memory_space<vmem>>) semaphore(%run_scoped3A_103 : memref<!tpu.dma_semaphore, #tpu.memory_space<semaphore_mem>>) {add = true}
      %dma_wait3A_110 = arith.constant 0 : i32
      %dma_wait3A_111 = tpu.memref_slice %arg7[%run_scoped3A_99, %dma_wait3A_110] : memref<50x100xi32, #tpu.memory_space<vmem>> -> memref<1x100xi32, #tpu.memory_space<vmem>>
      %dma_wait3A_112 = tpu.memref_squeeze %dma_wait3A_111 : memref<1x100xi32, #tpu.memory_space<vmem>> -> memref<100xi32, #tpu.memory_space<vmem>>
      %dma_wait3A_113 = arith.constant 0 : i32
      %dma_wait3A_114 = arith.constant 0 : i32
      %dma_wait3A_115 = tpu.memref_slice %arg10[%dma_wait3A_113, %dma_wait3A_114] : memref<10000x128xf32, #tpu.memory_space<vmem_shared>> -> memref<10000x128xf32, #tpu.memory_space<vmem_shared>>
      tpu.wait_indirect_dma semaphore(%run_scoped3A_103 : memref<!tpu.dma_semaphore, #tpu.memory_space<semaphore_mem>>) src(%arg9 : memref<100x128xf32, #tpu.memory_space<vmem>>) dst(%dma_wait3A_115 : memref<10000x128xf32, #tpu.memory_space<vmem_shared>>)
      tpu.yield
    }) : () -> ()
    %barrier3A_100 = arith.constant 0 : index
    tpu.barrier barrier_id(%barrier3A_100)
    %mul3A_101 = arith.constant 625 : i32
    %mul3A_102 = arith.muli %arg1, %mul3A_101 : i32
    "tpu.region"() ({
      %run_scoped3A_103 = tpu.sem_alloc : memref<!tpu.dma_semaphore, #tpu.memory_space<semaphore_mem>>
      %dma_start3A_104 = arith.constant 0 : i32
      %dma_start3A_105 = arith.constant 0 : i32
      %dma_start3A_106 = tpu.memref_slice %arg5[%arg0, %arg1, %dma_start3A_104, %dma_start3A_105] : memref<2x16x625x128xf32, #tpu.memory_space<hbm>> -> memref<1x1x625x128xf32, #tpu.memory_space<hbm>>
      %dma_start3A_107 = tpu.memref_squeeze %dma_start3A_106 : memref<1x1x625x128xf32, #tpu.memory_space<hbm>> -> memref<625x128xf32, #tpu.memory_space<hbm>>
      %dma_start3A_108 = arith.constant 0 : i32
      %dma_start3A_109 = tpu.memref_slice %arg10[%mul3A_102, %dma_start3A_108] : memref<10000x128xf32, #tpu.memory_space<vmem_shared>> -> memref<625x128xf32, #tpu.memory_space<vmem_shared>>
      tpu.enqueue_dma source(%dma_start3A_109 : memref<625x128xf32, #tpu.memory_space<vmem_shared>>) target(%dma_start3A_107 : memref<625x128xf32, #tpu.memory_space<hbm>>) target_semaphore(%run_scoped3A_103 : memref<!tpu.dma_semaphore, #tpu.memory_space<semaphore_mem>>)
      %dma_wait3A_110 = arith.constant 0 : i32
      %dma_wait3A_111 = arith.constant 0 : i32
      %dma_wait3A_112 = tpu.memref_slice %arg5[%arg0, %arg1, %dma_wait3A_110, %dma_wait3A_111] : memref<2x16x625x128xf32, #tpu.memory_space<hbm>> -> memref<1x1x625x128xf32, #tpu.memory_space<hbm>>
      %dma_wait3A_113 = tpu.memref_squeeze %dma_wait3A_112 : memref<1x1x625x128xf32, #tpu.memory_space<hbm>> -> memref<625x128xf32, #tpu.memory_space<hbm>>
      %dma_wait3A_114 = arith.constant 0 : i32
      %dma_wait3A_115 = tpu.memref_slice %arg10[%mul3A_102, %dma_wait3A_114] : memref<10000x128xf32, #tpu.memory_space<vmem_shared>> -> memref<625x128xf32, #tpu.memory_space<vmem_shared>>
      tpu.wait_dma2 semaphore(%run_scoped3A_103 : memref<!tpu.dma_semaphore, #tpu.memory_space<semaphore_mem>>) src(%dma_wait3A_115 : memref<625x128xf32, #tpu.memory_space<vmem_shared>>) dst(%dma_wait3A_113 : memref<625x128xf32, #tpu.memory_space<hbm>>)
      tpu.yield
    }) : () -> ()
    return
  }
}

#map = affine_map<(d0, d1) -> (0, 0)>
#map1 = affine_map<(d0, d1) -> (0, 0, 0, 0)>
module attributes {stable_mosaic.version = 14 : i64} {
  func.func @_seg_body(%arg0: i32, %arg1: i32, %arg2: memref<10000x128xf32, #tpu.memory_space<hbm>>, %arg3: memref<32x2x50x100xi32, #tpu.memory_space<hbm>>, %arg4: memref<32x2x50x100xi32, #tpu.memory_space<hbm>>, %arg5: memref<2x16x625x128xf32, #tpu.memory_space<hbm>>, %arg6: memref<50x100xi32, #tpu.memory_space<vmem>>, %arg7: memref<50x100xi32, #tpu.memory_space<vmem>>, %arg8: memref<100x128xf32, #tpu.memory_space<vmem>>, %arg9: memref<100x128xf32, #tpu.memory_space<vmem>>, %arg10: memref<10000x128xf32, #tpu.memory_space<vmem_shared>>, %arg11: memref<!tpu.dma_semaphore, #tpu.memory_space<semaphore_mem>>, %arg12: memref<!tpu.dma_semaphore, #tpu.memory_space<semaphore_mem>>) attributes {dimension_semantics = [#tpu.dimension_semantics<core_parallel>, #tpu.dimension_semantics<subcore_parallel>], iteration_bounds = array<i64: 2, 16>, scalar_prefetch = 0 : i64, scratch_operands = 7 : i64, tpu.core_type = #tpu.core_type<sc_vector_subcore>, window_params = [{transform_indices = #map}, {transform_indices = #map1}, {transform_indices = #map1}, {transform_indices = #map1}]} {
    %mul3A = arith.constant 16 : i32
    %mul3A_0 = arith.muli %arg0, %mul3A : i32
    %add3A = arith.addi %mul3A_0, %arg1 : i32
    %broadcast_in_dim3A = arith.constant 0.000000e+00 : f32
    %broadcast_in_dim3A_1 = vector.broadcast %broadcast_in_dim3A : f32 to vector<16xf32>
    %scan3A = arith.constant 0 : i32
    %scan3A_2 = arith.constant 0 : i32
    %scan3A_3 = arith.constant 800 : i32
    %scan3A_4 = arith.addi %scan3A_2, %scan3A_3 : i32
    %scan3A_5 = arith.constant 1 : i32
    %scan3A_6 = scf.for %scan3A_103 = %scan3A_2 to %scan3A_4 step %scan3A_5 iter_args(%scan3A_104 = %scan3A) -> (i32)  : i32 {
      %jit3A = arith.constant 8 : i32
      %div3A = arith.divsi %scan3A_103, %jit3A : i32
      %sign3A = arith.constant 0 : i32
      %sign3A_105 = arith.cmpi sgt, %scan3A_103, %sign3A : i32
      %sign3A_106 = arith.extui %sign3A_105 : i1 to i32
      %sign3A_107 = arith.constant 0 : i32
      %sign3A_108 = arith.cmpi slt, %scan3A_103, %sign3A_107 : i32
      %sign3A_109 = arith.extui %sign3A_108 : i1 to i32
      %sign3A_110 = arith.subi %sign3A_106, %sign3A_109 : i32
      %sign3A_111 = arith.constant 0 : i32
      %sign3A_112 = arith.cmpi sgt, %jit3A, %sign3A_111 : i32
      %sign3A_113 = arith.extui %sign3A_112 : i1 to i32
      %sign3A_114 = arith.constant 0 : i32
      %sign3A_115 = arith.cmpi slt, %jit3A, %sign3A_114 : i32
      %sign3A_116 = arith.extui %sign3A_115 : i1 to i32
      %sign3A_117 = arith.subi %sign3A_113, %sign3A_116 : i32
      %ne3A = arith.cmpi ne, %sign3A_110, %sign3A_117 : i32
      %rem3A = arith.remsi %scan3A_103, %jit3A : i32
      %ne3A_118 = arith.constant 0 : i32
      %ne3A_119 = arith.cmpi ne, %rem3A, %ne3A_118 : i32
      %and3A = arith.andi %ne3A, %ne3A_119 : i1
      %sub3A_120 = arith.constant 1 : i32
      %sub3A_121 = arith.subi %div3A, %sub3A_120 : i32
      %select_n3A = arith.select %and3A, %sub3A_121, %div3A : i32
      %jit3A_122 = arith.constant 8 : i32
      %eq3A = arith.constant 0 : i32
      %eq3A_123 = arith.cmpi eq, %jit3A_122, %eq3A : i32
      %jit3A_124 = arith.constant 1 : i32
      %select_n3A_125 = arith.select %eq3A_123, %jit3A_124, %jit3A_122 : i32
      %rem3A_126 = arith.remsi %scan3A_103, %select_n3A_125 : i32
      %ne3A_127 = arith.constant 0 : i32
      %ne3A_128 = arith.cmpi ne, %rem3A_126, %ne3A_127 : i32
      %lt3A = arith.constant 0 : i32
      %lt3A_129 = arith.cmpi slt, %rem3A_126, %lt3A : i32
      %lt3A_130 = arith.constant 0 : i32
      %lt3A_131 = arith.cmpi slt, %select_n3A_125, %lt3A_130 : i32
      %ne3A_132 = arith.xori %lt3A_129, %lt3A_131 : i1
      %and3A_133 = arith.andi %ne3A_132, %ne3A_128 : i1
      %add3A_134 = arith.addi %rem3A_126, %select_n3A_125 : i32
      %select_n3A_135 = arith.select %and3A_133, %add3A_134, %rem3A_126 : i32
      %mul3A_136 = arith.constant 16 : i32
      %mul3A_137 = arith.muli %select_n3A_135, %mul3A_136 : i32
      %swap3A = arith.index_cast %select_n3A : i32 to index
      %swap3A_138 = arith.index_cast %mul3A_137 : i32 to index
      %swap3A_139 = tpu.vector_load %arg8[%swap3A, %swap3A_138] {strides = array<i32>} : memref<100x128xf32, #tpu.memory_space<vmem>>, vector<1x16xf32>,
      %swap3A_140 = vector.shape_cast %swap3A_139 : vector<1x16xf32> to vector<16xf32>
      %swap3A_141 = vector.shape_cast %broadcast_in_dim3A_1 : vector<16xf32> to vector<1x16xf32>
      tpu.vector_store %arg8[%swap3A, %swap3A_138], %swap3A_141 {strides = array<i32>} : memref<100x128xf32, #tpu.memory_space<vmem>>, vector<1x16xf32>,
      %scan3A_142 = arith.constant 0 : i32
      scf.yield %scan3A_142 : i32
    }
    %scan3A_7 = arith.constant 800 : i32
    %mul3A_8 = arith.constant 625 : i32
    %mul3A_9 = arith.muli %arg1, %mul3A_8 : i32
    %multiple_of3A = tpu.assume_multiple %mul3A_9, 1 : i32
    %add3A_10 = arith.constant 0 : i32
    %add3A_11 = arith.addi %multiple_of3A, %add3A_10 : i32
    "tpu.region"() ({
      %run_scoped3A_103 = tpu.sem_alloc : memref<!tpu.dma_semaphore, #tpu.memory_space<semaphore_mem>>
      %dma_start3A_104 = arith.constant 0 : i32
      %dma_start3A_105 = tpu.memref_slice %arg10[%add3A_11, %dma_start3A_104] : memref<10000x128xf32, #tpu.memory_space<vmem_shared>> -> memref<100x128xf32, #tpu.memory_space<vmem_shared>>
      %dma_start3A_106 = arith.constant 0 : i32
      %dma_start3A_107 = tpu.memref_slice %arg10[%add3A_11, %dma_start3A_106] : memref<10000x128xf32, #tpu.memory_space<vmem_shared>> -> memref<100x128xf32, #tpu.memory_space<vmem_shared>>
      tpu.enqueue_dma source(%arg8 : memref<100x128xf32, #tpu.memory_space<vmem>>) target(%dma_start3A_107 : memref<100x128xf32, #tpu.memory_space<vmem_shared>>) target_semaphore(%run_scoped3A_103 : memref<!tpu.dma_semaphore, #tpu.memory_space<semaphore_mem>>)
      %dma_wait3A_108 = arith.constant 0 : i32
      %dma_wait3A_109 = tpu.memref_slice %arg10[%add3A_11, %dma_wait3A_108] : memref<10000x128xf32, #tpu.memory_space<vmem_shared>> -> memref<100x128xf32, #tpu.memory_space<vmem_shared>>
      %dma_wait3A_110 = arith.constant 0 : i32
      %dma_wait3A_111 = tpu.memref_slice %arg10[%add3A_11, %dma_wait3A_110] : memref<10000x128xf32, #tpu.memory_space<vmem_shared>> -> memref<100x128xf32, #tpu.memory_space<vmem_shared>>
      tpu.wait_dma2 semaphore(%run_scoped3A_103 : memref<!tpu.dma_semaphore, #tpu.memory_space<semaphore_mem>>) src(%arg8 : memref<100x128xf32, #tpu.memory_space<vmem>>) dst(%dma_wait3A_111 : memref<100x128xf32, #tpu.memory_space<vmem_shared>>)
      tpu.yield
    }) : () -> ()
    %add3A_12 = arith.constant 100 : i32
    %add3A_13 = arith.addi %multiple_of3A, %add3A_12 : i32
    "tpu.region"() ({
      %run_scoped3A_103 = tpu.sem_alloc : memref<!tpu.dma_semaphore, #tpu.memory_space<semaphore_mem>>
      %dma_start3A_104 = arith.constant 0 : i32
      %dma_start3A_105 = tpu.memref_slice %arg10[%add3A_13, %dma_start3A_104] : memref<10000x128xf32, #tpu.memory_space<vmem_shared>> -> memref<100x128xf32, #tpu.memory_space<vmem_shared>>
      %dma_start3A_106 = arith.constant 0 : i32
      %dma_start3A_107 = tpu.memref_slice %arg10[%add3A_13, %dma_start3A_106] : memref<10000x128xf32, #tpu.memory_space<vmem_shared>> -> memref<100x128xf32, #tpu.memory_space<vmem_shared>>
      tpu.enqueue_dma source(%arg8 : memref<100x128xf32, #tpu.memory_space<vmem>>) target(%dma_start3A_107 : memref<100x128xf32, #tpu.memory_space<vmem_shared>>) target_semaphore(%run_scoped3A_103 : memref<!tpu.dma_semaphore, #tpu.memory_space<semaphore_mem>>)
      %dma_wait3A_108 = arith.constant 0 : i32
      %dma_wait3A_109 = tpu.memref_slice %arg10[%add3A_13, %dma_wait3A_108] : memref<10000x128xf32, #tpu.memory_space<vmem_shared>> -> memref<100x128xf32, #tpu.memory_space<vmem_shared>>
      %dma_wait3A_110 = arith.constant 0 : i32
      %dma_wait3A_111 = tpu.memref_slice %arg10[%add3A_13, %dma_wait3A_110] : memref<10000x128xf32, #tpu.memory_space<vmem_shared>> -> memref<100x128xf32, #tpu.memory_space<vmem_shared>>
      tpu.wait_dma2 semaphore(%run_scoped3A_103 : memref<!tpu.dma_semaphore, #tpu.memory_space<semaphore_mem>>) src(%arg8 : memref<100x128xf32, #tpu.memory_space<vmem>>) dst(%dma_wait3A_111 : memref<100x128xf32, #tpu.memory_space<vmem_shared>>)
      tpu.yield
    }) : () -> ()
    %add3A_14 = arith.constant 200 : i32
    %add3A_15 = arith.addi %multiple_of3A, %add3A_14 : i32
    "tpu.region"() ({
      %run_scoped3A_103 = tpu.sem_alloc : memref<!tpu.dma_semaphore, #tpu.memory_space<semaphore_mem>>
      %dma_start3A_104 = arith.constant 0 : i32
      %dma_start3A_105 = tpu.memref_slice %arg10[%add3A_15, %dma_start3A_104] : memref<10000x128xf32, #tpu.memory_space<vmem_shared>> -> memref<100x128xf32, #tpu.memory_space<vmem_shared>>
      %dma_start3A_106 = arith.constant 0 : i32
      %dma_start3A_107 = tpu.memref_slice %arg10[%add3A_15, %dma_start3A_106] : memref<10000x128xf32, #tpu.memory_space<vmem_shared>> -> memref<100x128xf32, #tpu.memory_space<vmem_shared>>
      tpu.enqueue_dma source(%arg8 : memref<100x128xf32, #tpu.memory_space<vmem>>) target(%dma_start3A_107 : memref<100x128xf32, #tpu.memory_space<vmem_shared>>) target_semaphore(%run_scoped3A_103 : memref<!tpu.dma_semaphore, #tpu.memory_space<semaphore_mem>>)
      %dma_wait3A_108 = arith.constant 0 : i32
      %dma_wait3A_109 = tpu.memref_slice %arg10[%add3A_15, %dma_wait3A_108] : memref<10000x128xf32, #tpu.memory_space<vmem_shared>> -> memref<100x128xf32, #tpu.memory_space<vmem_shared>>
      %dma_wait3A_110 = arith.constant 0 : i32
      %dma_wait3A_111 = tpu.memref_slice %arg10[%add3A_15, %dma_wait3A_110] : memref<10000x128xf32, #tpu.memory_space<vmem_shared>> -> memref<100x128xf32, #tpu.memory_space<vmem_shared>>
      tpu.wait_dma2 semaphore(%run_scoped3A_103 : memref<!tpu.dma_semaphore, #tpu.memory_space<semaphore_mem>>) src(%arg8 : memref<100x128xf32, #tpu.memory_space<vmem>>) dst(%dma_wait3A_111 : memref<100x128xf32, #tpu.memory_space<vmem_shared>>)
      tpu.yield
    }) : () -> ()
    %add3A_16 = arith.constant 300 : i32
    %add3A_17 = arith.addi %multiple_of3A, %add3A_16 : i32
    "tpu.region"() ({
      %run_scoped3A_103 = tpu.sem_alloc : memref<!tpu.dma_semaphore, #tpu.memory_space<semaphore_mem>>
      %dma_start3A_104 = arith.constant 0 : i32
      %dma_start3A_105 = tpu.memref_slice %arg10[%add3A_17, %dma_start3A_104] : memref<10000x128xf32, #tpu.memory_space<vmem_shared>> -> memref<100x128xf32, #tpu.memory_space<vmem_shared>>
      %dma_start3A_106 = arith.constant 0 : i32
      %dma_start3A_107 = tpu.memref_slice %arg10[%add3A_17, %dma_start3A_106] : memref<10000x128xf32, #tpu.memory_space<vmem_shared>> -> memref<100x128xf32, #tpu.memory_space<vmem_shared>>
      tpu.enqueue_dma source(%arg8 : memref<100x128xf32, #tpu.memory_space<vmem>>) target(%dma_start3A_107 : memref<100x128xf32, #tpu.memory_space<vmem_shared>>) target_semaphore(%run_scoped3A_103 : memref<!tpu.dma_semaphore, #tpu.memory_space<semaphore_mem>>)
      %dma_wait3A_108 = arith.constant 0 : i32
      %dma_wait3A_109 = tpu.memref_slice %arg10[%add3A_17, %dma_wait3A_108] : memref<10000x128xf32, #tpu.memory_space<vmem_shared>> -> memref<100x128xf32, #tpu.memory_space<vmem_shared>>
      %dma_wait3A_110 = arith.constant 0 : i32
      %dma_wait3A_111 = tpu.memref_slice %arg10[%add3A_17, %dma_wait3A_110] : memref<10000x128xf32, #tpu.memory_space<vmem_shared>> -> memref<100x128xf32, #tpu.memory_space<vmem_shared>>
      tpu.wait_dma2 semaphore(%run_scoped3A_103 : memref<!tpu.dma_semaphore, #tpu.memory_space<semaphore_mem>>) src(%arg8 : memref<100x128xf32, #tpu.memory_space<vmem>>) dst(%dma_wait3A_111 : memref<100x128xf32, #tpu.memory_space<vmem_shared>>)
      tpu.yield
    }) : () -> ()
    %add3A_18 = arith.constant 400 : i32
    %add3A_19 = arith.addi %multiple_of3A, %add3A_18 : i32
    "tpu.region"() ({
      %run_scoped3A_103 = tpu.sem_alloc : memref<!tpu.dma_semaphore, #tpu.memory_space<semaphore_mem>>
      %dma_start3A_104 = arith.constant 0 : i32
      %dma_start3A_105 = tpu.memref_slice %arg10[%add3A_19, %dma_start3A_104] : memref<10000x128xf32, #tpu.memory_space<vmem_shared>> -> memref<100x128xf32, #tpu.memory_space<vmem_shared>>
      %dma_start3A_106 = arith.constant 0 : i32
      %dma_start3A_107 = tpu.memref_slice %arg10[%add3A_19, %dma_start3A_106] : memref<10000x128xf32, #tpu.memory_space<vmem_shared>> -> memref<100x128xf32, #tpu.memory_space<vmem_shared>>
      tpu.enqueue_dma source(%arg8 : memref<100x128xf32, #tpu.memory_space<vmem>>) target(%dma_start3A_107 : memref<100x128xf32, #tpu.memory_space<vmem_shared>>) target_semaphore(%run_scoped3A_103 : memref<!tpu.dma_semaphore, #tpu.memory_space<semaphore_mem>>)
      %dma_wait3A_108 = arith.constant 0 : i32
      %dma_wait3A_109 = tpu.memref_slice %arg10[%add3A_19, %dma_wait3A_108] : memref<10000x128xf32, #tpu.memory_space<vmem_shared>> -> memref<100x128xf32, #tpu.memory_space<vmem_shared>>
      %dma_wait3A_110 = arith.constant 0 : i32
      %dma_wait3A_111 = tpu.memref_slice %arg10[%add3A_19, %dma_wait3A_110] : memref<10000x128xf32, #tpu.memory_space<vmem_shared>> -> memref<100x128xf32, #tpu.memory_space<vmem_shared>>
      tpu.wait_dma2 semaphore(%run_scoped3A_103 : memref<!tpu.dma_semaphore, #tpu.memory_space<semaphore_mem>>) src(%arg8 : memref<100x128xf32, #tpu.memory_space<vmem>>) dst(%dma_wait3A_111 : memref<100x128xf32, #tpu.memory_space<vmem_shared>>)
      tpu.yield
    }) : () -> ()
    %add3A_20 = arith.constant 500 : i32
    %add3A_21 = arith.addi %multiple_of3A, %add3A_20 : i32
    "tpu.region"() ({
      %run_scoped3A_103 = tpu.sem_alloc : memref<!tpu.dma_semaphore, #tpu.memory_space<semaphore_mem>>
      %dma_start3A_104 = arith.constant 0 : i32
      %dma_start3A_105 = tpu.memref_slice %arg10[%add3A_21, %dma_start3A_104] : memref<10000x128xf32, #tpu.memory_space<vmem_shared>> -> memref<100x128xf32, #tpu.memory_space<vmem_shared>>
      %dma_start3A_106 = arith.constant 0 : i32
      %dma_start3A_107 = tpu.memref_slice %arg10[%add3A_21, %dma_start3A_106] : memref<10000x128xf32, #tpu.memory_space<vmem_shared>> -> memref<100x128xf32, #tpu.memory_space<vmem_shared>>
      tpu.enqueue_dma source(%arg8 : memref<100x128xf32, #tpu.memory_space<vmem>>) target(%dma_start3A_107 : memref<100x128xf32, #tpu.memory_space<vmem_shared>>) target_semaphore(%run_scoped3A_103 : memref<!tpu.dma_semaphore, #tpu.memory_space<semaphore_mem>>)
      %dma_wait3A_108 = arith.constant 0 : i32
      %dma_wait3A_109 = tpu.memref_slice %arg10[%add3A_21, %dma_wait3A_108] : memref<10000x128xf32, #tpu.memory_space<vmem_shared>> -> memref<100x128xf32, #tpu.memory_space<vmem_shared>>
      %dma_wait3A_110 = arith.constant 0 : i32
      %dma_wait3A_111 = tpu.memref_slice %arg10[%add3A_21, %dma_wait3A_110] : memref<10000x128xf32, #tpu.memory_space<vmem_shared>> -> memref<100x128xf32, #tpu.memory_space<vmem_shared>>
      tpu.wait_dma2 semaphore(%run_scoped3A_103 : memref<!tpu.dma_semaphore, #tpu.memory_space<semaphore_mem>>) src(%arg8 : memref<100x128xf32, #tpu.memory_space<vmem>>) dst(%dma_wait3A_111 : memref<100x128xf32, #tpu.memory_space<vmem_shared>>)
      tpu.yield
    }) : () -> ()
    %add3A_22 = arith.constant 625 : i32
    %add3A_23 = arith.addi %multiple_of3A, %add3A_22 : i32
    %sub3A = arith.constant 25 : i32
    %sub3A_24 = arith.subi %add3A_23, %sub3A : i32
    "tpu.region"() ({
      %run_scoped3A_103 = tpu.sem_alloc : memref<!tpu.dma_semaphore, #tpu.memory_space<semaphore_mem>>
      %dma_start3A_104 = arith.constant 0 : i32
      %dma_start3A_105 = arith.constant 0 : i32
      %dma_start3A_106 = tpu.memref_slice %arg8[%dma_start3A_104, %dma_start3A_105] : memref<100x128xf32, #tpu.memory_space<vmem>> -> memref<25x128xf32, #tpu.memory_space<vmem>>
      %dma_start3A_107 = arith.constant 0 : i32
      %dma_start3A_108 = tpu.memref_slice %arg10[%sub3A_24, %dma_start3A_107] : memref<10000x128xf32, #tpu.memory_space<vmem_shared>> -> memref<25x128xf32, #tpu.memory_space<vmem_shared>>
      %dma_start3A_109 = arith.constant 0 : i32
      %dma_start3A_110 = tpu.memref_slice %arg10[%sub3A_24, %dma_start3A_109] : memref<10000x128xf32, #tpu.memory_space<vmem_shared>> -> memref<25x128xf32, #tpu.memory_space<vmem_shared>>
      %dma_start3A_111 = arith.constant 0 : i32
      %dma_start3A_112 = arith.constant 0 : i32
      %dma_start3A_113 = tpu.memref_slice %arg8[%dma_start3A_111, %dma_start3A_112] : memref<100x128xf32, #tpu.memory_space<vmem>> -> memref<25x128xf32, #tpu.memory_space<vmem>>
      tpu.enqueue_dma source(%dma_start3A_113 : memref<25x128xf32, #tpu.memory_space<vmem>>) target(%dma_start3A_110 : memref<25x128xf32, #tpu.memory_space<vmem_shared>>) target_semaphore(%run_scoped3A_103 : memref<!tpu.dma_semaphore, #tpu.memory_space<semaphore_mem>>)
      %dma_wait3A_114 = arith.constant 0 : i32
      %dma_wait3A_115 = arith.constant 0 : i32
      %dma_wait3A_116 = tpu.memref_slice %arg8[%dma_wait3A_114, %dma_wait3A_115] : memref<100x128xf32, #tpu.memory_space<vmem>> -> memref<25x128xf32, #tpu.memory_space<vmem>>
      %dma_wait3A_117 = arith.constant 0 : i32
      %dma_wait3A_118 = tpu.memref_slice %arg10[%sub3A_24, %dma_wait3A_117] : memref<10000x128xf32, #tpu.memory_space<vmem_shared>> -> memref<25x128xf32, #tpu.memory_space<vmem_shared>>
      %dma_wait3A_119 = arith.constant 0 : i32
      %dma_wait3A_120 = tpu.memref_slice %arg10[%sub3A_24, %dma_wait3A_119] : memref<10000x128xf32, #tpu.memory_space<vmem_shared>> -> memref<25x128xf32, #tpu.memory_space<vmem_shared>>
      %dma_wait3A_121 = arith.constant 0 : i32
      %dma_wait3A_122 = arith.constant 0 : i32
      %dma_wait3A_123 = tpu.memref_slice %arg8[%dma_wait3A_121, %dma_wait3A_122] : memref<100x128xf32, #tpu.memory_space<vmem>> -> memref<25x128xf32, #tpu.memory_space<vmem>>
      tpu.wait_dma2 semaphore(%run_scoped3A_103 : memref<!tpu.dma_semaphore, #tpu.memory_space<semaphore_mem>>) src(%dma_wait3A_123 : memref<25x128xf32, #tpu.memory_space<vmem>>) dst(%dma_wait3A_120 : memref<25x128xf32, #tpu.memory_space<vmem_shared>>)
      tpu.yield
    }) : () -> ()
    %barrier3A = arith.constant 0 : index
    tpu.barrier barrier_id(%barrier3A)
    %run_scoped3A = arith.constant 0 : i32
    "tpu.region"() ({
      %run_scoped3A_103 = tpu.sem_alloc : memref<!tpu.dma_semaphore, #tpu.memory_space<semaphore_mem>>
      %dma_start3A_104 = arith.constant 0 : i32
      %dma_start3A_105 = arith.constant 0 : i32
      %dma_start3A_106 = tpu.memref_slice %arg3[%add3A, %run_scoped3A, %dma_start3A_104, %dma_start3A_105] : memref<32x2x50x100xi32, #tpu.memory_space<hbm>> -> memref<1x1x50x100xi32, #tpu.memory_space<hbm>>
      %dma_start3A_107 = tpu.memref_squeeze %dma_start3A_106 : memref<1x1x50x100xi32, #tpu.memory_space<hbm>> -> memref<50x100xi32, #tpu.memory_space<hbm>>
      %dma_start3A_108 = arith.constant 0 : i32
      %dma_start3A_109 = arith.constant 0 : i32
      %dma_start3A_110 = tpu.memref_slice %arg3[%add3A, %run_scoped3A, %dma_start3A_108, %dma_start3A_109] : memref<32x2x50x100xi32, #tpu.memory_space<hbm>> -> memref<1x1x50x100xi32, #tpu.memory_space<hbm>>
      %dma_start3A_111 = tpu.memref_squeeze %dma_start3A_110 : memref<1x1x50x100xi32, #tpu.memory_space<hbm>> -> memref<50x100xi32, #tpu.memory_space<hbm>>
      tpu.enqueue_dma source(%dma_start3A_111 : memref<50x100xi32, #tpu.memory_space<hbm>>) target(%arg6 : memref<50x100xi32, #tpu.memory_space<vmem>>) target_semaphore(%run_scoped3A_103 : memref<!tpu.dma_semaphore, #tpu.memory_space<semaphore_mem>>)
      %dma_wait3A_112 = arith.constant 0 : i32
      %dma_wait3A_113 = arith.constant 0 : i32
      %dma_wait3A_114 = tpu.memref_slice %arg3[%add3A, %run_scoped3A, %dma_wait3A_112, %dma_wait3A_113] : memref<32x2x50x100xi32, #tpu.memory_space<hbm>> -> memref<1x1x50x100xi32, #tpu.memory_space<hbm>>
      %dma_wait3A_115 = tpu.memref_squeeze %dma_wait3A_114 : memref<1x1x50x100xi32, #tpu.memory_space<hbm>> -> memref<50x100xi32, #tpu.memory_space<hbm>>
      %dma_wait3A_116 = arith.constant 0 : i32
      %dma_wait3A_117 = arith.constant 0 : i32
      %dma_wait3A_118 = tpu.memref_slice %arg3[%add3A, %run_scoped3A, %dma_wait3A_116, %dma_wait3A_117] : memref<32x2x50x100xi32, #tpu.memory_space<hbm>> -> memref<1x1x50x100xi32, #tpu.memory_space<hbm>>
      %dma_wait3A_119 = tpu.memref_squeeze %dma_wait3A_118 : memref<1x1x50x100xi32, #tpu.memory_space<hbm>> -> memref<50x100xi32, #tpu.memory_space<hbm>>
      tpu.wait_dma2 semaphore(%run_scoped3A_103 : memref<!tpu.dma_semaphore, #tpu.memory_space<semaphore_mem>>) src(%dma_wait3A_119 : memref<50x100xi32, #tpu.memory_space<hbm>>) dst(%arg6 : memref<50x100xi32, #tpu.memory_space<vmem>>)
      tpu.yield
    }) : () -> ()
    %run_scoped3A_25 = arith.constant 0 : i32
    "tpu.region"() ({
      %run_scoped3A_103 = tpu.sem_alloc : memref<!tpu.dma_semaphore, #tpu.memory_space<semaphore_mem>>
      %dma_start3A_104 = arith.constant 0 : i32
      %dma_start3A_105 = arith.constant 0 : i32
      %dma_start3A_106 = tpu.memref_slice %arg4[%add3A, %run_scoped3A_25, %dma_start3A_104, %dma_start3A_105] : memref<32x2x50x100xi32, #tpu.memory_space<hbm>> -> memref<1x1x50x100xi32, #tpu.memory_space<hbm>>
      %dma_start3A_107 = tpu.memref_squeeze %dma_start3A_106 : memref<1x1x50x100xi32, #tpu.memory_space<hbm>> -> memref<50x100xi32, #tpu.memory_space<hbm>>
      %dma_start3A_108 = arith.constant 0 : i32
      %dma_start3A_109 = arith.constant 0 : i32
      %dma_start3A_110 = tpu.memref_slice %arg4[%add3A, %run_scoped3A_25, %dma_start3A_108, %dma_start3A_109] : memref<32x2x50x100xi32, #tpu.memory_space<hbm>> -> memref<1x1x50x100xi32, #tpu.memory_space<hbm>>
      %dma_start3A_111 = tpu.memref_squeeze %dma_start3A_110 : memref<1x1x50x100xi32, #tpu.memory_space<hbm>> -> memref<50x100xi32, #tpu.memory_space<hbm>>
      tpu.enqueue_dma source(%dma_start3A_111 : memref<50x100xi32, #tpu.memory_space<hbm>>) target(%arg7 : memref<50x100xi32, #tpu.memory_space<vmem>>) target_semaphore(%run_scoped3A_103 : memref<!tpu.dma_semaphore, #tpu.memory_space<semaphore_mem>>)
      %dma_wait3A_112 = arith.constant 0 : i32
      %dma_wait3A_113 = arith.constant 0 : i32
      %dma_wait3A_114 = tpu.memref_slice %arg4[%add3A, %run_scoped3A_25, %dma_wait3A_112, %dma_wait3A_113] : memref<32x2x50x100xi32, #tpu.memory_space<hbm>> -> memref<1x1x50x100xi32, #tpu.memory_space<hbm>>
      %dma_wait3A_115 = tpu.memref_squeeze %dma_wait3A_114 : memref<1x1x50x100xi32, #tpu.memory_space<hbm>> -> memref<50x100xi32, #tpu.memory_space<hbm>>
      %dma_wait3A_116 = arith.constant 0 : i32
      %dma_wait3A_117 = arith.constant 0 : i32
      %dma_wait3A_118 = tpu.memref_slice %arg4[%add3A, %run_scoped3A_25, %dma_wait3A_116, %dma_wait3A_117] : memref<32x2x50x100xi32, #tpu.memory_space<hbm>> -> memref<1x1x50x100xi32, #tpu.memory_space<hbm>>
      %dma_wait3A_119 = tpu.memref_squeeze %dma_wait3A_118 : memref<1x1x50x100xi32, #tpu.memory_space<hbm>> -> memref<50x100xi32, #tpu.memory_space<hbm>>
      tpu.wait_dma2 semaphore(%run_scoped3A_103 : memref<!tpu.dma_semaphore, #tpu.memory_space<semaphore_mem>>) src(%dma_wait3A_119 : memref<50x100xi32, #tpu.memory_space<hbm>>) dst(%arg7 : memref<50x100xi32, #tpu.memory_space<vmem>>)
      tpu.yield
    }) : () -> ()
    %dma_start3A = arith.constant 0 : i32
    %dma_start3A_26 = arith.constant 0 : i32
    %dma_start3A_27 = tpu.memref_slice %arg6[%dma_start3A, %dma_start3A_26] : memref<50x100xi32, #tpu.memory_space<vmem>> -> memref<1x100xi32, #tpu.memory_space<vmem>>
    %dma_start3A_28 = tpu.memref_squeeze %dma_start3A_27 : memref<1x100xi32, #tpu.memory_space<vmem>> -> memref<100xi32, #tpu.memory_space<vmem>>
    %dma_start3A_29 = arith.constant 0 : i32
    %dma_start3A_30 = arith.constant 0 : i32
    %dma_start3A_31 = tpu.memref_slice %arg2[%dma_start3A_29, %dma_start3A_30] : memref<10000x128xf32, #tpu.memory_space<hbm>> -> memref<10000x128xf32, #tpu.memory_space<hbm>>
    tpu.enqueue_indirect_dma source(%dma_start3A_31 : memref<10000x128xf32, #tpu.memory_space<hbm>>) target(%arg8 : memref<100x128xf32, #tpu.memory_space<vmem>>) offsets(%dma_start3A_28 : memref<100xi32, #tpu.memory_space<vmem>>) semaphore(%arg11 : memref<!tpu.dma_semaphore, #tpu.memory_space<semaphore_mem>>)
    %scan3A_32 = arith.constant 0 : i32
    %scan3A_33 = arith.constant 0 : i32
    %scan3A_34 = arith.constant 24 : i32
    %scan3A_35 = arith.addi %scan3A_33, %scan3A_34 : i32
    %scan3A_36 = arith.constant 1 : i32
    %scan3A_37 = scf.for %scan3A_103 = %scan3A_33 to %scan3A_35 step %scan3A_36 iter_args(%scan3A_104 = %scan3A_32) -> (i32)  : i32 {
      %mul3A_105 = arith.constant 2 : i32
      %mul3A_106 = arith.muli %mul3A_105, %scan3A_103 : i32
      %add3A_107 = arith.constant 1 : i32
      %add3A_108 = arith.addi %mul3A_106, %add3A_107 : i32
      %dma_start3A_109 = arith.constant 0 : i32
      %dma_start3A_110 = tpu.memref_slice %arg6[%add3A_108, %dma_start3A_109] : memref<50x100xi32, #tpu.memory_space<vmem>> -> memref<1x100xi32, #tpu.memory_space<vmem>>
      %dma_start3A_111 = tpu.memref_squeeze %dma_start3A_110 : memref<1x100xi32, #tpu.memory_space<vmem>> -> memref<100xi32, #tpu.memory_space<vmem>>
      %dma_start3A_112 = arith.constant 0 : i32
      %dma_start3A_113 = arith.constant 0 : i32
      %dma_start3A_114 = tpu.memref_slice %arg2[%dma_start3A_112, %dma_start3A_113] : memref<10000x128xf32, #tpu.memory_space<hbm>> -> memref<10000x128xf32, #tpu.memory_space<hbm>>
      tpu.enqueue_indirect_dma source(%dma_start3A_114 : memref<10000x128xf32, #tpu.memory_space<hbm>>) target(%arg9 : memref<100x128xf32, #tpu.memory_space<vmem>>) offsets(%dma_start3A_111 : memref<100xi32, #tpu.memory_space<vmem>>) semaphore(%arg12 : memref<!tpu.dma_semaphore, #tpu.memory_space<semaphore_mem>>)
      %dma_wait3A_115 = arith.constant 0 : i32
      %dma_wait3A_116 = arith.constant 0 : i32
      %dma_wait3A_117 = tpu.memref_slice %arg6[%dma_wait3A_115, %dma_wait3A_116] : memref<50x100xi32, #tpu.memory_space<vmem>> -> memref<1x100xi32, #tpu.memory_space<vmem>>
      %dma_wait3A_118 = tpu.memref_squeeze %dma_wait3A_117 : memref<1x100xi32, #tpu.memory_space<vmem>> -> memref<100xi32, #tpu.memory_space<vmem>>
      %dma_wait3A_119 = arith.constant 0 : i32
      %dma_wait3A_120 = arith.constant 0 : i32
      %dma_wait3A_121 = tpu.memref_slice %arg2[%dma_wait3A_119, %dma_wait3A_120] : memref<10000x128xf32, #tpu.memory_space<hbm>> -> memref<10000x128xf32, #tpu.memory_space<hbm>>
      tpu.wait_indirect_dma semaphore(%arg11 : memref<!tpu.dma_semaphore, #tpu.memory_space<semaphore_mem>>) src(%dma_wait3A_121 : memref<10000x128xf32, #tpu.memory_space<hbm>>) dst(%arg8 : memref<100x128xf32, #tpu.memory_space<vmem>>)
      "tpu.region"() ({
        %run_scoped3A_140 = tpu.sem_alloc : memref<!tpu.dma_semaphore, #tpu.memory_space<semaphore_mem>>
        %dma_start3A_141 = arith.constant 0 : i32
        %dma_start3A_142 = tpu.memref_slice %arg7[%mul3A_106, %dma_start3A_141] : memref<50x100xi32, #tpu.memory_space<vmem>> -> memref<1x100xi32, #tpu.memory_space<vmem>>
        %dma_start3A_143 = tpu.memref_squeeze %dma_start3A_142 : memref<1x100xi32, #tpu.memory_space<vmem>> -> memref<100xi32, #tpu.memory_space<vmem>>
        %dma_start3A_144 = arith.constant 0 : i32
        %dma_start3A_145 = arith.constant 0 : i32
        %dma_start3A_146 = tpu.memref_slice %arg10[%dma_start3A_144, %dma_start3A_145] : memref<10000x128xf32, #tpu.memory_space<vmem_shared>> -> memref<10000x128xf32, #tpu.memory_space<vmem_shared>>
        tpu.enqueue_indirect_dma source(%arg8 : memref<100x128xf32, #tpu.memory_space<vmem>>) target(%dma_start3A_146 : memref<10000x128xf32, #tpu.memory_space<vmem_shared>>) offsets(%dma_start3A_143 : memref<100xi32, #tpu.memory_space<vmem>>) semaphore(%run_scoped3A_140 : memref<!tpu.dma_semaphore, #tpu.memory_space<semaphore_mem>>) {add = true}
        %dma_wait3A_147 = arith.constant 0 : i32
        %dma_wait3A_148 = tpu.memref_slice %arg7[%mul3A_106, %dma_wait3A_147] : memref<50x100xi32, #tpu.memory_space<vmem>> -> memref<1x100xi32, #tpu.memory_space<vmem>>
        %dma_wait3A_149 = tpu.memref_squeeze %dma_wait3A_148 : memref<1x100xi32, #tpu.memory_space<vmem>> -> memref<100xi32, #tpu.memory_space<vmem>>
        %dma_wait3A_150 = arith.constant 0 : i32
        %dma_wait3A_151 = arith.constant 0 : i32
        %dma_wait3A_152 = tpu.memref_slice %arg10[%dma_wait3A_150, %dma_wait3A_151] : memref<10000x128xf32, #tpu.memory_space<vmem_shared>> -> memref<10000x128xf32, #tpu.memory_space<vmem_shared>>
        tpu.wait_indirect_dma semaphore(%run_scoped3A_140 : memref<!tpu.dma_semaphore, #tpu.memory_space<semaphore_mem>>) src(%arg8 : memref<100x128xf32, #tpu.memory_space<vmem>>) dst(%dma_wait3A_152 : memref<10000x128xf32, #tpu.memory_space<vmem_shared>>)
        tpu.yield
      }) : () -> ()
      %add3A_122 = arith.constant 2 : i32
      %add3A_123 = arith.addi %mul3A_106, %add3A_122 : i32
      %dma_start3A_124 = arith.constant 0 : i32
      %dma_start3A_125 = tpu.memref_slice %arg6[%add3A_123, %dma_start3A_124] : memref<50x100xi32, #tpu.memory_space<vmem>> -> memref<1x100xi32, #tpu.memory_space<vmem>>
      %dma_start3A_126 = tpu.memref_squeeze %dma_start3A_125 : memref<1x100xi32, #tpu.memory_space<vmem>> -> memref<100xi32, #tpu.memory_space<vmem>>
      %dma_start3A_127 = arith.constant 0 : i32
      %dma_start3A_128 = arith.constant 0 : i32
      %dma_start3A_129 = tpu.memref_slice %arg2[%dma_start3A_127, %dma_start3A_128] : memref<10000x128xf32, #tpu.memory_space<hbm>> -> memref<10000x128xf32, #tpu.memory_space<hbm>>
      tpu.enqueue_indirect_dma source(%dma_start3A_129 : memref<10000x128xf32, #tpu.memory_space<hbm>>) target(%arg8 : memref<100x128xf32, #tpu.memory_space<vmem>>) offsets(%dma_start3A_126 : memref<100xi32, #tpu.memory_space<vmem>>) semaphore(%arg11 : memref<!tpu.dma_semaphore, #tpu.memory_space<semaphore_mem>>)
      %dma_wait3A_130 = arith.constant 0 : i32
      %dma_wait3A_131 = arith.constant 0 : i32
      %dma_wait3A_132 = tpu.memref_slice %arg6[%dma_wait3A_130, %dma_wait3A_131] : memref<50x100xi32, #tpu.memory_space<vmem>> -> memref<1x100xi32, #tpu.memory_space<vmem>>
      %dma_wait3A_133 = tpu.memref_squeeze %dma_wait3A_132 : memref<1x100xi32, #tpu.memory_space<vmem>> -> memref<100xi32, #tpu.memory_space<vmem>>
      %dma_wait3A_134 = arith.constant 0 : i32
      %dma_wait3A_135 = arith.constant 0 : i32
      %dma_wait3A_136 = tpu.memref_slice %arg2[%dma_wait3A_134, %dma_wait3A_135] : memref<10000x128xf32, #tpu.memory_space<hbm>> -> memref<10000x128xf32, #tpu.memory_space<hbm>>
      tpu.wait_indirect_dma semaphore(%arg12 : memref<!tpu.dma_semaphore, #tpu.memory_space<semaphore_mem>>) src(%dma_wait3A_136 : memref<10000x128xf32, #tpu.memory_space<hbm>>) dst(%arg9 : memref<100x128xf32, #tpu.memory_space<vmem>>)
      %add3A_137 = arith.constant 1 : i32
      %add3A_138 = arith.addi %mul3A_106, %add3A_137 : i32
      "tpu.region"() ({
        %run_scoped3A_140 = tpu.sem_alloc : memref<!tpu.dma_semaphore, #tpu.memory_space<semaphore_mem>>
        %dma_start3A_141 = arith.constant 0 : i32
        %dma_start3A_142 = tpu.memref_slice %arg7[%add3A_138, %dma_start3A_141] : memref<50x100xi32, #tpu.memory_space<vmem>> -> memref<1x100xi32, #tpu.memory_space<vmem>>
        %dma_start3A_143 = tpu.memref_squeeze %dma_start3A_142 : memref<1x100xi32, #tpu.memory_space<vmem>> -> memref<100xi32, #tpu.memory_space<vmem>>
        %dma_start3A_144 = arith.constant 0 : i32
        %dma_start3A_145 = arith.constant 0 : i32
        %dma_start3A_146 = tpu.memref_slice %arg10[%dma_start3A_144, %dma_start3A_145] : memref<10000x128xf32, #tpu.memory_space<vmem_shared>> -> memref<10000x128xf32, #tpu.memory_space<vmem_shared>>
        tpu.enqueue_indirect_dma source(%arg9 : memref<100x128xf32, #tpu.memory_space<vmem>>) target(%dma_start3A_146 : memref<10000x128xf32, #tpu.memory_space<vmem_shared>>) offsets(%dma_start3A_143 : memref<100xi32, #tpu.memory_space<vmem>>) semaphore(%run_scoped3A_140 : memref<!tpu.dma_semaphore, #tpu.memory_space<semaphore_mem>>) {add = true}
        %dma_wait3A_147 = arith.constant 0 : i32
        %dma_wait3A_148 = tpu.memref_slice %arg7[%add3A_138, %dma_wait3A_147] : memref<50x100xi32, #tpu.memory_space<vmem>> -> memref<1x100xi32, #tpu.memory_space<vmem>>
        %dma_wait3A_149 = tpu.memref_squeeze %dma_wait3A_148 : memref<1x100xi32, #tpu.memory_space<vmem>> -> memref<100xi32, #tpu.memory_space<vmem>>
        %dma_wait3A_150 = arith.constant 0 : i32
        %dma_wait3A_151 = arith.constant 0 : i32
        %dma_wait3A_152 = tpu.memref_slice %arg10[%dma_wait3A_150, %dma_wait3A_151] : memref<10000x128xf32, #tpu.memory_space<vmem_shared>> -> memref<10000x128xf32, #tpu.memory_space<vmem_shared>>
        tpu.wait_indirect_dma semaphore(%run_scoped3A_140 : memref<!tpu.dma_semaphore, #tpu.memory_space<semaphore_mem>>) src(%arg9 : memref<100x128xf32, #tpu.memory_space<vmem>>) dst(%dma_wait3A_152 : memref<10000x128xf32, #tpu.memory_space<vmem_shared>>)
        tpu.yield
      }) : () -> ()
      %scan3A_139 = arith.constant 0 : i32
      scf.yield %scan3A_139 : i32
    }
    %scan3A_38 = arith.constant 24 : i32
    %dma_start3A_39 = arith.constant 49 : i32
    %dma_start3A_40 = arith.constant 0 : i32
    %dma_start3A_41 = tpu.memref_slice %arg6[%dma_start3A_39, %dma_start3A_40] : memref<50x100xi32, #tpu.memory_space<vmem>> -> memref<1x100xi32, #tpu.memory_space<vmem>>
    %dma_start3A_42 = tpu.memref_squeeze %dma_start3A_41 : memref<1x100xi32, #tpu.memory_space<vmem>> -> memref<100xi32, #tpu.memory_space<vmem>>
    %dma_start3A_43 = arith.constant 0 : i32
    %dma_start3A_44 = arith.constant 0 : i32
    %dma_start3A_45 = tpu.memref_slice %arg2[%dma_start3A_43, %dma_start3A_44] : memref<10000x128xf32, #tpu.memory_space<hbm>> -> memref<10000x128xf32, #tpu.memory_space<hbm>>
    tpu.enqueue_indirect_dma source(%dma_start3A_45 : memref<10000x128xf32, #tpu.memory_space<hbm>>) target(%arg9 : memref<100x128xf32, #tpu.memory_space<vmem>>) offsets(%dma_start3A_42 : memref<100xi32, #tpu.memory_space<vmem>>) semaphore(%arg12 : memref<!tpu.dma_semaphore, #tpu.memory_space<semaphore_mem>>)
    %dma_wait3A = arith.constant 0 : i32
    %dma_wait3A_46 = arith.constant 0 : i32
    %dma_wait3A_47 = tpu.memref_slice %arg6[%dma_wait3A, %dma_wait3A_46] : memref<50x100xi32, #tpu.memory_space<vmem>> -> memref<1x100xi32, #tpu.memory_space<vmem>>
    %dma_wait3A_48 = tpu.memref_squeeze %dma_wait3A_47 : memref<1x100xi32, #tpu.memory_space<vmem>> -> memref<100xi32, #tpu.memory_space<vmem>>
    %dma_wait3A_49 = arith.constant 0 : i32
    %dma_wait3A_50 = arith.constant 0 : i32
    %dma_wait3A_51 = tpu.memref_slice %arg2[%dma_wait3A_49, %dma_wait3A_50] : memref<10000x128xf32, #tpu.memory_space<hbm>> -> memref<10000x128xf32, #tpu.memory_space<hbm>>
    tpu.wait_indirect_dma semaphore(%arg11 : memref<!tpu.dma_semaphore, #tpu.memory_space<semaphore_mem>>) src(%dma_wait3A_51 : memref<10000x128xf32, #tpu.memory_space<hbm>>) dst(%arg8 : memref<100x128xf32, #tpu.memory_space<vmem>>)
    %run_scoped3A_52 = arith.constant 48 : i32
    "tpu.region"() ({
      %run_scoped3A_103 = tpu.sem_alloc : memref<!tpu.dma_semaphore, #tpu.memory_space<semaphore_mem>>
      %dma_start3A_104 = arith.constant 0 : i32
      %dma_start3A_105 = tpu.memref_slice %arg7[%run_scoped3A_52, %dma_start3A_104] : memref<50x100xi32, #tpu.memory_space<vmem>> -> memref<1x100xi32, #tpu.memory_space<vmem>>
      %dma_start3A_106 = tpu.memref_squeeze %dma_start3A_105 : memref<1x100xi32, #tpu.memory_space<vmem>> -> memref<100xi32, #tpu.memory_space<vmem>>
      %dma_start3A_107 = arith.constant 0 : i32
      %dma_start3A_108 = arith.constant 0 : i32
      %dma_start3A_109 = tpu.memref_slice %arg10[%dma_start3A_107, %dma_start3A_108] : memref<10000x128xf32, #tpu.memory_space<vmem_shared>> -> memref<10000x128xf32, #tpu.memory_space<vmem_shared>>
      tpu.enqueue_indirect_dma source(%arg8 : memref<100x128xf32, #tpu.memory_space<vmem>>) target(%dma_start3A_109 : memref<10000x128xf32, #tpu.memory_space<vmem_shared>>) offsets(%dma_start3A_106 : memref<100xi32, #tpu.memory_space<vmem>>) semaphore(%run_scoped3A_103 : memref<!tpu.dma_semaphore, #tpu.memory_space<semaphore_mem>>) {add = true}
      %dma_wait3A_110 = arith.constant 0 : i32
      %dma_wait3A_111 = tpu.memref_slice %arg7[%run_scoped3A_52, %dma_wait3A_110] : memref<50x100xi32, #tpu.memory_space<vmem>> -> memref<1x100xi32, #tpu.memory_space<vmem>>
      %dma_wait3A_112 = tpu.memref_squeeze %dma_wait3A_111 : memref<1x100xi32, #tpu.memory_space<vmem>> -> memref<100xi32, #tpu.memory_space<vmem>>
      %dma_wait3A_113 = arith.constant 0 : i32
      %dma_wait3A_114 = arith.constant 0 : i32
      %dma_wait3A_115 = tpu.memref_slice %arg10[%dma_wait3A_113, %dma_wait3A_114] : memref<10000x128xf32, #tpu.memory_space<vmem_shared>> -> memref<10000x128xf32, #tpu.memory_space<vmem_shared>>
      tpu.wait_indirect_dma semaphore(%run_scoped3A_103 : memref<!tpu.dma_semaphore, #tpu.memory_space<semaphore_mem>>) src(%arg8 : memref<100x128xf32, #tpu.memory_space<vmem>>) dst(%dma_wait3A_115 : memref<10000x128xf32, #tpu.memory_space<vmem_shared>>)
      tpu.yield
    }) : () -> ()
    %dma_wait3A_53 = arith.constant 0 : i32
    %dma_wait3A_54 = arith.constant 0 : i32
    %dma_wait3A_55 = tpu.memref_slice %arg6[%dma_wait3A_53, %dma_wait3A_54] : memref<50x100xi32, #tpu.memory_space<vmem>> -> memref<1x100xi32, #tpu.memory_space<vmem>>
    %dma_wait3A_56 = tpu.memref_squeeze %dma_wait3A_55 : memref<1x100xi32, #tpu.memory_space<vmem>> -> memref<100xi32, #tpu.memory_space<vmem>>
    %dma_wait3A_57 = arith.constant 0 : i32
    %dma_wait3A_58 = arith.constant 0 : i32
    %dma_wait3A_59 = tpu.memref_slice %arg2[%dma_wait3A_57, %dma_wait3A_58] : memref<10000x128xf32, #tpu.memory_space<hbm>> -> memref<10000x128xf32, #tpu.memory_space<hbm>>
    tpu.wait_indirect_dma semaphore(%arg12 : memref<!tpu.dma_semaphore, #tpu.memory_space<semaphore_mem>>) src(%dma_wait3A_59 : memref<10000x128xf32, #tpu.memory_space<hbm>>) dst(%arg9 : memref<100x128xf32, #tpu.memory_space<vmem>>)
    %run_scoped3A_60 = arith.constant 49 : i32
    "tpu.region"() ({
      %run_scoped3A_103 = tpu.sem_alloc : memref<!tpu.dma_semaphore, #tpu.memory_space<semaphore_mem>>
      %dma_start3A_104 = arith.constant 0 : i32
      %dma_start3A_105 = tpu.memref_slice %arg7[%run_scoped3A_60, %dma_start3A_104] : memref<50x100xi32, #tpu.memory_space<vmem>> -> memref<1x100xi32, #tpu.memory_space<vmem>>
      %dma_start3A_106 = tpu.memref_squeeze %dma_start3A_105 : memref<1x100xi32, #tpu.memory_space<vmem>> -> memref<100xi32, #tpu.memory_space<vmem>>
      %dma_start3A_107 = arith.constant 0 : i32
      %dma_start3A_108 = arith.constant 0 : i32
      %dma_start3A_109 = tpu.memref_slice %arg10[%dma_start3A_107, %dma_start3A_108] : memref<10000x128xf32, #tpu.memory_space<vmem_shared>> -> memref<10000x128xf32, #tpu.memory_space<vmem_shared>>
      tpu.enqueue_indirect_dma source(%arg9 : memref<100x128xf32, #tpu.memory_space<vmem>>) target(%dma_start3A_109 : memref<10000x128xf32, #tpu.memory_space<vmem_shared>>) offsets(%dma_start3A_106 : memref<100xi32, #tpu.memory_space<vmem>>) semaphore(%run_scoped3A_103 : memref<!tpu.dma_semaphore, #tpu.memory_space<semaphore_mem>>) {add = true}
      %dma_wait3A_110 = arith.constant 0 : i32
      %dma_wait3A_111 = tpu.memref_slice %arg7[%run_scoped3A_60, %dma_wait3A_110] : memref<50x100xi32, #tpu.memory_space<vmem>> -> memref<1x100xi32, #tpu.memory_space<vmem>>
      %dma_wait3A_112 = tpu.memref_squeeze %dma_wait3A_111 : memref<1x100xi32, #tpu.memory_space<vmem>> -> memref<100xi32, #tpu.memory_space<vmem>>
      %dma_wait3A_113 = arith.constant 0 : i32
      %dma_wait3A_114 = arith.constant 0 : i32
      %dma_wait3A_115 = tpu.memref_slice %arg10[%dma_wait3A_113, %dma_wait3A_114] : memref<10000x128xf32, #tpu.memory_space<vmem_shared>> -> memref<10000x128xf32, #tpu.memory_space<vmem_shared>>
      tpu.wait_indirect_dma semaphore(%run_scoped3A_103 : memref<!tpu.dma_semaphore, #tpu.memory_space<semaphore_mem>>) src(%arg9 : memref<100x128xf32, #tpu.memory_space<vmem>>) dst(%dma_wait3A_115 : memref<10000x128xf32, #tpu.memory_space<vmem_shared>>)
      tpu.yield
    }) : () -> ()
    %run_scoped3A_61 = arith.constant 1 : i32
    "tpu.region"() ({
      %run_scoped3A_103 = tpu.sem_alloc : memref<!tpu.dma_semaphore, #tpu.memory_space<semaphore_mem>>
      %dma_start3A_104 = arith.constant 0 : i32
      %dma_start3A_105 = arith.constant 0 : i32
      %dma_start3A_106 = tpu.memref_slice %arg3[%add3A, %run_scoped3A_61, %dma_start3A_104, %dma_start3A_105] : memref<32x2x50x100xi32, #tpu.memory_space<hbm>> -> memref<1x1x50x100xi32, #tpu.memory_space<hbm>>
      %dma_start3A_107 = tpu.memref_squeeze %dma_start3A_106 : memref<1x1x50x100xi32, #tpu.memory_space<hbm>> -> memref<50x100xi32, #tpu.memory_space<hbm>>
      %dma_start3A_108 = arith.constant 0 : i32
      %dma_start3A_109 = arith.constant 0 : i32
      %dma_start3A_110 = tpu.memref_slice %arg3[%add3A, %run_scoped3A_61, %dma_start3A_108, %dma_start3A_109] : memref<32x2x50x100xi32, #tpu.memory_space<hbm>> -> memref<1x1x50x100xi32, #tpu.memory_space<hbm>>
      %dma_start3A_111 = tpu.memref_squeeze %dma_start3A_110 : memref<1x1x50x100xi32, #tpu.memory_space<hbm>> -> memref<50x100xi32, #tpu.memory_space<hbm>>
      tpu.enqueue_dma source(%dma_start3A_111 : memref<50x100xi32, #tpu.memory_space<hbm>>) target(%arg6 : memref<50x100xi32, #tpu.memory_space<vmem>>) target_semaphore(%run_scoped3A_103 : memref<!tpu.dma_semaphore, #tpu.memory_space<semaphore_mem>>)
      %dma_wait3A_112 = arith.constant 0 : i32
      %dma_wait3A_113 = arith.constant 0 : i32
      %dma_wait3A_114 = tpu.memref_slice %arg3[%add3A, %run_scoped3A_61, %dma_wait3A_112, %dma_wait3A_113] : memref<32x2x50x100xi32, #tpu.memory_space<hbm>> -> memref<1x1x50x100xi32, #tpu.memory_space<hbm>>
      %dma_wait3A_115 = tpu.memref_squeeze %dma_wait3A_114 : memref<1x1x50x100xi32, #tpu.memory_space<hbm>> -> memref<50x100xi32, #tpu.memory_space<hbm>>
      %dma_wait3A_116 = arith.constant 0 : i32
      %dma_wait3A_117 = arith.constant 0 : i32
      %dma_wait3A_118 = tpu.memref_slice %arg3[%add3A, %run_scoped3A_61, %dma_wait3A_116, %dma_wait3A_117] : memref<32x2x50x100xi32, #tpu.memory_space<hbm>> -> memref<1x1x50x100xi32, #tpu.memory_space<hbm>>
      %dma_wait3A_119 = tpu.memref_squeeze %dma_wait3A_118 : memref<1x1x50x100xi32, #tpu.memory_space<hbm>> -> memref<50x100xi32, #tpu.memory_space<hbm>>
      tpu.wait_dma2 semaphore(%run_scoped3A_103 : memref<!tpu.dma_semaphore, #tpu.memory_space<semaphore_mem>>) src(%dma_wait3A_119 : memref<50x100xi32, #tpu.memory_space<hbm>>) dst(%arg6 : memref<50x100xi32, #tpu.memory_space<vmem>>)
      tpu.yield
    }) : () -> ()
    %run_scoped3A_62 = arith.constant 1 : i32
    "tpu.region"() ({
      %run_scoped3A_103 = tpu.sem_alloc : memref<!tpu.dma_semaphore, #tpu.memory_space<semaphore_mem>>
      %dma_start3A_104 = arith.constant 0 : i32
      %dma_start3A_105 = arith.constant 0 : i32
      %dma_start3A_106 = tpu.memref_slice %arg4[%add3A, %run_scoped3A_62, %dma_start3A_104, %dma_start3A_105] : memref<32x2x50x100xi32, #tpu.memory_space<hbm>> -> memref<1x1x50x100xi32, #tpu.memory_space<hbm>>
      %dma_start3A_107 = tpu.memref_squeeze %dma_start3A_106 : memref<1x1x50x100xi32, #tpu.memory_space<hbm>> -> memref<50x100xi32, #tpu.memory_space<hbm>>
      %dma_start3A_108 = arith.constant 0 : i32
      %dma_start3A_109 = arith.constant 0 : i32
      %dma_start3A_110 = tpu.memref_slice %arg4[%add3A, %run_scoped3A_62, %dma_start3A_108, %dma_start3A_109] : memref<32x2x50x100xi32, #tpu.memory_space<hbm>> -> memref<1x1x50x100xi32, #tpu.memory_space<hbm>>
      %dma_start3A_111 = tpu.memref_squeeze %dma_start3A_110 : memref<1x1x50x100xi32, #tpu.memory_space<hbm>> -> memref<50x100xi32, #tpu.memory_space<hbm>>
      tpu.enqueue_dma source(%dma_start3A_111 : memref<50x100xi32, #tpu.memory_space<hbm>>) target(%arg7 : memref<50x100xi32, #tpu.memory_space<vmem>>) target_semaphore(%run_scoped3A_103 : memref<!tpu.dma_semaphore, #tpu.memory_space<semaphore_mem>>)
      %dma_wait3A_112 = arith.constant 0 : i32
      %dma_wait3A_113 = arith.constant 0 : i32
      %dma_wait3A_114 = tpu.memref_slice %arg4[%add3A, %run_scoped3A_62, %dma_wait3A_112, %dma_wait3A_113] : memref<32x2x50x100xi32, #tpu.memory_space<hbm>> -> memref<1x1x50x100xi32, #tpu.memory_space<hbm>>
      %dma_wait3A_115 = tpu.memref_squeeze %dma_wait3A_114 : memref<1x1x50x100xi32, #tpu.memory_space<hbm>> -> memref<50x100xi32, #tpu.memory_space<hbm>>
      %dma_wait3A_116 = arith.constant 0 : i32
      %dma_wait3A_117 = arith.constant 0 : i32
      %dma_wait3A_118 = tpu.memref_slice %arg4[%add3A, %run_scoped3A_62, %dma_wait3A_116, %dma_wait3A_117] : memref<32x2x50x100xi32, #tpu.memory_space<hbm>> -> memref<1x1x50x100xi32, #tpu.memory_space<hbm>>
      %dma_wait3A_119 = tpu.memref_squeeze %dma_wait3A_118 : memref<1x1x50x100xi32, #tpu.memory_space<hbm>> -> memref<50x100xi32, #tpu.memory_space<hbm>>
      tpu.wait_dma2 semaphore(%run_scoped3A_103 : memref<!tpu.dma_semaphore, #tpu.memory_space<semaphore_mem>>) src(%dma_wait3A_119 : memref<50x100xi32, #tpu.memory_space<hbm>>) dst(%arg7 : memref<50x100xi32, #tpu.memory_space<vmem>>)
      tpu.yield
    }) : () -> ()
    %dma_start3A_63 = arith.constant 0 : i32
    %dma_start3A_64 = arith.constant 0 : i32
    %dma_start3A_65 = tpu.memref_slice %arg6[%dma_start3A_63, %dma_start3A_64] : memref<50x100xi32, #tpu.memory_space<vmem>> -> memref<1x100xi32, #tpu.memory_space<vmem>>
    %dma_start3A_66 = tpu.memref_squeeze %dma_start3A_65 : memref<1x100xi32, #tpu.memory_space<vmem>> -> memref<100xi32, #tpu.memory_space<vmem>>
    %dma_start3A_67 = arith.constant 0 : i32
    %dma_start3A_68 = arith.constant 0 : i32
    %dma_start3A_69 = tpu.memref_slice %arg2[%dma_start3A_67, %dma_start3A_68] : memref<10000x128xf32, #tpu.memory_space<hbm>> -> memref<10000x128xf32, #tpu.memory_space<hbm>>
    tpu.enqueue_indirect_dma source(%dma_start3A_69 : memref<10000x128xf32, #tpu.memory_space<hbm>>) target(%arg8 : memref<100x128xf32, #tpu.memory_space<vmem>>) offsets(%dma_start3A_66 : memref<100xi32, #tpu.memory_space<vmem>>) semaphore(%arg11 : memref<!tpu.dma_semaphore, #tpu.memory_space<semaphore_mem>>)
    %scan3A_70 = arith.constant 0 : i32
    %scan3A_71 = arith.constant 0 : i32
    %scan3A_72 = arith.constant 24 : i32
    %scan3A_73 = arith.addi %scan3A_71, %scan3A_72 : i32
    %scan3A_74 = arith.constant 1 : i32
    %scan3A_75 = scf.for %scan3A_103 = %scan3A_71 to %scan3A_73 step %scan3A_74 iter_args(%scan3A_104 = %scan3A_70) -> (i32)  : i32 {
      %mul3A_105 = arith.constant 2 : i32
      %mul3A_106 = arith.muli %mul3A_105, %scan3A_103 : i32
      %add3A_107 = arith.constant 1 : i32
      %add3A_108 = arith.addi %mul3A_106, %add3A_107 : i32
      %dma_start3A_109 = arith.constant 0 : i32
      %dma_start3A_110 = tpu.memref_slice %arg6[%add3A_108, %dma_start3A_109] : memref<50x100xi32, #tpu.memory_space<vmem>> -> memref<1x100xi32, #tpu.memory_space<vmem>>
      %dma_start3A_111 = tpu.memref_squeeze %dma_start3A_110 : memref<1x100xi32, #tpu.memory_space<vmem>> -> memref<100xi32, #tpu.memory_space<vmem>>
      %dma_start3A_112 = arith.constant 0 : i32
      %dma_start3A_113 = arith.constant 0 : i32
      %dma_start3A_114 = tpu.memref_slice %arg2[%dma_start3A_112, %dma_start3A_113] : memref<10000x128xf32, #tpu.memory_space<hbm>> -> memref<10000x128xf32, #tpu.memory_space<hbm>>
      tpu.enqueue_indirect_dma source(%dma_start3A_114 : memref<10000x128xf32, #tpu.memory_space<hbm>>) target(%arg9 : memref<100x128xf32, #tpu.memory_space<vmem>>) offsets(%dma_start3A_111 : memref<100xi32, #tpu.memory_space<vmem>>) semaphore(%arg12 : memref<!tpu.dma_semaphore, #tpu.memory_space<semaphore_mem>>)
      %dma_wait3A_115 = arith.constant 0 : i32
      %dma_wait3A_116 = arith.constant 0 : i32
      %dma_wait3A_117 = tpu.memref_slice %arg6[%dma_wait3A_115, %dma_wait3A_116] : memref<50x100xi32, #tpu.memory_space<vmem>> -> memref<1x100xi32, #tpu.memory_space<vmem>>
      %dma_wait3A_118 = tpu.memref_squeeze %dma_wait3A_117 : memref<1x100xi32, #tpu.memory_space<vmem>> -> memref<100xi32, #tpu.memory_space<vmem>>
      %dma_wait3A_119 = arith.constant 0 : i32
      %dma_wait3A_120 = arith.constant 0 : i32
      %dma_wait3A_121 = tpu.memref_slice %arg2[%dma_wait3A_119, %dma_wait3A_120] : memref<10000x128xf32, #tpu.memory_space<hbm>> -> memref<10000x128xf32, #tpu.memory_space<hbm>>
      tpu.wait_indirect_dma semaphore(%arg11 : memref<!tpu.dma_semaphore, #tpu.memory_space<semaphore_mem>>) src(%dma_wait3A_121 : memref<10000x128xf32, #tpu.memory_space<hbm>>) dst(%arg8 : memref<100x128xf32, #tpu.memory_space<vmem>>)
      "tpu.region"() ({
        %run_scoped3A_140 = tpu.sem_alloc : memref<!tpu.dma_semaphore, #tpu.memory_space<semaphore_mem>>
        %dma_start3A_141 = arith.constant 0 : i32
        %dma_start3A_142 = tpu.memref_slice %arg7[%mul3A_106, %dma_start3A_141] : memref<50x100xi32, #tpu.memory_space<vmem>> -> memref<1x100xi32, #tpu.memory_space<vmem>>
        %dma_start3A_143 = tpu.memref_squeeze %dma_start3A_142 : memref<1x100xi32, #tpu.memory_space<vmem>> -> memref<100xi32, #tpu.memory_space<vmem>>
        %dma_start3A_144 = arith.constant 0 : i32
        %dma_start3A_145 = arith.constant 0 : i32
        %dma_start3A_146 = tpu.memref_slice %arg10[%dma_start3A_144, %dma_start3A_145] : memref<10000x128xf32, #tpu.memory_space<vmem_shared>> -> memref<10000x128xf32, #tpu.memory_space<vmem_shared>>
        tpu.enqueue_indirect_dma source(%arg8 : memref<100x128xf32, #tpu.memory_space<vmem>>) target(%dma_start3A_146 : memref<10000x128xf32, #tpu.memory_space<vmem_shared>>) offsets(%dma_start3A_143 : memref<100xi32, #tpu.memory_space<vmem>>) semaphore(%run_scoped3A_140 : memref<!tpu.dma_semaphore, #tpu.memory_space<semaphore_mem>>) {add = true}
        %dma_wait3A_147 = arith.constant 0 : i32
        %dma_wait3A_148 = tpu.memref_slice %arg7[%mul3A_106, %dma_wait3A_147] : memref<50x100xi32, #tpu.memory_space<vmem>> -> memref<1x100xi32, #tpu.memory_space<vmem>>
        %dma_wait3A_149 = tpu.memref_squeeze %dma_wait3A_148 : memref<1x100xi32, #tpu.memory_space<vmem>> -> memref<100xi32, #tpu.memory_space<vmem>>
        %dma_wait3A_150 = arith.constant 0 : i32
        %dma_wait3A_151 = arith.constant 0 : i32
        %dma_wait3A_152 = tpu.memref_slice %arg10[%dma_wait3A_150, %dma_wait3A_151] : memref<10000x128xf32, #tpu.memory_space<vmem_shared>> -> memref<10000x128xf32, #tpu.memory_space<vmem_shared>>
        tpu.wait_indirect_dma semaphore(%run_scoped3A_140 : memref<!tpu.dma_semaphore, #tpu.memory_space<semaphore_mem>>) src(%arg8 : memref<100x128xf32, #tpu.memory_space<vmem>>) dst(%dma_wait3A_152 : memref<10000x128xf32, #tpu.memory_space<vmem_shared>>)
        tpu.yield
      }) : () -> ()
      %add3A_122 = arith.constant 2 : i32
      %add3A_123 = arith.addi %mul3A_106, %add3A_122 : i32
      %dma_start3A_124 = arith.constant 0 : i32
      %dma_start3A_125 = tpu.memref_slice %arg6[%add3A_123, %dma_start3A_124] : memref<50x100xi32, #tpu.memory_space<vmem>> -> memref<1x100xi32, #tpu.memory_space<vmem>>
      %dma_start3A_126 = tpu.memref_squeeze %dma_start3A_125 : memref<1x100xi32, #tpu.memory_space<vmem>> -> memref<100xi32, #tpu.memory_space<vmem>>
      %dma_start3A_127 = arith.constant 0 : i32
      %dma_start3A_128 = arith.constant 0 : i32
      %dma_start3A_129 = tpu.memref_slice %arg2[%dma_start3A_127, %dma_start3A_128] : memref<10000x128xf32, #tpu.memory_space<hbm>> -> memref<10000x128xf32, #tpu.memory_space<hbm>>
      tpu.enqueue_indirect_dma source(%dma_start3A_129 : memref<10000x128xf32, #tpu.memory_space<hbm>>) target(%arg8 : memref<100x128xf32, #tpu.memory_space<vmem>>) offsets(%dma_start3A_126 : memref<100xi32, #tpu.memory_space<vmem>>) semaphore(%arg11 : memref<!tpu.dma_semaphore, #tpu.memory_space<semaphore_mem>>)
      %dma_wait3A_130 = arith.constant 0 : i32
      %dma_wait3A_131 = arith.constant 0 : i32
      %dma_wait3A_132 = tpu.memref_slice %arg6[%dma_wait3A_130, %dma_wait3A_131] : memref<50x100xi32, #tpu.memory_space<vmem>> -> memref<1x100xi32, #tpu.memory_space<vmem>>
      %dma_wait3A_133 = tpu.memref_squeeze %dma_wait3A_132 : memref<1x100xi32, #tpu.memory_space<vmem>> -> memref<100xi32, #tpu.memory_space<vmem>>
      %dma_wait3A_134 = arith.constant 0 : i32
      %dma_wait3A_135 = arith.constant 0 : i32
      %dma_wait3A_136 = tpu.memref_slice %arg2[%dma_wait3A_134, %dma_wait3A_135] : memref<10000x128xf32, #tpu.memory_space<hbm>> -> memref<10000x128xf32, #tpu.memory_space<hbm>>
      tpu.wait_indirect_dma semaphore(%arg12 : memref<!tpu.dma_semaphore, #tpu.memory_space<semaphore_mem>>) src(%dma_wait3A_136 : memref<10000x128xf32, #tpu.memory_space<hbm>>) dst(%arg9 : memref<100x128xf32, #tpu.memory_space<vmem>>)
      %add3A_137 = arith.constant 1 : i32
      %add3A_138 = arith.addi %mul3A_106, %add3A_137 : i32
      "tpu.region"() ({
        %run_scoped3A_140 = tpu.sem_alloc : memref<!tpu.dma_semaphore, #tpu.memory_space<semaphore_mem>>
        %dma_start3A_141 = arith.constant 0 : i32
        %dma_start3A_142 = tpu.memref_slice %arg7[%add3A_138, %dma_start3A_141] : memref<50x100xi32, #tpu.memory_space<vmem>> -> memref<1x100xi32, #tpu.memory_space<vmem>>
        %dma_start3A_143 = tpu.memref_squeeze %dma_start3A_142 : memref<1x100xi32, #tpu.memory_space<vmem>> -> memref<100xi32, #tpu.memory_space<vmem>>
        %dma_start3A_144 = arith.constant 0 : i32
        %dma_start3A_145 = arith.constant 0 : i32
        %dma_start3A_146 = tpu.memref_slice %arg10[%dma_start3A_144, %dma_start3A_145] : memref<10000x128xf32, #tpu.memory_space<vmem_shared>> -> memref<10000x128xf32, #tpu.memory_space<vmem_shared>>
        tpu.enqueue_indirect_dma source(%arg9 : memref<100x128xf32, #tpu.memory_space<vmem>>) target(%dma_start3A_146 : memref<10000x128xf32, #tpu.memory_space<vmem_shared>>) offsets(%dma_start3A_143 : memref<100xi32, #tpu.memory_space<vmem>>) semaphore(%run_scoped3A_140 : memref<!tpu.dma_semaphore, #tpu.memory_space<semaphore_mem>>) {add = true}
        %dma_wait3A_147 = arith.constant 0 : i32
        %dma_wait3A_148 = tpu.memref_slice %arg7[%add3A_138, %dma_wait3A_147] : memref<50x100xi32, #tpu.memory_space<vmem>> -> memref<1x100xi32, #tpu.memory_space<vmem>>
        %dma_wait3A_149 = tpu.memref_squeeze %dma_wait3A_148 : memref<1x100xi32, #tpu.memory_space<vmem>> -> memref<100xi32, #tpu.memory_space<vmem>>
        %dma_wait3A_150 = arith.constant 0 : i32
        %dma_wait3A_151 = arith.constant 0 : i32
        %dma_wait3A_152 = tpu.memref_slice %arg10[%dma_wait3A_150, %dma_wait3A_151] : memref<10000x128xf32, #tpu.memory_space<vmem_shared>> -> memref<10000x128xf32, #tpu.memory_space<vmem_shared>>
        tpu.wait_indirect_dma semaphore(%run_scoped3A_140 : memref<!tpu.dma_semaphore, #tpu.memory_space<semaphore_mem>>) src(%arg9 : memref<100x128xf32, #tpu.memory_space<vmem>>) dst(%dma_wait3A_152 : memref<10000x128xf32, #tpu.memory_space<vmem_shared>>)
        tpu.yield
      }) : () -> ()
      %scan3A_139 = arith.constant 0 : i32
      scf.yield %scan3A_139 : i32
    }
    %scan3A_76 = arith.constant 24 : i32
    %dma_start3A_77 = arith.constant 49 : i32
    %dma_start3A_78 = arith.constant 0 : i32
    %dma_start3A_79 = tpu.memref_slice %arg6[%dma_start3A_77, %dma_start3A_78] : memref<50x100xi32, #tpu.memory_space<vmem>> -> memref<1x100xi32, #tpu.memory_space<vmem>>
    %dma_start3A_80 = tpu.memref_squeeze %dma_start3A_79 : memref<1x100xi32, #tpu.memory_space<vmem>> -> memref<100xi32, #tpu.memory_space<vmem>>
    %dma_start3A_81 = arith.constant 0 : i32
    %dma_start3A_82 = arith.constant 0 : i32
    %dma_start3A_83 = tpu.memref_slice %arg2[%dma_start3A_81, %dma_start3A_82] : memref<10000x128xf32, #tpu.memory_space<hbm>> -> memref<10000x128xf32, #tpu.memory_space<hbm>>
    tpu.enqueue_indirect_dma source(%dma_start3A_83 : memref<10000x128xf32, #tpu.memory_space<hbm>>) target(%arg9 : memref<100x128xf32, #tpu.memory_space<vmem>>) offsets(%dma_start3A_80 : memref<100xi32, #tpu.memory_space<vmem>>) semaphore(%arg12 : memref<!tpu.dma_semaphore, #tpu.memory_space<semaphore_mem>>)
    %dma_wait3A_84 = arith.constant 0 : i32
    %dma_wait3A_85 = arith.constant 0 : i32
    %dma_wait3A_86 = tpu.memref_slice %arg6[%dma_wait3A_84, %dma_wait3A_85] : memref<50x100xi32, #tpu.memory_space<vmem>> -> memref<1x100xi32, #tpu.memory_space<vmem>>
    %dma_wait3A_87 = tpu.memref_squeeze %dma_wait3A_86 : memref<1x100xi32, #tpu.memory_space<vmem>> -> memref<100xi32, #tpu.memory_space<vmem>>
    %dma_wait3A_88 = arith.constant 0 : i32
    %dma_wait3A_89 = arith.constant 0 : i32
    %dma_wait3A_90 = tpu.memref_slice %arg2[%dma_wait3A_88, %dma_wait3A_89] : memref<10000x128xf32, #tpu.memory_space<hbm>> -> memref<10000x128xf32, #tpu.memory_space<hbm>>
    tpu.wait_indirect_dma semaphore(%arg11 : memref<!tpu.dma_semaphore, #tpu.memory_space<semaphore_mem>>) src(%dma_wait3A_90 : memref<10000x128xf32, #tpu.memory_space<hbm>>) dst(%arg8 : memref<100x128xf32, #tpu.memory_space<vmem>>)
    %run_scoped3A_91 = arith.constant 48 : i32
    "tpu.region"() ({
      %run_scoped3A_103 = tpu.sem_alloc : memref<!tpu.dma_semaphore, #tpu.memory_space<semaphore_mem>>
      %dma_start3A_104 = arith.constant 0 : i32
      %dma_start3A_105 = tpu.memref_slice %arg7[%run_scoped3A_91, %dma_start3A_104] : memref<50x100xi32, #tpu.memory_space<vmem>> -> memref<1x100xi32, #tpu.memory_space<vmem>>
      %dma_start3A_106 = tpu.memref_squeeze %dma_start3A_105 : memref<1x100xi32, #tpu.memory_space<vmem>> -> memref<100xi32, #tpu.memory_space<vmem>>
      %dma_start3A_107 = arith.constant 0 : i32
      %dma_start3A_108 = arith.constant 0 : i32
      %dma_start3A_109 = tpu.memref_slice %arg10[%dma_start3A_107, %dma_start3A_108] : memref<10000x128xf32, #tpu.memory_space<vmem_shared>> -> memref<10000x128xf32, #tpu.memory_space<vmem_shared>>
      tpu.enqueue_indirect_dma source(%arg8 : memref<100x128xf32, #tpu.memory_space<vmem>>) target(%dma_start3A_109 : memref<10000x128xf32, #tpu.memory_space<vmem_shared>>) offsets(%dma_start3A_106 : memref<100xi32, #tpu.memory_space<vmem>>) semaphore(%run_scoped3A_103 : memref<!tpu.dma_semaphore, #tpu.memory_space<semaphore_mem>>) {add = true}
      %dma_wait3A_110 = arith.constant 0 : i32
      %dma_wait3A_111 = tpu.memref_slice %arg7[%run_scoped3A_91, %dma_wait3A_110] : memref<50x100xi32, #tpu.memory_space<vmem>> -> memref<1x100xi32, #tpu.memory_space<vmem>>
      %dma_wait3A_112 = tpu.memref_squeeze %dma_wait3A_111 : memref<1x100xi32, #tpu.memory_space<vmem>> -> memref<100xi32, #tpu.memory_space<vmem>>
      %dma_wait3A_113 = arith.constant 0 : i32
      %dma_wait3A_114 = arith.constant 0 : i32
      %dma_wait3A_115 = tpu.memref_slice %arg10[%dma_wait3A_113, %dma_wait3A_114] : memref<10000x128xf32, #tpu.memory_space<vmem_shared>> -> memref<10000x128xf32, #tpu.memory_space<vmem_shared>>
      tpu.wait_indirect_dma semaphore(%run_scoped3A_103 : memref<!tpu.dma_semaphore, #tpu.memory_space<semaphore_mem>>) src(%arg8 : memref<100x128xf32, #tpu.memory_space<vmem>>) dst(%dma_wait3A_115 : memref<10000x128xf32, #tpu.memory_space<vmem_shared>>)
      tpu.yield
    }) : () -> ()
    %dma_wait3A_92 = arith.constant 0 : i32
    %dma_wait3A_93 = arith.constant 0 : i32
    %dma_wait3A_94 = tpu.memref_slice %arg6[%dma_wait3A_92, %dma_wait3A_93] : memref<50x100xi32, #tpu.memory_space<vmem>> -> memref<1x100xi32, #tpu.memory_space<vmem>>
    %dma_wait3A_95 = tpu.memref_squeeze %dma_wait3A_94 : memref<1x100xi32, #tpu.memory_space<vmem>> -> memref<100xi32, #tpu.memory_space<vmem>>
    %dma_wait3A_96 = arith.constant 0 : i32
    %dma_wait3A_97 = arith.constant 0 : i32
    %dma_wait3A_98 = tpu.memref_slice %arg2[%dma_wait3A_96, %dma_wait3A_97] : memref<10000x128xf32, #tpu.memory_space<hbm>> -> memref<10000x128xf32, #tpu.memory_space<hbm>>
    tpu.wait_indirect_dma semaphore(%arg12 : memref<!tpu.dma_semaphore, #tpu.memory_space<semaphore_mem>>) src(%dma_wait3A_98 : memref<10000x128xf32, #tpu.memory_space<hbm>>) dst(%arg9 : memref<100x128xf32, #tpu.memory_space<vmem>>)
    %run_scoped3A_99 = arith.constant 49 : i32
    "tpu.region"() ({
      %run_scoped3A_103 = tpu.sem_alloc : memref<!tpu.dma_semaphore, #tpu.memory_space<semaphore_mem>>
      %dma_start3A_104 = arith.constant 0 : i32
      %dma_start3A_105 = tpu.memref_slice %arg7[%run_scoped3A_99, %dma_start3A_104] : memref<50x100xi32, #tpu.memory_space<vmem>> -> memref<1x100xi32, #tpu.memory_space<vmem>>
      %dma_start3A_106 = tpu.memref_squeeze %dma_start3A_105 : memref<1x100xi32, #tpu.memory_space<vmem>> -> memref<100xi32, #tpu.memory_space<vmem>>
      %dma_start3A_107 = arith.constant 0 : i32
      %dma_start3A_108 = arith.constant 0 : i32
      %dma_start3A_109 = tpu.memref_slice %arg10[%dma_start3A_107, %dma_start3A_108] : memref<10000x128xf32, #tpu.memory_space<vmem_shared>> -> memref<10000x128xf32, #tpu.memory_space<vmem_shared>>
      tpu.enqueue_indirect_dma source(%arg9 : memref<100x128xf32, #tpu.memory_space<vmem>>) target(%dma_start3A_109 : memref<10000x128xf32, #tpu.memory_space<vmem_shared>>) offsets(%dma_start3A_106 : memref<100xi32, #tpu.memory_space<vmem>>) semaphore(%run_scoped3A_103 : memref<!tpu.dma_semaphore, #tpu.memory_space<semaphore_mem>>) {add = true}
      %dma_wait3A_110 = arith.constant 0 : i32
      %dma_wait3A_111 = tpu.memref_slice %arg7[%run_scoped3A_99, %dma_wait3A_110] : memref<50x100xi32, #tpu.memory_space<vmem>> -> memref<1x100xi32, #tpu.memory_space<vmem>>
      %dma_wait3A_112 = tpu.memref_squeeze %dma_wait3A_111 : memref<1x100xi32, #tpu.memory_space<vmem>> -> memref<100xi32, #tpu.memory_space<vmem>>
      %dma_wait3A_113 = arith.constant 0 : i32
      %dma_wait3A_114 = arith.constant 0 : i32
      %dma_wait3A_115 = tpu.memref_slice %arg10[%dma_wait3A_113, %dma_wait3A_114] : memref<10000x128xf32, #tpu.memory_space<vmem_shared>> -> memref<10000x128xf32, #tpu.memory_space<vmem_shared>>
      tpu.wait_indirect_dma semaphore(%run_scoped3A_103 : memref<!tpu.dma_semaphore, #tpu.memory_space<semaphore_mem>>) src(%arg9 : memref<100x128xf32, #tpu.memory_space<vmem>>) dst(%dma_wait3A_115 : memref<10000x128xf32, #tpu.memory_space<vmem_shared>>)
      tpu.yield
    }) : () -> ()
    %barrier3A_100 = arith.constant 0 : index
    tpu.barrier barrier_id(%barrier3A_100)
    %mul3A_101 = arith.constant 625 : i32
    %mul3A_102 = arith.muli %arg1, %mul3A_101 : i32
    "tpu.region"() ({
      %run_scoped3A_103 = tpu.sem_alloc : memref<!tpu.dma_semaphore, #tpu.memory_space<semaphore_mem>>
      %dma_start3A_104 = arith.constant 0 : i32
      %dma_start3A_105 = arith.constant 0 : i32
      %dma_start3A_106 = tpu.memref_slice %arg5[%arg0, %arg1, %dma_start3A_104, %dma_start3A_105] : memref<2x16x625x128xf32, #tpu.memory_space<hbm>> -> memref<1x1x625x128xf32, #tpu.memory_space<hbm>>
      %dma_start3A_107 = tpu.memref_squeeze %dma_start3A_106 : memref<1x1x625x128xf32, #tpu.memory_space<hbm>> -> memref<625x128xf32, #tpu.memory_space<hbm>>
      %dma_start3A_108 = arith.constant 0 : i32
      %dma_start3A_109 = tpu.memref_slice %arg10[%mul3A_102, %dma_start3A_108] : memref<10000x128xf32, #tpu.memory_space<vmem_shared>> -> memref<625x128xf32, #tpu.memory_space<vmem_shared>>
      tpu.enqueue_dma source(%dma_start3A_109 : memref<625x128xf32, #tpu.memory_space<vmem_shared>>) target(%dma_start3A_107 : memref<625x128xf32, #tpu.memory_space<hbm>>) target_semaphore(%run_scoped3A_103 : memref<!tpu.dma_semaphore, #tpu.memory_space<semaphore_mem>>)
      %dma_wait3A_110 = arith.constant 0 : i32
      %dma_wait3A_111 = arith.constant 0 : i32
      %dma_wait3A_112 = tpu.memref_slice %arg5[%arg0, %arg1, %dma_wait3A_110, %dma_wait3A_111] : memref<2x16x625x128xf32, #tpu.memory_space<hbm>> -> memref<1x1x625x128xf32, #tpu.memory_space<hbm>>
      %dma_wait3A_113 = tpu.memref_squeeze %dma_wait3A_112 : memref<1x1x625x128xf32, #tpu.memory_space<hbm>> -> memref<625x128xf32, #tpu.memory_space<hbm>>
      %dma_wait3A_114 = arith.constant 0 : i32
      %dma_wait3A_115 = tpu.memref_slice %arg10[%mul3A_102, %dma_wait3A_114] : memref<10000x128xf32, #tpu.memory_space<vmem_shared>> -> memref<625x128xf32, #tpu.memory_space<vmem_shared>>
      tpu.wait_dma2 semaphore(%run_scoped3A_103 : memref<!tpu.dma_semaphore, #tpu.memory_space<semaphore_mem>>) src(%dma_wait3A_115 : memref<625x128xf32, #tpu.memory_space<vmem_shared>>) dst(%dma_wait3A_113 : memref<625x128xf32, #tpu.memory_space<hbm>>)
      tpu.yield
    }) : () -> ()
    return
  }
}

#map = affine_map<(d0, d1) -> (0, 0, 0, 0)>
#map1 = affine_map<(d0, d1) -> (0, 0)>
module attributes {stable_mosaic.version = 14 : i64} {
  func.func @_cnt_body(%arg0: i32, %arg1: i32, %arg2: memref<32x2x50x100xi32, #tpu.memory_space<hbm>>, %arg3: memref<100x128xf32, #tpu.memory_space<hbm>>, %arg4: memref<100x128xf32, #tpu.memory_space<hbm>>, %arg5: memref<2x16x625x128xf32, #tpu.memory_space<hbm>>, %arg6: memref<2x50x100xi32, #tpu.memory_space<vmem>>, %arg7: memref<100x128xf32, #tpu.memory_space<vmem>>, %arg8: memref<10000x128xf32, #tpu.memory_space<vmem_shared>>) attributes {dimension_semantics = [#tpu.dimension_semantics<core_parallel>, #tpu.dimension_semantics<subcore_parallel>], iteration_bounds = array<i64: 2, 16>, scalar_prefetch = 0 : i64, scratch_operands = 3 : i64, tpu.core_type = #tpu.core_type<sc_vector_subcore>, window_params = [{transform_indices = #map}, {transform_indices = #map1}, {transform_indices = #map1}, {transform_indices = #map}]} {
    %mul3A = arith.constant 16 : i32
    %mul3A_0 = arith.muli %arg0, %mul3A : i32
    %add3A = arith.addi %mul3A_0, %arg1 : i32
    "tpu.region"() ({
      %run_scoped3A = tpu.sem_alloc : memref<!tpu.dma_semaphore, #tpu.memory_space<semaphore_mem>>
      tpu.enqueue_dma source(%arg3 : memref<100x128xf32, #tpu.memory_space<hbm>>) target(%arg7 : memref<100x128xf32, #tpu.memory_space<vmem>>) target_semaphore(%run_scoped3A : memref<!tpu.dma_semaphore, #tpu.memory_space<semaphore_mem>>)
      tpu.wait_dma2 semaphore(%run_scoped3A : memref<!tpu.dma_semaphore, #tpu.memory_space<semaphore_mem>>) src(%arg3 : memref<100x128xf32, #tpu.memory_space<hbm>>) dst(%arg7 : memref<100x128xf32, #tpu.memory_space<vmem>>)
      tpu.yield
    }) : () -> ()
    %mul3A_1 = arith.constant 625 : i32
    %mul3A_2 = arith.muli %arg1, %mul3A_1 : i32
    %add3A_3 = arith.constant 0 : i32
    %add3A_4 = arith.addi %mul3A_2, %add3A_3 : i32
    "tpu.region"() ({
      %run_scoped3A = tpu.sem_alloc : memref<!tpu.dma_semaphore, #tpu.memory_space<semaphore_mem>>
      %dma_start3A = arith.constant 0 : i32
      %dma_start3A_32 = tpu.memref_slice %arg8[%add3A_4, %dma_start3A] : memref<10000x128xf32, #tpu.memory_space<vmem_shared>> -> memref<100x128xf32, #tpu.memory_space<vmem_shared>>
      tpu.enqueue_dma source(%arg4 : memref<100x128xf32, #tpu.memory_space<hbm>>) target(%dma_start3A_32 : memref<100x128xf32, #tpu.memory_space<vmem_shared>>) target_semaphore(%run_scoped3A : memref<!tpu.dma_semaphore, #tpu.memory_space<semaphore_mem>>)
      %dma_wait3A = arith.constant 0 : i32
      %dma_wait3A_33 = tpu.memref_slice %arg8[%add3A_4, %dma_wait3A] : memref<10000x128xf32, #tpu.memory_space<vmem_shared>> -> memref<100x128xf32, #tpu.memory_space<vmem_shared>>
      tpu.wait_dma2 semaphore(%run_scoped3A : memref<!tpu.dma_semaphore, #tpu.memory_space<semaphore_mem>>) src(%arg4 : memref<100x128xf32, #tpu.memory_space<hbm>>) dst(%dma_wait3A_33 : memref<100x128xf32, #tpu.memory_space<vmem_shared>>)
      tpu.yield
    }) : () -> ()
    %add3A_5 = arith.constant 100 : i32
    %add3A_6 = arith.addi %mul3A_2, %add3A_5 : i32
    "tpu.region"() ({
      %run_scoped3A = tpu.sem_alloc : memref<!tpu.dma_semaphore, #tpu.memory_space<semaphore_mem>>
      %dma_start3A = arith.constant 0 : i32
      %dma_start3A_32 = tpu.memref_slice %arg8[%add3A_6, %dma_start3A] : memref<10000x128xf32, #tpu.memory_space<vmem_shared>> -> memref<100x128xf32, #tpu.memory_space<vmem_shared>>
      tpu.enqueue_dma source(%arg4 : memref<100x128xf32, #tpu.memory_space<hbm>>) target(%dma_start3A_32 : memref<100x128xf32, #tpu.memory_space<vmem_shared>>) target_semaphore(%run_scoped3A : memref<!tpu.dma_semaphore, #tpu.memory_space<semaphore_mem>>)
      %dma_wait3A = arith.constant 0 : i32
      %dma_wait3A_33 = tpu.memref_slice %arg8[%add3A_6, %dma_wait3A] : memref<10000x128xf32, #tpu.memory_space<vmem_shared>> -> memref<100x128xf32, #tpu.memory_space<vmem_shared>>
      tpu.wait_dma2 semaphore(%run_scoped3A : memref<!tpu.dma_semaphore, #tpu.memory_space<semaphore_mem>>) src(%arg4 : memref<100x128xf32, #tpu.memory_space<hbm>>) dst(%dma_wait3A_33 : memref<100x128xf32, #tpu.memory_space<vmem_shared>>)
      tpu.yield
    }) : () -> ()
    %add3A_7 = arith.constant 200 : i32
    %add3A_8 = arith.addi %mul3A_2, %add3A_7 : i32
    "tpu.region"() ({
      %run_scoped3A = tpu.sem_alloc : memref<!tpu.dma_semaphore, #tpu.memory_space<semaphore_mem>>
      %dma_start3A = arith.constant 0 : i32
      %dma_start3A_32 = tpu.memref_slice %arg8[%add3A_8, %dma_start3A] : memref<10000x128xf32, #tpu.memory_space<vmem_shared>> -> memref<100x128xf32, #tpu.memory_space<vmem_shared>>
      tpu.enqueue_dma source(%arg4 : memref<100x128xf32, #tpu.memory_space<hbm>>) target(%dma_start3A_32 : memref<100x128xf32, #tpu.memory_space<vmem_shared>>) target_semaphore(%run_scoped3A : memref<!tpu.dma_semaphore, #tpu.memory_space<semaphore_mem>>)
      %dma_wait3A = arith.constant 0 : i32
      %dma_wait3A_33 = tpu.memref_slice %arg8[%add3A_8, %dma_wait3A] : memref<10000x128xf32, #tpu.memory_space<vmem_shared>> -> memref<100x128xf32, #tpu.memory_space<vmem_shared>>
      tpu.wait_dma2 semaphore(%run_scoped3A : memref<!tpu.dma_semaphore, #tpu.memory_space<semaphore_mem>>) src(%arg4 : memref<100x128xf32, #tpu.memory_space<hbm>>) dst(%dma_wait3A_33 : memref<100x128xf32, #tpu.memory_space<vmem_shared>>)
      tpu.yield
    }) : () -> ()
    %add3A_9 = arith.constant 300 : i32
    %add3A_10 = arith.addi %mul3A_2, %add3A_9 : i32
    "tpu.region"() ({
      %run_scoped3A = tpu.sem_alloc : memref<!tpu.dma_semaphore, #tpu.memory_space<semaphore_mem>>
      %dma_start3A = arith.constant 0 : i32
      %dma_start3A_32 = tpu.memref_slice %arg8[%add3A_10, %dma_start3A] : memref<10000x128xf32, #tpu.memory_space<vmem_shared>> -> memref<100x128xf32, #tpu.memory_space<vmem_shared>>
      tpu.enqueue_dma source(%arg4 : memref<100x128xf32, #tpu.memory_space<hbm>>) target(%dma_start3A_32 : memref<100x128xf32, #tpu.memory_space<vmem_shared>>) target_semaphore(%run_scoped3A : memref<!tpu.dma_semaphore, #tpu.memory_space<semaphore_mem>>)
      %dma_wait3A = arith.constant 0 : i32
      %dma_wait3A_33 = tpu.memref_slice %arg8[%add3A_10, %dma_wait3A] : memref<10000x128xf32, #tpu.memory_space<vmem_shared>> -> memref<100x128xf32, #tpu.memory_space<vmem_shared>>
      tpu.wait_dma2 semaphore(%run_scoped3A : memref<!tpu.dma_semaphore, #tpu.memory_space<semaphore_mem>>) src(%arg4 : memref<100x128xf32, #tpu.memory_space<hbm>>) dst(%dma_wait3A_33 : memref<100x128xf32, #tpu.memory_space<vmem_shared>>)
      tpu.yield
    }) : () -> ()
    %add3A_11 = arith.constant 400 : i32
    %add3A_12 = arith.addi %mul3A_2, %add3A_11 : i32
    "tpu.region"() ({
      %run_scoped3A = tpu.sem_alloc : memref<!tpu.dma_semaphore, #tpu.memory_space<semaphore_mem>>
      %dma_start3A = arith.constant 0 : i32
      %dma_start3A_32 = tpu.memref_slice %arg8[%add3A_12, %dma_start3A] : memref<10000x128xf32, #tpu.memory_space<vmem_shared>> -> memref<100x128xf32, #tpu.memory_space<vmem_shared>>
      tpu.enqueue_dma source(%arg4 : memref<100x128xf32, #tpu.memory_space<hbm>>) target(%dma_start3A_32 : memref<100x128xf32, #tpu.memory_space<vmem_shared>>) target_semaphore(%run_scoped3A : memref<!tpu.dma_semaphore, #tpu.memory_space<semaphore_mem>>)
      %dma_wait3A = arith.constant 0 : i32
      %dma_wait3A_33 = tpu.memref_slice %arg8[%add3A_12, %dma_wait3A] : memref<10000x128xf32, #tpu.memory_space<vmem_shared>> -> memref<100x128xf32, #tpu.memory_space<vmem_shared>>
      tpu.wait_dma2 semaphore(%run_scoped3A : memref<!tpu.dma_semaphore, #tpu.memory_space<semaphore_mem>>) src(%arg4 : memref<100x128xf32, #tpu.memory_space<hbm>>) dst(%dma_wait3A_33 : memref<100x128xf32, #tpu.memory_space<vmem_shared>>)
      tpu.yield
    }) : () -> ()
    %add3A_13 = arith.constant 500 : i32
    %add3A_14 = arith.addi %mul3A_2, %add3A_13 : i32
    "tpu.region"() ({
      %run_scoped3A = tpu.sem_alloc : memref<!tpu.dma_semaphore, #tpu.memory_space<semaphore_mem>>
      %dma_start3A = arith.constant 0 : i32
      %dma_start3A_32 = tpu.memref_slice %arg8[%add3A_14, %dma_start3A] : memref<10000x128xf32, #tpu.memory_space<vmem_shared>> -> memref<100x128xf32, #tpu.memory_space<vmem_shared>>
      tpu.enqueue_dma source(%arg4 : memref<100x128xf32, #tpu.memory_space<hbm>>) target(%dma_start3A_32 : memref<100x128xf32, #tpu.memory_space<vmem_shared>>) target_semaphore(%run_scoped3A : memref<!tpu.dma_semaphore, #tpu.memory_space<semaphore_mem>>)
      %dma_wait3A = arith.constant 0 : i32
      %dma_wait3A_33 = tpu.memref_slice %arg8[%add3A_14, %dma_wait3A] : memref<10000x128xf32, #tpu.memory_space<vmem_shared>> -> memref<100x128xf32, #tpu.memory_space<vmem_shared>>
      tpu.wait_dma2 semaphore(%run_scoped3A : memref<!tpu.dma_semaphore, #tpu.memory_space<semaphore_mem>>) src(%arg4 : memref<100x128xf32, #tpu.memory_space<hbm>>) dst(%dma_wait3A_33 : memref<100x128xf32, #tpu.memory_space<vmem_shared>>)
      tpu.yield
    }) : () -> ()
    %add3A_15 = arith.constant 625 : i32
    %add3A_16 = arith.addi %mul3A_2, %add3A_15 : i32
    %sub3A = arith.constant 100 : i32
    %sub3A_17 = arith.subi %add3A_16, %sub3A : i32
    "tpu.region"() ({
      %run_scoped3A = tpu.sem_alloc : memref<!tpu.dma_semaphore, #tpu.memory_space<semaphore_mem>>
      %dma_start3A = arith.constant 0 : i32
      %dma_start3A_32 = tpu.memref_slice %arg8[%sub3A_17, %dma_start3A] : memref<10000x128xf32, #tpu.memory_space<vmem_shared>> -> memref<100x128xf32, #tpu.memory_space<vmem_shared>>
      tpu.enqueue_dma source(%arg4 : memref<100x128xf32, #tpu.memory_space<hbm>>) target(%dma_start3A_32 : memref<100x128xf32, #tpu.memory_space<vmem_shared>>) target_semaphore(%run_scoped3A : memref<!tpu.dma_semaphore, #tpu.memory_space<semaphore_mem>>)
      %dma_wait3A = arith.constant 0 : i32
      %dma_wait3A_33 = tpu.memref_slice %arg8[%sub3A_17, %dma_wait3A] : memref<10000x128xf32, #tpu.memory_space<vmem_shared>> -> memref<100x128xf32, #tpu.memory_space<vmem_shared>>
      tpu.wait_dma2 semaphore(%run_scoped3A : memref<!tpu.dma_semaphore, #tpu.memory_space<semaphore_mem>>) src(%arg4 : memref<100x128xf32, #tpu.memory_space<hbm>>) dst(%dma_wait3A_33 : memref<100x128xf32, #tpu.memory_space<vmem_shared>>)
      tpu.yield
    }) : () -> ()
    "tpu.region"() ({
      %run_scoped3A = tpu.sem_alloc : memref<!tpu.dma_semaphore, #tpu.memory_space<semaphore_mem>>
      %dma_start3A = arith.constant 0 : i32
      %dma_start3A_32 = arith.constant 0 : i32
      %dma_start3A_33 = arith.constant 0 : i32
      %dma_start3A_34 = tpu.memref_slice %arg2[%add3A, %dma_start3A, %dma_start3A_32, %dma_start3A_33] : memref<32x2x50x100xi32, #tpu.memory_space<hbm>> -> memref<1x2x50x100xi32, #tpu.memory_space<hbm>>
      %dma_start3A_35 = tpu.memref_squeeze %dma_start3A_34 : memref<1x2x50x100xi32, #tpu.memory_space<hbm>> -> memref<2x50x100xi32, #tpu.memory_space<hbm>>
      %dma_start3A_36 = arith.constant 0 : i32
      %dma_start3A_37 = arith.constant 0 : i32
      %dma_start3A_38 = arith.constant 0 : i32
      %dma_start3A_39 = tpu.memref_slice %arg2[%add3A, %dma_start3A_36, %dma_start3A_37, %dma_start3A_38] : memref<32x2x50x100xi32, #tpu.memory_space<hbm>> -> memref<1x2x50x100xi32, #tpu.memory_space<hbm>>
      %dma_start3A_40 = tpu.memref_squeeze %dma_start3A_39 : memref<1x2x50x100xi32, #tpu.memory_space<hbm>> -> memref<2x50x100xi32, #tpu.memory_space<hbm>>
      tpu.enqueue_dma source(%dma_start3A_40 : memref<2x50x100xi32, #tpu.memory_space<hbm>>) target(%arg6 : memref<2x50x100xi32, #tpu.memory_space<vmem>>) target_semaphore(%run_scoped3A : memref<!tpu.dma_semaphore, #tpu.memory_space<semaphore_mem>>)
      %dma_wait3A = arith.constant 0 : i32
      %dma_wait3A_41 = arith.constant 0 : i32
      %dma_wait3A_42 = arith.constant 0 : i32
      %dma_wait3A_43 = tpu.memref_slice %arg2[%add3A, %dma_wait3A, %dma_wait3A_41, %dma_wait3A_42] : memref<32x2x50x100xi32, #tpu.memory_space<hbm>> -> memref<1x2x50x100xi32, #tpu.memory_space<hbm>>
      %dma_wait3A_44 = tpu.memref_squeeze %dma_wait3A_43 : memref<1x2x50x100xi32, #tpu.memory_space<hbm>> -> memref<2x50x100xi32, #tpu.memory_space<hbm>>
      %dma_wait3A_45 = arith.constant 0 : i32
      %dma_wait3A_46 = arith.constant 0 : i32
      %dma_wait3A_47 = arith.constant 0 : i32
      %dma_wait3A_48 = tpu.memref_slice %arg2[%add3A, %dma_wait3A_45, %dma_wait3A_46, %dma_wait3A_47] : memref<32x2x50x100xi32, #tpu.memory_space<hbm>> -> memref<1x2x50x100xi32, #tpu.memory_space<hbm>>
      %dma_wait3A_49 = tpu.memref_squeeze %dma_wait3A_48 : memref<1x2x50x100xi32, #tpu.memory_space<hbm>> -> memref<2x50x100xi32, #tpu.memory_space<hbm>>
      tpu.wait_dma2 semaphore(%run_scoped3A : memref<!tpu.dma_semaphore, #tpu.memory_space<semaphore_mem>>) src(%dma_wait3A_49 : memref<2x50x100xi32, #tpu.memory_space<hbm>>) dst(%arg6 : memref<2x50x100xi32, #tpu.memory_space<vmem>>)
      tpu.yield
    }) : () -> ()
    %barrier3A = arith.constant 0 : index
    tpu.barrier barrier_id(%barrier3A)
    %scan3A = arith.constant 0 : i32
    %scan3A_18 = arith.constant 0 : i32
    %scan3A_19 = arith.constant 50 : i32
    %scan3A_20 = arith.addi %scan3A_18, %scan3A_19 : i32
    %scan3A_21 = arith.constant 1 : i32
    %scan3A_22 = scf.for %scan3A_32 = %scan3A_18 to %scan3A_20 step %scan3A_21 iter_args(%scan3A_33 = %scan3A) -> (i32)  : i32 {
      %run_scoped3A = arith.constant 0 : i32
      "tpu.region"() ({
        %run_scoped3A_35 = tpu.sem_alloc : memref<!tpu.dma_semaphore, #tpu.memory_space<semaphore_mem>>
        %dma_start3A = arith.constant 0 : i32
        %dma_start3A_36 = tpu.memref_slice %arg6[%run_scoped3A, %scan3A_32, %dma_start3A] : memref<2x50x100xi32, #tpu.memory_space<vmem>> -> memref<1x1x100xi32, #tpu.memory_space<vmem>>
        %dma_start3A_37 = tpu.memref_squeeze %dma_start3A_36 : memref<1x1x100xi32, #tpu.memory_space<vmem>> -> memref<100xi32, #tpu.memory_space<vmem>>
        %dma_start3A_38 = arith.constant 0 : i32
        %dma_start3A_39 = arith.constant 0 : i32
        %dma_start3A_40 = tpu.memref_slice %arg8[%dma_start3A_38, %dma_start3A_39] : memref<10000x128xf32, #tpu.memory_space<vmem_shared>> -> memref<10000x128xf32, #tpu.memory_space<vmem_shared>>
        tpu.enqueue_indirect_dma source(%arg7 : memref<100x128xf32, #tpu.memory_space<vmem>>) target(%dma_start3A_40 : memref<10000x128xf32, #tpu.memory_space<vmem_shared>>) offsets(%dma_start3A_37 : memref<100xi32, #tpu.memory_space<vmem>>) semaphore(%run_scoped3A_35 : memref<!tpu.dma_semaphore, #tpu.memory_space<semaphore_mem>>) {add = true}
        %dma_wait3A = arith.constant 0 : i32
        %dma_wait3A_41 = tpu.memref_slice %arg6[%run_scoped3A, %scan3A_32, %dma_wait3A] : memref<2x50x100xi32, #tpu.memory_space<vmem>> -> memref<1x1x100xi32, #tpu.memory_space<vmem>>
        %dma_wait3A_42 = tpu.memref_squeeze %dma_wait3A_41 : memref<1x1x100xi32, #tpu.memory_space<vmem>> -> memref<100xi32, #tpu.memory_space<vmem>>
        %dma_wait3A_43 = arith.constant 0 : i32
        %dma_wait3A_44 = arith.constant 0 : i32
        %dma_wait3A_45 = tpu.memref_slice %arg8[%dma_wait3A_43, %dma_wait3A_44] : memref<10000x128xf32, #tpu.memory_space<vmem_shared>> -> memref<10000x128xf32, #tpu.memory_space<vmem_shared>>
        tpu.wait_indirect_dma semaphore(%run_scoped3A_35 : memref<!tpu.dma_semaphore, #tpu.memory_space<semaphore_mem>>) src(%arg7 : memref<100x128xf32, #tpu.memory_space<vmem>>) dst(%dma_wait3A_45 : memref<10000x128xf32, #tpu.memory_space<vmem_shared>>)
        tpu.yield
      }) : () -> ()
      %scan3A_34 = arith.constant 0 : i32
      scf.yield %scan3A_34 : i32
    }
    %scan3A_23 = arith.constant 50 : i32
    %scan3A_24 = arith.constant 0 : i32
    %scan3A_25 = arith.constant 0 : i32
    %scan3A_26 = arith.constant 50 : i32
    %scan3A_27 = arith.addi %scan3A_25, %scan3A_26 : i32
    %scan3A_28 = arith.constant 1 : i32
    %scan3A_29 = scf.for %scan3A_32 = %scan3A_25 to %scan3A_27 step %scan3A_28 iter_args(%scan3A_33 = %scan3A_24) -> (i32)  : i32 {
      %run_scoped3A = arith.constant 1 : i32
      "tpu.region"() ({
        %run_scoped3A_35 = tpu.sem_alloc : memref<!tpu.dma_semaphore, #tpu.memory_space<semaphore_mem>>
        %dma_start3A = arith.constant 0 : i32
        %dma_start3A_36 = tpu.memref_slice %arg6[%run_scoped3A, %scan3A_32, %dma_start3A] : memref<2x50x100xi32, #tpu.memory_space<vmem>> -> memref<1x1x100xi32, #tpu.memory_space<vmem>>
        %dma_start3A_37 = tpu.memref_squeeze %dma_start3A_36 : memref<1x1x100xi32, #tpu.memory_space<vmem>> -> memref<100xi32, #tpu.memory_space<vmem>>
        %dma_start3A_38 = arith.constant 0 : i32
        %dma_start3A_39 = arith.constant 0 : i32
        %dma_start3A_40 = tpu.memref_slice %arg8[%dma_start3A_38, %dma_start3A_39] : memref<10000x128xf32, #tpu.memory_space<vmem_shared>> -> memref<10000x128xf32, #tpu.memory_space<vmem_shared>>
        tpu.enqueue_indirect_dma source(%arg7 : memref<100x128xf32, #tpu.memory_space<vmem>>) target(%dma_start3A_40 : memref<10000x128xf32, #tpu.memory_space<vmem_shared>>) offsets(%dma_start3A_37 : memref<100xi32, #tpu.memory_space<vmem>>) semaphore(%run_scoped3A_35 : memref<!tpu.dma_semaphore, #tpu.memory_space<semaphore_mem>>) {add = true}
        %dma_wait3A = arith.constant 0 : i32
        %dma_wait3A_41 = tpu.memref_slice %arg6[%run_scoped3A, %scan3A_32, %dma_wait3A] : memref<2x50x100xi32, #tpu.memory_space<vmem>> -> memref<1x1x100xi32, #tpu.memory_space<vmem>>
        %dma_wait3A_42 = tpu.memref_squeeze %dma_wait3A_41 : memref<1x1x100xi32, #tpu.memory_space<vmem>> -> memref<100xi32, #tpu.memory_space<vmem>>
        %dma_wait3A_43 = arith.constant 0 : i32
        %dma_wait3A_44 = arith.constant 0 : i32
        %dma_wait3A_45 = tpu.memref_slice %arg8[%dma_wait3A_43, %dma_wait3A_44] : memref<10000x128xf32, #tpu.memory_space<vmem_shared>> -> memref<10000x128xf32, #tpu.memory_space<vmem_shared>>
        tpu.wait_indirect_dma semaphore(%run_scoped3A_35 : memref<!tpu.dma_semaphore, #tpu.memory_space<semaphore_mem>>) src(%arg7 : memref<100x128xf32, #tpu.memory_space<vmem>>) dst(%dma_wait3A_45 : memref<10000x128xf32, #tpu.memory_space<vmem_shared>>)
        tpu.yield
      }) : () -> ()
      %scan3A_34 = arith.constant 0 : i32
      scf.yield %scan3A_34 : i32
    }
    %scan3A_30 = arith.constant 50 : i32
    %barrier3A_31 = arith.constant 0 : index
    tpu.barrier barrier_id(%barrier3A_31)
    "tpu.region"() ({
      %run_scoped3A = tpu.sem_alloc : memref<!tpu.dma_semaphore, #tpu.memory_space<semaphore_mem>>
      %dma_start3A = arith.constant 0 : i32
      %dma_start3A_32 = arith.constant 0 : i32
      %dma_start3A_33 = tpu.memref_slice %arg5[%arg0, %arg1, %dma_start3A, %dma_start3A_32] : memref<2x16x625x128xf32, #tpu.memory_space<hbm>> -> memref<1x1x625x128xf32, #tpu.memory_space<hbm>>
      %dma_start3A_34 = tpu.memref_squeeze %dma_start3A_33 : memref<1x1x625x128xf32, #tpu.memory_space<hbm>> -> memref<625x128xf32, #tpu.memory_space<hbm>>
      %dma_start3A_35 = arith.constant 0 : i32
      %dma_start3A_36 = tpu.memref_slice %arg8[%mul3A_2, %dma_start3A_35] : memref<10000x128xf32, #tpu.memory_space<vmem_shared>> -> memref<625x128xf32, #tpu.memory_space<vmem_shared>>
      tpu.enqueue_dma source(%dma_start3A_36 : memref<625x128xf32, #tpu.memory_space<vmem_shared>>) target(%dma_start3A_34 : memref<625x128xf32, #tpu.memory_space<hbm>>) target_semaphore(%run_scoped3A : memref<!tpu.dma_semaphore, #tpu.memory_space<semaphore_mem>>)
      %dma_wait3A = arith.constant 0 : i32
      %dma_wait3A_37 = arith.constant 0 : i32
      %dma_wait3A_38 = tpu.memref_slice %arg5[%arg0, %arg1, %dma_wait3A, %dma_wait3A_37] : memref<2x16x625x128xf32, #tpu.memory_space<hbm>> -> memref<1x1x625x128xf32, #tpu.memory_space<hbm>>
      %dma_wait3A_39 = tpu.memref_squeeze %dma_wait3A_38 : memref<1x1x625x128xf32, #tpu.memory_space<hbm>> -> memref<625x128xf32, #tpu.memory_space<hbm>>
      %dma_wait3A_40 = arith.constant 0 : i32
      %dma_wait3A_41 = tpu.memref_slice %arg8[%mul3A_2, %dma_wait3A_40] : memref<10000x128xf32, #tpu.memory_space<vmem_shared>> -> memref<625x128xf32, #tpu.memory_space<vmem_shared>>
      tpu.wait_dma2 semaphore(%run_scoped3A : memref<!tpu.dma_semaphore, #tpu.memory_space<semaphore_mem>>) src(%dma_wait3A_41 : memref<625x128xf32, #tpu.memory_space<vmem_shared>>) dst(%dma_wait3A_39 : memref<625x128xf32, #tpu.memory_space<hbm>>)
      tpu.yield
    }) : () -> ()
    return
  }
}

module attributes {stable_mosaic.version = 14 : i64} {
  func.func @_tc0_body(%arg0: i32, %arg1: memref<1000x128xf32, #tpu.memory_space<vmem>>, %arg2: memref<1x256xf32, #tpu.memory_space<vmem>>, %arg3: memref<128x256xf32, #tpu.memory_space<vmem>>, %arg4: memref<1000x256xf32, #tpu.memory_space<vmem>>) attributes {dimension_semantics = [#tpu.dimension_semantics<arbitrary>], iteration_bounds = array<i64: 10>, scalar_prefetch = 0 : i64, scratch_operands = 0 : i64, tpu.core_type = #tpu.core_type<tc>, window_params = [{transform_indices = @transform_0, window_bounds = array<i64: 1000, 128>}, {pipeline_mode = #tpu.pipeline_mode<synchronous>, transform_indices = @transform_1, window_bounds = array<i64: 1, 256>}, {pipeline_mode = #tpu.pipeline_mode<synchronous>, transform_indices = @transform_2, window_bounds = array<i64: 128, 256>}, {transform_indices = @transform_3, window_bounds = array<i64: 1000, 256>}]} {
    %get3A = arith.constant 0 : index
    %get3A_0 = arith.constant 0 : index
    %get3A_1 = vector.load %arg2[%get3A, %get3A_0] : memref<1x256xf32, #tpu.memory_space<vmem>>, vector<1x256xf32>
    %get3A_2 = arith.constant 0 : index
    %get3A_3 = arith.constant 0 : index
    %get3A_4 = vector.load %arg1[%get3A_2, %get3A_3] : memref<1000x128xf32, #tpu.memory_space<vmem>>, vector<1000x128xf32>
    %get3A_5 = arith.constant 0 : index
    %get3A_6 = arith.constant 0 : index
    %get3A_7 = vector.load %arg3[%get3A_5, %get3A_6] : memref<128x256xf32, #tpu.memory_space<vmem>>, vector<128x256xf32>
    %dot_general3A = arith.constant dense<0.000000e+00> : vector<1000x256xf32>
    %dot_general3A_8 = tpu.matmul %get3A_4, %get3A_7, %dot_general3A {dimension_numbers = #tpu.dot_dimension_numbers<[1], [0], [0], [1], [0, 0, 1, 1], [], []>, transpose_lhs_hint = false} : vector<1000x128xf32>, vector<128x256xf32>, vector<1000x256xf32> -> vector<1000x256xf32>
    %add3A = vector.broadcast %get3A_1 : vector<1x256xf32> to vector<1000x256xf32>
    %add3A_9 = arith.addf %add3A, %dot_general3A_8 : vector<1000x256xf32>
    %swap3A = arith.constant 0 : index
    %swap3A_10 = arith.constant 0 : index
    %swap3A_11 = vector.load %arg4[%swap3A, %swap3A_10] : memref<1000x256xf32, #tpu.memory_space<vmem>>, vector<1000x256xf32>
    tpu.vector_store %arg4[%swap3A, %swap3A_10], %add3A_9 {strides = array<i32>} : memref<1000x256xf32, #tpu.memory_space<vmem>>, vector<1000x256xf32>,
    return
  }
  func.func @transform_0(%arg0: i32) -> (i32, i32) {
    %c0_i32 = arith.constant 0 : i32
    %c0_i32_0 = arith.constant 0 : i32
    return %arg0, %c0_i32 : i32, i32
  }
  func.func @transform_1(%arg0: i32) -> (i32, i32) {
    %c0_i32 = arith.constant 0 : i32
    %c0_i32_0 = arith.constant 0 : i32
    %c0_i32_1 = arith.constant 0 : i32
    return %c0_i32, %c0_i32_0 : i32, i32
  }
  func.func @transform_2(%arg0: i32) -> (i32, i32) {
    %c0_i32 = arith.constant 0 : i32
    %c0_i32_0 = arith.constant 0 : i32
    %c0_i32_1 = arith.constant 0 : i32
    return %c0_i32, %c0_i32_0 : i32, i32
  }
  func.func @transform_3(%arg0: i32) -> (i32, i32) {
    %c0_i32 = arith.constant 0 : i32
    %c0_i32_0 = arith.constant 0 : i32
    return %arg0, %c0_i32 : i32, i32
  }
}

module attributes {stable_mosaic.version = 14 : i64} {
  func.func @_tc1_body(%arg0: i32, %arg1: memref<1000x128xf32, #tpu.memory_space<vmem>>, %arg2: memref<1000x128xf32, #tpu.memory_space<vmem>>, %arg3: memref<1000x1xf32, #tpu.memory_space<vmem>>, %arg4: memref<1000x1xf32, #tpu.memory_space<vmem>>, %arg5: memref<1000x256xf32, #tpu.memory_space<vmem>>, %arg6: memref<128x256xf32, #tpu.memory_space<vmem>>, %arg7: memref<256x128xf32, #tpu.memory_space<vmem>>, %arg8: memref<1000x256xf32, #tpu.memory_space<vmem>>, %arg9: memref<1000x128xf32, #tpu.memory_space<vmem>>) attributes {dimension_semantics = [#tpu.dimension_semantics<arbitrary>], iteration_bounds = array<i64: 10>, scalar_prefetch = 0 : i64, scratch_operands = 0 : i64, tpu.core_type = #tpu.core_type<tc>, window_params = [{transform_indices = @transform_0, window_bounds = array<i64: 1000, 128>}, {transform_indices = @transform_1, window_bounds = array<i64: 1000, 128>}, {transform_indices = @transform_2, window_bounds = array<i64: 1000, 1>}, {transform_indices = @transform_3, window_bounds = array<i64: 1000, 1>}, {transform_indices = @transform_4, window_bounds = array<i64: 1000, 256>}, {pipeline_mode = #tpu.pipeline_mode<synchronous>, transform_indices = @transform_5, window_bounds = array<i64: 128, 256>}, {pipeline_mode = #tpu.pipeline_mode<synchronous>, transform_indices = @transform_6, window_bounds = array<i64: 256, 128>}, {transform_indices = @transform_7, window_bounds = array<i64: 1000, 256>}, {transform_indices = @transform_8, window_bounds = array<i64: 1000, 128>}]} {
    %get3A = arith.constant 0 : index
    %get3A_0 = arith.constant 0 : index
    %get3A_1 = vector.load %arg3[%get3A, %get3A_0] : memref<1000x1xf32, #tpu.memory_space<vmem>>, vector<1000x1xf32>
    %get3A_2 = arith.constant 0 : index
    %get3A_3 = arith.constant 0 : index
    %get3A_4 = vector.load %arg4[%get3A_2, %get3A_3] : memref<1000x1xf32, #tpu.memory_space<vmem>>, vector<1000x1xf32>
    %add3A = arith.addf %get3A_1, %get3A_4 : vector<1000x1xf32>
    %max3A = arith.constant 1.000000e+00 : f32
    %max3A_5 = vector.broadcast %max3A : f32 to vector<1000x1xf32>
    %max3A_6 = arith.maximumf %add3A, %max3A_5 : vector<1000x1xf32>
    %get3A_7 = arith.constant 0 : index
    %get3A_8 = arith.constant 0 : index
    %get3A_9 = vector.load %arg1[%get3A_7, %get3A_8] : memref<1000x128xf32, #tpu.memory_space<vmem>>, vector<1000x128xf32>
    %get3A_10 = arith.constant 0 : index
    %get3A_11 = arith.constant 0 : index
    %get3A_12 = vector.load %arg2[%get3A_10, %get3A_11] : memref<1000x128xf32, #tpu.memory_space<vmem>>, vector<1000x128xf32>
    %add3A_13 = arith.addf %get3A_9, %get3A_12 : vector<1000x128xf32>
    %div3A = vector.broadcast %max3A_6 : vector<1000x1xf32> to vector<1000x128xf32>
    %div3A_14 = arith.divf %add3A_13, %div3A : vector<1000x128xf32>
    %get3A_15 = arith.constant 0 : index
    %get3A_16 = arith.constant 0 : index
    %get3A_17 = vector.load %arg6[%get3A_15, %get3A_16] : memref<128x256xf32, #tpu.memory_space<vmem>>, vector<128x256xf32>
    %dot_general3A = arith.constant dense<0.000000e+00> : vector<1000x256xf32>
    %dot_general3A_18 = tpu.matmul %div3A_14, %get3A_17, %dot_general3A {dimension_numbers = #tpu.dot_dimension_numbers<[1], [0], [0], [1], [0, 0, 1, 1], [], []>, transpose_lhs_hint = false} : vector<1000x128xf32>, vector<128x256xf32>, vector<1000x256xf32> -> vector<1000x256xf32>
    %get3A_19 = arith.constant 0 : index
    %get3A_20 = arith.constant 0 : index
    %get3A_21 = vector.load %arg5[%get3A_19, %get3A_20] : memref<1000x256xf32, #tpu.memory_space<vmem>>, vector<1000x256xf32>
    %add3A_22 = arith.addf %dot_general3A_18, %get3A_21 : vector<1000x256xf32>
    %max3A_23 = arith.constant 0.000000e+00 : f32
    %max3A_24 = vector.broadcast %max3A_23 : f32 to vector<1000x256xf32>
    %max3A_25 = arith.maximumf %add3A_22, %max3A_24 : vector<1000x256xf32>
    %swap3A = arith.constant 0 : index
    %swap3A_26 = arith.constant 0 : index
    %swap3A_27 = vector.load %arg8[%swap3A, %swap3A_26] : memref<1000x256xf32, #tpu.memory_space<vmem>>, vector<1000x256xf32>
    tpu.vector_store %arg8[%swap3A, %swap3A_26], %max3A_25 {strides = array<i32>} : memref<1000x256xf32, #tpu.memory_space<vmem>>, vector<1000x256xf32>,
    %get3A_28 = arith.constant 0 : index
    %get3A_29 = arith.constant 0 : index
    %get3A_30 = vector.load %arg7[%get3A_28, %get3A_29] : memref<256x128xf32, #tpu.memory_space<vmem>>, vector<256x128xf32>
    %dot_general3A_31 = arith.constant dense<0.000000e+00> : vector<1000x128xf32>
    %dot_general3A_32 = tpu.matmul %max3A_25, %get3A_30, %dot_general3A_31 {dimension_numbers = #tpu.dot_dimension_numbers<[1], [0], [0], [1], [0, 0, 1, 1], [], []>, transpose_lhs_hint = false} : vector<1000x256xf32>, vector<256x128xf32>, vector<1000x128xf32> -> vector<1000x128xf32>
    %swap3A_33 = arith.constant 0 : index
    %swap3A_34 = arith.constant 0 : index
    %swap3A_35 = vector.load %arg9[%swap3A_33, %swap3A_34] : memref<1000x128xf32, #tpu.memory_space<vmem>>, vector<1000x128xf32>
    tpu.vector_store %arg9[%swap3A_33, %swap3A_34], %dot_general3A_32 {strides = array<i32>} : memref<1000x128xf32, #tpu.memory_space<vmem>>, vector<1000x128xf32>,
    return
  }
  func.func @transform_0(%arg0: i32) -> (i32, i32) {
    %c0_i32 = arith.constant 0 : i32
    %c0_i32_0 = arith.constant 0 : i32
    return %arg0, %c0_i32 : i32, i32
  }
  func.func @transform_1(%arg0: i32) -> (i32, i32) {
    %c0_i32 = arith.constant 0 : i32
    %c0_i32_0 = arith.constant 0 : i32
    return %arg0, %c0_i32 : i32, i32
  }
  func.func @transform_2(%arg0: i32) -> (i32, i32) {
    %c0_i32 = arith.constant 0 : i32
    %c0_i32_0 = arith.constant 0 : i32
    return %arg0, %c0_i32 : i32, i32
  }
  func.func @transform_3(%arg0: i32) -> (i32, i32) {
    %c0_i32 = arith.constant 0 : i32
    %c0_i32_0 = arith.constant 0 : i32
    return %arg0, %c0_i32 : i32, i32
  }
  func.func @transform_4(%arg0: i32) -> (i32, i32) {
    %c0_i32 = arith.constant 0 : i32
    %c0_i32_0 = arith.constant 0 : i32
    return %arg0, %c0_i32 : i32, i32
  }
  func.func @transform_5(%arg0: i32) -> (i32, i32) {
    %c0_i32 = arith.constant 0 : i32
    %c0_i32_0 = arith.constant 0 : i32
    %c0_i32_1 = arith.constant 0 : i32
    return %c0_i32, %c0_i32_0 : i32, i32
  }
  func.func @transform_6(%arg0: i32) -> (i32, i32) {
    %c0_i32 = arith.constant 0 : i32
    %c0_i32_0 = arith.constant 0 : i32
    %c0_i32_1 = arith.constant 0 : i32
    return %c0_i32, %c0_i32_0 : i32, i32
  }
  func.func @transform_7(%arg0: i32) -> (i32, i32) {
    %c0_i32 = arith.constant 0 : i32
    %c0_i32_0 = arith.constant 0 : i32
    return %arg0, %c0_i32 : i32, i32
  }
  func.func @transform_8(%arg0: i32) -> (i32, i32) {
    %c0_i32 = arith.constant 0 : i32
    %c0_i32_0 = arith.constant 0 : i32
    return %arg0, %c0_i32 : i32, i32
  }
}

module attributes {stable_mosaic.version = 14 : i64} {
  func.func @_tc2_body(%arg0: i32, %arg1: memref<1000x128xf32, #tpu.memory_space<vmem>>, %arg2: memref<1000x128xf32, #tpu.memory_space<vmem>>, %arg3: memref<1000x1xf32, #tpu.memory_space<vmem>>, %arg4: memref<1000x1xf32, #tpu.memory_space<vmem>>, %arg5: memref<1000x256xf32, #tpu.memory_space<vmem>>, %arg6: memref<256x64xf32, #tpu.memory_space<vmem>>, %arg7: memref<1x64xf32, #tpu.memory_space<vmem>>, %arg8: memref<1000x64xf32, #tpu.memory_space<vmem>>) attributes {dimension_semantics = [#tpu.dimension_semantics<arbitrary>], iteration_bounds = array<i64: 10>, scalar_prefetch = 0 : i64, scratch_operands = 0 : i64, tpu.core_type = #tpu.core_type<tc>, window_params = [{transform_indices = @transform_0, window_bounds = array<i64: 1000, 128>}, {transform_indices = @transform_1, window_bounds = array<i64: 1000, 128>}, {transform_indices = @transform_2, window_bounds = array<i64: 1000, 1>}, {transform_indices = @transform_3, window_bounds = array<i64: 1000, 1>}, {transform_indices = @transform_4, window_bounds = array<i64: 1000, 256>}, {pipeline_mode = #tpu.pipeline_mode<synchronous>, transform_indices = @transform_5, window_bounds = array<i64: 256, 64>}, {pipeline_mode = #tpu.pipeline_mode<synchronous>, transform_indices = @transform_6, window_bounds = array<i64: 1, 64>}, {transform_indices = @transform_7, window_bounds = array<i64: 1000, 64>}]} {
    %get3A = arith.constant 0 : index
    %get3A_0 = arith.constant 0 : index
    %get3A_1 = vector.load %arg3[%get3A, %get3A_0] : memref<1000x1xf32, #tpu.memory_space<vmem>>, vector<1000x1xf32>
    %get3A_2 = arith.constant 0 : index
    %get3A_3 = arith.constant 0 : index
    %get3A_4 = vector.load %arg4[%get3A_2, %get3A_3] : memref<1000x1xf32, #tpu.memory_space<vmem>>, vector<1000x1xf32>
    %add3A = arith.addf %get3A_1, %get3A_4 : vector<1000x1xf32>
    %max3A = arith.constant 1.000000e+00 : f32
    %max3A_5 = vector.broadcast %max3A : f32 to vector<1000x1xf32>
    %max3A_6 = arith.maximumf %add3A, %max3A_5 : vector<1000x1xf32>
    %get3A_7 = arith.constant 0 : index
    %get3A_8 = arith.constant 0 : index
    %get3A_9 = vector.load %arg1[%get3A_7, %get3A_8] : memref<1000x128xf32, #tpu.memory_space<vmem>>, vector<1000x128xf32>
    %get3A_10 = arith.constant 0 : index
    %get3A_11 = arith.constant 0 : index
    %get3A_12 = vector.load %arg2[%get3A_10, %get3A_11] : memref<1000x128xf32, #tpu.memory_space<vmem>>, vector<1000x128xf32>
    %add3A_13 = arith.addf %get3A_9, %get3A_12 : vector<1000x128xf32>
    %slice3A = vector.extract_strided_slice %add3A_13 {offsets = [0, 0], sizes = [1000, 64], strides = [1, 1]} : vector<1000x128xf32> to vector<1000x64xf32>
    %div3A = vector.broadcast %max3A_6 : vector<1000x1xf32> to vector<1000x64xf32>
    %div3A_14 = arith.divf %slice3A, %div3A : vector<1000x64xf32>
    %get3A_15 = arith.constant 0 : index
    %get3A_16 = arith.constant 0 : index
    %get3A_17 = vector.load %arg7[%get3A_15, %get3A_16] : memref<1x64xf32, #tpu.memory_space<vmem>>, vector<1x64xf32>
    %add3A_18 = vector.broadcast %get3A_17 : vector<1x64xf32> to vector<1000x64xf32>
    %add3A_19 = arith.addf %div3A_14, %add3A_18 : vector<1000x64xf32>
    %get3A_20 = arith.constant 0 : index
    %get3A_21 = arith.constant 0 : index
    %get3A_22 = vector.load %arg5[%get3A_20, %get3A_21] : memref<1000x256xf32, #tpu.memory_space<vmem>>, vector<1000x256xf32>
    %get3A_23 = arith.constant 0 : index
    %get3A_24 = arith.constant 0 : index
    %get3A_25 = vector.load %arg6[%get3A_23, %get3A_24] : memref<256x64xf32, #tpu.memory_space<vmem>>, vector<256x64xf32>
    %dot_general3A = arith.constant dense<0.000000e+00> : vector<1000x64xf32>
    %dot_general3A_26 = tpu.matmul %get3A_22, %get3A_25, %dot_general3A {dimension_numbers = #tpu.dot_dimension_numbers<[1], [0], [0], [1], [0, 0, 1, 1], [], []>, transpose_lhs_hint = false} : vector<1000x256xf32>, vector<256x64xf32>, vector<1000x64xf32> -> vector<1000x64xf32>
    %add3A_27 = arith.addf %add3A_19, %dot_general3A_26 : vector<1000x64xf32>
    %reduce_max3A = arith.constant dense<0xFF800000> : vector<1000xf32>
    %reduce_max3A_28 = vector.multi_reduction <maximumf>, %add3A_27, %reduce_max3A [1] : vector<1000x64xf32> to vector<1000xf32>
    %broadcast_in_dim3A = vector.shape_cast %reduce_max3A_28 : vector<1000xf32> to vector<1000x1xf32>
    %sub3A = vector.broadcast %broadcast_in_dim3A : vector<1000x1xf32> to vector<1000x64xf32>
    %sub3A_29 = arith.subf %add3A_27, %sub3A : vector<1000x64xf32>
    %exp3A = math.exp %sub3A_29 : vector<1000x64xf32>
    %reduce_sum3A = arith.constant dense<0.000000e+00> : vector<1000xf32>
    %reduce_sum3A_30 = vector.multi_reduction <add>, %exp3A, %reduce_sum3A [1] : vector<1000x64xf32> to vector<1000xf32>
    %broadcast_in_dim3A_31 = vector.shape_cast %reduce_sum3A_30 : vector<1000xf32> to vector<1000x1xf32>
    %log3A = math.log %broadcast_in_dim3A_31 : vector<1000x1xf32>
    %add3A_32 = arith.addf %log3A, %broadcast_in_dim3A : vector<1000x1xf32>
    %sub3A_33 = vector.broadcast %add3A_32 : vector<1000x1xf32> to vector<1000x64xf32>
    %sub3A_34 = arith.subf %add3A_27, %sub3A_33 : vector<1000x64xf32>
    %swap3A = arith.constant 0 : index
    %swap3A_35 = arith.constant 0 : index
    %swap3A_36 = vector.load %arg8[%swap3A, %swap3A_35] : memref<1000x64xf32, #tpu.memory_space<vmem>>, vector<1000x64xf32>
    tpu.vector_store %arg8[%swap3A, %swap3A_35], %sub3A_34 {strides = array<i32>} : memref<1000x64xf32, #tpu.memory_space<vmem>>, vector<1000x64xf32>,
    return
  }
  func.func @transform_0(%arg0: i32) -> (i32, i32) {
    %c0_i32 = arith.constant 0 : i32
    %c0_i32_0 = arith.constant 0 : i32
    return %arg0, %c0_i32 : i32, i32
  }
  func.func @transform_1(%arg0: i32) -> (i32, i32) {
    %c0_i32 = arith.constant 0 : i32
    %c0_i32_0 = arith.constant 0 : i32
    return %arg0, %c0_i32 : i32, i32
  }
  func.func @transform_2(%arg0: i32) -> (i32, i32) {
    %c0_i32 = arith.constant 0 : i32
    %c0_i32_0 = arith.constant 0 : i32
    return %arg0, %c0_i32 : i32, i32
  }
  func.func @transform_3(%arg0: i32) -> (i32, i32) {
    %c0_i32 = arith.constant 0 : i32
    %c0_i32_0 = arith.constant 0 : i32
    return %arg0, %c0_i32 : i32, i32
  }
  func.func @transform_4(%arg0: i32) -> (i32, i32) {
    %c0_i32 = arith.constant 0 : i32
    %c0_i32_0 = arith.constant 0 : i32
    return %arg0, %c0_i32 : i32, i32
  }
  func.func @transform_5(%arg0: i32) -> (i32, i32) {
    %c0_i32 = arith.constant 0 : i32
    %c0_i32_0 = arith.constant 0 : i32
    %c0_i32_1 = arith.constant 0 : i32
    return %c0_i32, %c0_i32_0 : i32, i32
  }
  func.func @transform_6(%arg0: i32) -> (i32, i32) {
    %c0_i32 = arith.constant 0 : i32
    %c0_i32_0 = arith.constant 0 : i32
    %c0_i32_1 = arith.constant 0 : i32
    return %c0_i32, %c0_i32_0 : i32, i32
  }
  func.func @transform_7(%arg0: i32) -> (i32, i32) {
    %c0_i32 = arith.constant 0 : i32
    %c0_i32_0 = arith.constant 0 : i32
    return %arg0, %c0_i32 : i32, i32
  }
}

</mosaic_0001>

<sc_bundles>
// kernel: kernel.11.cloned.1.call-start
scs
__scs_entry_jumppad:
0x0: {  	(pc) =	sbr.rel $0x88, $3  }
0x1: {  	(tag) =	ssettag $0x0;
	lr =	simm.s32 $0x1  }
0x2: {  	[smem:$0x3F99] =	sst lr;
	_ =	strace $0xD0000000  }
0x3: {  	_ = 	snop  }
0x4: {  	_ = 	snop  }
0x5: {  	_ = 	snop  }
0x6: {  	_ = 	snop  }
0x7: {  	_ = 	snop  }
__scs_overlays_trampoline_lowered:
0x8: {  	[smem:$0x3FA8] =	sst s0  }
0x9: {  	[smem:$0x3FA9] =	sst s1  }
0xa: {  	[smem:$0x3FAA] =	sst s2  }
0xb: {  	[smem:$0x3FAB] =	sst s3  }
0xc: {  	[smem:$0x3FAC] =	sst s4  }
0xd: {  	[smem:$0x3FAD] =	sst s5  }
0xe: {  	[smem:$0x3FAE] =	sst s6  }
0xf: {  	[smem:$0x3FAF] =	sst s7  }
0x10: {  	[smem:$0x3FB0] =	sst s8  }
0x11: {  	[smem:$0x3FB1] =	sst s9;
	s0 =	simm.s32 @!p0 $0x0  }
0x12: {  	s1 =	sld [smem:$0x3F97];
	s0 =	simm.s32 @p0 $0x1  }
0x13: {  	[smem:$0x3FB2] =	sst s0;
	s0 =	simm.s32 @!p1 $0x0  }
0x14: {  	s2 =	sld [smem:$0x3F96];
	s0 =	simm.s32 @p1 $0x1  }
0x15: {  	[smem:$0x3FB3] =	sst s0;
	s0 =	simm.s32 @!p2 $0x0  }
0x16: {  	s3 =	sld [smem:$0x3FDB];
	s0 =	simm.s32 @p2 $0x1  }
0x17: {  	s4 =	simm.s32 $0x1BF5;
	[smem:$0x3FB5] =	sst s0  }
0x18: {  	s0 =	sld [smem:$0x3F98];
	_ =	swait.ge [sflag:s4], $0x0  }
0x19: {  	s7 =	sld [smem:$0x3F99]  }
0x1a: {  	s8 =	sadd.s32 $0xFFFFE003, lr  }
0x1b: {  	s9 =	sadd.s32 $0xFFFFFEF7, lr;
	s5 =	simm.s32 $0xFFFFFFFF;
	p2 =	slt.u32 s8, $0xFFFFF086  }
0x1c: {  	p1 =	slt.u32 s9, $0xF7A;
	s5 =	simm.s32 @!p2 $0x0  }
0x1d: {  	s5 =	simm.s32 @p1 $0x1;
	p0 =	seq.s32 s7, s2  }
0x1e: {  	s7 =	smul.u32 @!p0 $0xF7A, s2;
	p2 =	seq.s32 @!p0 s5, $0x0  }
0x1f: {  	s9 =	smul.u32 $0xF7A, s1;
	s8 =	simm.s32 @!p0 $0x1BF5;
	p2 =	por !p2, p0  }
0x20: {  	[sflag:s8] =	ssyncset.s32 @!p0 $0xFFFFF086;
	s6 =	sadd.s32 @!p0 s3, s7;
	s7 =	simm.s32 @!p0 $0x108  }
0x21: {  	s3 =	sadd.s32 s3, s9;
	s6 =	sadd.s32 @!p0 $0x88, s6;
	s7 =	simm.s32 @p2 $0x1082  }
0x22: {  	[simem:s7], [sflag:s8] =	dma.local @!p0 [hbm:s6], $0xF7A  }
0x23: {  	s9 =	sor.u32 $0xD0000000, s2;
	s6 =	simm.s32 $0x108;
	_ =	swait.ge @!p0 [sflag:s8], $0x0  }
0x24: {  	s3 =	sadd.s32 $0x88, s3;
	s6 =	simm.s32 @!p1 $0x1082;
	[sflag:s4] =	ssyncset.s32 $0xFFFFF086  }
0x25: {  	[simem:s6], [sflag:s4] =	dma.local [hbm:s3], $0xF7A  }
0x26: {  	[smem:$0x3F99] =	sst s1;
	(tag) =	ssettag s2;
	_ =	strace s9  }
0x27: {  	s1 =	sld [smem:$0x3FA9]  }
0x28: {  	s2 =	sld [smem:$0x3FAA]  }
0x29: {  	s4 =	sld [smem:$0x3FAC]  }
0x2a: {  	p0 =	seq.s32 s5, $0x0;
	s5 =	sld [smem:$0x3FAD]  }
0x2b: {  	s6 =	sld [smem:$0x3FAE]  }
0x2c: {  	s7 =	sld [smem:$0x3FAF]  }
0x2d: {  	s3 =	simm.s32 $0x108;
	s8 =	sld [smem:$0x3FB0]  }
0x2e: {  	s3 =	simm.s32 @!p0 $0x1082;
	s9 =	sld [smem:$0x3FB1]  }
0x2f: {  	lr =	sadd.s32 s0, s3;
	s0 =	sld [smem:$0x3FA8]  }
0x30: {  	s3 =	sld [smem:$0x3FAB]  }
0x31: {  	[smem:$0x3FB4] =	sst s10  }
0x32: {  	s10 =	sld [smem:$0x3FB2];
	_ =	sdelay $0x3  }
0x33: {  	p0 =	seq.s32 s10, $0x1;
	s10 =	sld [smem:$0x3FB4];
	_ =	sdelay $0x3  }
0x34: {  	[smem:$0x3FB4] =	sst s10  }
0x35: {  	s10 =	sld [smem:$0x3FB3];
	_ =	sdelay $0x3  }
0x36: {  	p1 =	seq.s32 s10, $0x1;
	s10 =	sld [smem:$0x3FB4];
	_ =	sdelay $0x3  }
0x37: {  	[smem:$0x3FB4] =	sst s10  }
0x38: {  	s10 =	sld [smem:$0x3FB5]  }
0x39: {  	_ = 	snop;
	(pc) =	sbr.ind lr, $3  }
0x3a: {  	_ = 	snop  }
0x3b: {  	_ = 	snop  }
0x3c: {  	p2 =	seq.s32 s10, $0x1;
	s10 =	sld [smem:$0x3FB4]  }
0x3d: {  	_ =	shalt  }
0x3e: {  	_ =	shalt  }
0x3f: {  	_ =	shalt  }
0x40: {  	_ =	shalt  }
0x41: {  	_ =	shalt  }
0x42: {  	_ =	shalt  }
0x43: {  	_ =	shalt  }
0x44: {  	_ =	shalt  }
0x45: {  	_ =	shalt  }
0x46: {  	_ =	shalt  }
0x47: {  	_ =	shalt  }
0x48: {  	_ =	shalt  }
0x49: {  	_ =	shalt  }
0x4a: {  	_ =	shalt  }
0x4b: {  	_ =	shalt  }
0x4c: {  	_ =	shalt  }
0x4d: {  	_ =	shalt  }
0x4e: {  	_ =	shalt  }
0x4f: {  	_ =	shalt  }
0x50: {  	_ =	shalt  }
0x51: {  	_ =	shalt  }
0x52: {  	_ =	shalt  }
0x53: {  	_ =	shalt  }
0x54: {  	_ =	shalt  }
0x55: {  	_ =	shalt  }
0x56: {  	_ =	shalt  }
0x57: {  	_ =	shalt  }
0x58: {  	_ =	shalt  }
0x59: {  	_ =	shalt  }
0x5a: {  	_ =	shalt  }
0x5b: {  	_ =	shalt  }
0x5c: {  	_ =	shalt  }
0x5d: {  	_ =	shalt  }
0x5e: {  	_ =	shalt  }
0x5f: {  	_ =	shalt  }
0x60: {  	_ =	shalt  }
0x61: {  	_ =	shalt  }
0x62: {  	_ =	shalt  }
0x63: {  	_ =	shalt  }
0x64: {  	_ =	shalt  }
0x65: {  	_ =	shalt  }
0x66: {  	_ =	shalt  }
0x67: {  	_ =	shalt  }
0x68: {  	_ =	shalt  }
0x69: {  	_ =	shalt  }
0x6a: {  	_ =	shalt  }
0x6b: {  	_ =	shalt  }
0x6c: {  	_ =	shalt  }
0x6d: {  	_ =	shalt  }
0x6e: {  	_ =	shalt  }
0x6f: {  	_ =	shalt  }
0x70: {  	_ =	shalt  }
0x71: {  	_ =	shalt  }
0x72: {  	_ =	shalt  }
0x73: {  	_ =	shalt  }
0x74: {  	_ =	shalt  }
0x75: {  	_ =	shalt  }
0x76: {  	_ =	shalt  }
0x77: {  	_ =	shalt  }
0x78: {  	_ =	shalt  }
0x79: {  	_ =	shalt  }
0x7a: {  	_ =	shalt  }
0x7b: {  	_ =	shalt  }
0x7c: {  	_ =	shalt  }
0x7d: {  	_ =	shalt  }
0x7e: {  	_ =	shalt  }
0x7f: {  	_ =	shalt  }
0x80: {  	_ =	shalt  }
0x81: {  	_ =	shalt  }
0x82: {  	_ =	shalt  }
0x83: {  	_ =	shalt  }
0x84: {  	_ =	shalt  }
0x85: {  	_ =	shalt  }
0x86: {  	_ =	shalt  }
0x87: {  	_ =	shalt  }
.Lfunc_end0:
.L_simem_size_0:
called_computation.1_lowered:
.L_overlay_start_0:
0x88: {  	s2 =	sld [smem:$0x3FD9]  }
0x89: {  	s3 =	sld [smem:$0x3FFE];
	_ =	sdelay $0x1  }
0x8a: {  	s1 =	srdreg.scid  }
0x8b: {  	s0 =	sand.u32 $0x1, s1  }
0x8c: {  	s17 =	sshll.u32 s0, $0xA;
	s2 =	sadd.s32 s3, s2  }
0x8d: {  	s2 =	sadd.s32 s2, s17  }
0x8e: {  	[smem:$0x3FC0] =	sst s2  }
0x8f: {  	_ = 	snop  }
0x90: {  	(tm) =	ssettm $0x1  }
0x91: {  	s18 =	sld [smem:$0x3FFB];
	_ =	sdelay $0x3  }
0x92: {  	_ =	strace s18  }
0x93: {  	s2 =	sld [smem:$0x3FFC];
	_ =	sdelay $0x3  }
0x94: {  	_ =	strace s2  }
0x95: {  	s2 =	sld [smem:$0x3FFD];
	_ =	sdelay $0x3  }
0x96: {  	_ =	strace s2  }
0x97: {  	_ =	strace $0x8FFFFFFF  }
0x98: {  	s19 =	sld [smem:$0x3FDB];
	_ =	sdelay $0x1  }
0x99: {  	s20 =	simm.s32 $_scs_section_size  }
0x9a: {  	s4 =	simm.s32 $_size__tile_overlayer_lowered;
	s5 =	simm.s32 $_tile_overlayer_lowered  }
0x9b: {  	s6 =	simm.s32 $0x1BFF;
	s21 =	sshll.u32 s5, $0x1;
	s3 =	sadd.s32 s20, s19  }
0x9c: {  	s22 =	simm.s32 $0x0;
	s4 =	sshll.u32 s4, $0x1;
	s5 =	sadd.s32 s21, s3  }
0x9d: {  	[timem:s22], [sflag:s6] =	dma.local [hbm:s5], s4  }
0x9e: {  	_ =	swait.ge [sflag:s6], s4  }
0x9f: {  	s4 =	ssub.s32 $0x0, s4;
	[sflag:s6] =	ssyncset.done $0x0  }
0xa0: {  	[sflag:s6] =	ssyncadd.s32 s4;
	_ =	sdelay $0x1  }
0xa1: {  	s23 =	simm.s32 $0x1B8B  }
0xa2: {  	_ =	swait.ge [sflag:s23], $0x1  }
0xa3: {  	[sflag:s23] =	ssyncset.done $0x0  }
0xa4: {  	[sflag:s23] =	ssyncadd.s32 $0xFFFFFFFF  }
0xa5: {  	s4 =	sld [smem:$0x0]  }
0xa6: {  	s5 =	sand.u32 $0xFFFFFFFE, s1  }
0xa7: {  	p0 =	sne.s32 s1, s5  }
0xa8: {  	s5 =	sshll.u32 @p0 s5, $0xE  }
0xa9: {  	s5 =	sadd.s32 @p0 $0x11B8D, s5;
	s6 =	sshll.u32 @p0 s4, $0x11  }
0xaa: {  	s5 =	sor.u32 @p0 s6, s5  }
0xab: {  	[sflag:s5] =	ssyncadd.remote.s32 @p0 $0x1;
	_ =	sdelay $0x1  }
0xac: {  	s5 =	simm.s32 @p0 $0x1B8D  }
0xad: {  	_ =	swait.eq @p0 [sflag:s5], $0x1  }
0xae: {  	[sflag:s5] =	ssyncadd.s32 @p0 $0xFFFFFFFF  }
0xaf: {  	s6 =	sshll.u32 @!p0 s1, $0xE  }
0xb0: {  	s6 =	sor.u32 @!p0 $0x4000, s6;
	s5 =	simm.s32 @!p0 $0x1B8D  }
0xb1: {  	s4 =	sshll.u32 @!p0 s4, $0x11;
	s6 =	sadd.s32 @!p0 $0x11B8D, s6;
	_ =	swait.eq @!p0 [sflag:s5], $0x1  }
0xb2: {  	s4 =	sor.u32 @!p0 s4, s6;
	[sflag:s5] =	ssyncadd.s32 @!p0 $0xFFFFFFFF  }
0xb3: {  	s25 =	simm.s32 $0x1B8E;
	s24 =	sld [smem:$0x3FFE];
	[sflag:s4] =	ssyncadd.remote.s32 @!p0 $0x1  }
0xb4: {  	s26 =	simm.s32 $execute0_lowered;
	[smem:$0x3FD2] =	sst s25  }
0xb5: {  	s5 =	sshll.u32 s26, $0x1;
	_ =	strace $0x80000049;
	[dreg:$0x1] =	wrdreg $0xFFFFFFFF  }
0xb6: {  	s28 =	simm.s32 $_size_execute0_lowered;
	s3 =	sadd.s32 s3, s5;
	[dreg:$0x0] =	wrdreg $0x0  }
0xb7: {  	s5 =	sshll.u32 s28, $0x1;
	[dreg:$0x2] =	wrdreg s3  }
0xb8: {  	[dreg:$0x3] =	wrdreg s5  }
0xb9: {  	[dreg:$0x4] =	wrdreg $0xC0  }
0xba: {  	_ =	task [dreg:s22], $0x5FFFF  }
0xbb: {  	[dreg:$0x1] =	wrdreg $0xFFFFFFFF  }
0xbc: {  	[dreg:$0x0] =	wrdreg $0x60  }
0xbd: {  	[dreg:$0x2] =	wrdreg s24  }
0xbe: {  	[dreg:$0x3] =	wrdreg $0x6C000  }
0xbf: {  	[dreg:$0x4] =	wrdreg $0xA  }
0xc0: {  	_ =	task.clear_ibuf [dreg:s22], $0x5FFFF;
	_ =	strace $0x90000049  }
0xc1: {  	s29 =	simm.s32 $0xA;
	_ =	strace $0x8000004B  }
0xc2: {  	_ =	swait.ge [sflag:s29], $0x1  }
0xc3: {  	[sflag:s29] =	ssyncadd.s32 $0xFFFFFFFF  }
0xc4: {  	_ =	strace $0x9000004B  }
0xc5: {  	_ =	sfence  }
0xc6: {  	s30 =	sld [smem:$0x0];
	_ =	sdelay $0x2  }
0xc7: {  	s31 =	sshll.u32 s1, $0xD;
	s1 =	sshrl.u32 s1, $0x2  }
0xc8: {  	s4 =	sand.u32 $0x4000, s31;
	s1 =	sadd.s32 s1, s30  }
0xc9: {  	s0 =	sor.u32 s4, s0;
	s1 =	sshll.u32 s1, $0x11  }
0xca: {  	s0 =	sor.u32 s1, s0  }
0xcb: {  	s0 =	sadd.s32 $0x8F2B, s0  }
0xcc: {  	[sflag:s0] =	ssyncadd.remote.s32 $0x1  }
0xcd: {  	_ =	sfence.sel $0xFFFF  }
0xce: {  	[dreg:$0x0] =	wrdreg $0xFFFFFFFF;
	(pc) =	sbr.abs _section_cstart, $3  }
0xcf: {  	[dreg:$0x1] =	wrdreg $0xFFFFFFFF  }
0xd0: {  	_ =	task.clear_ibuf [dreg:s22], $0x2FFFF;
	_ =	strace $0x9FFFFFFF  }
0xd1: {  	(tm) =	ssettm $0x7FFFFFFF  }
tec
execute0_lowered:
.L_overlay_start_1:
0x0: {  	(tag) =	ssettag $0x1  }
0x1: {  	s0 =	srdreg.scid;
	s7 =	rddreg [dreg:$0x0]  }
0x2: {  	s2 =	rddreg [dreg:$0x1];
	s3 =	simm.s32 $0x0;
	s20 =	simm.s32 $0x1C00  }
0x3: {  	s21 =	simm.s32 $0x64;
	s6 =	sand.u32 $0x1, s0;
	s0 =	stileid.u32  }
0x4: {  	s22 =	simm.s32 $0x0;
	[smem:$0x7FF] =	sst s3;
	s8 =	smul.u32 $0x13C000, s6  }
0x5: {  	s5 =	sadd.s32 $0x5FA00, s7;
	s1 =	sshll.u32 s6, $0x4;
	s9 =	smul.u32 $0x13C00, s0  }
0x6: {  	s11 =	smul.u32 $0x4E200, s0;
	s6 =	ssub.s32 $0x2, s6;
	s31 =	sshll.u32 s0, $0x6  }
0x7: {  	s4 =	sor.u32 s0, s1;
	s1 =	rddreg [dreg:$0x2];
	_ =	strace $0x8000004A  }
0x8: {  	s29 =	sshrl.u32 s6, $0x1;
	s4 =	smul.u32 $0x700, s4;
	s8 =	sadd.s32 s9, s8  }
0x9: {  	s11 =	sshrl.u32 s11, $0x2;
	s30 =	ssub.s32 s6, s29;
	s9 =	simm.s32 $0x3800  }
0xa: {  	s8 =	sshrl.u32 s8, $0x3;
	s12 =	sadd.s32 s11, s2;
	s11 =	sor.u32 $0x1C01, s31  }
0xb: {  	s10 =	sadd.s32 s4, s7;
	s4 =	sadd.s32 $0x60200, s7;
	s7 =	sadd.s32 s8, s7  }
0xc: {  	s13 =	sadd.s32 $0x3200, s12;
	s14 =	sadd.s32 $0x6400, s12;
	s15 =	sadd.s32 $0x9600, s12  }
0xd: {  	s16 =	sadd.s32 $0xC800, s12;
	s17 =	sadd.s32 $0xFA00, s12;
	s18 =	sadd.s32 $0x10680, s12  }
0xe: {  	s8 =	smax.u32 s30, $0x1;
	s12 =	sshrl.u32 s12, $0x3;
	s6 =	sadd.s32 $0x2A00, s10  }
0xf: {  	s7 =	sadd.s32 $0x60A00, s7;
	s10 =	simm.s32 $0x1;
	s13 =	sshrl.u32 s13, $0x3  }
0x10: {  	s14 =	sshrl.u32 s14, $0x3;
	s15 =	sshrl.u32 s15, $0x3;
	s16 =	sshrl.u32 s16, $0x3  }
0x11: {  	s17 =	sshrl.u32 s17, $0x3;
	s18 =	sshrl.u32 s18, $0x3;
	s19 =	sadd.s32 $0x380, s6  }
.LBB2_1:
0x12: {  	[tilespmem:s9], [sflag:$0x1] =	stream.linear.gather [hbm4b:s4+s3], $0x3200, $0x38;
	[tilespmem:$0x1A480] =	vst v63  }
0x13: {  	_ =	swait.ge [sflag:s10], $0x3200  }
0x14: {  	[sflag:s10] =	ssyncset.done $0x0  }
0x15: {  	[sflag:s10] =	ssyncadd.s32 $0xFFFFCE00  }
0x16: {  	[spmem:s12], [sflag:s11] =	dma.local [hbm:s5], $0x640  }
0x17: {  	_ =	swait.ge [sflag:s10], $0x640  }
0x18: {  	[sflag:s10] =	ssyncset.done $0x0  }
0x19: {  	[sflag:s10] =	ssyncadd.s32 $0xFFFFF9C0  }
0x1a: {  	[spmem:s13], [sflag:s11] =	dma.local [hbm:s5], $0x640  }
0x1b: {  	_ =	swait.ge [sflag:s10], $0x640  }
0x1c: {  	[sflag:s10] =	ssyncset.done $0x0  }
0x1d: {  	[sflag:s10] =	ssyncadd.s32 $0xFFFFF9C0  }
0x1e: {  	[spmem:s14], [sflag:s11] =	dma.local [hbm:s5], $0x640  }
0x1f: {  	_ =	swait.ge [sflag:s10], $0x640  }
0x20: {  	[sflag:s10] =	ssyncset.done $0x0  }
0x21: {  	[sflag:s10] =	ssyncadd.s32 $0xFFFFF9C0  }
0x22: {  	[spmem:s15], [sflag:s11] =	dma.local [hbm:s5], $0x640  }
0x23: {  	_ =	swait.ge [sflag:s10], $0x640  }
0x24: {  	[sflag:s10] =	ssyncset.done $0x0  }
0x25: {  	[sflag:s10] =	ssyncadd.s32 $0xFFFFF9C0  }
0x26: {  	[spmem:s16], [sflag:s11] =	dma.local [hbm:s5], $0x640  }
0x27: {  	_ =	swait.ge [sflag:s10], $0x640  }
0x28: {  	[sflag:s10] =	ssyncset.done $0x0  }
0x29: {  	[sflag:s10] =	ssyncadd.s32 $0xFFFFF9C0  }
0x2a: {  	[spmem:s17], [sflag:s11] =	dma.local [hbm:s5], $0x640  }
0x2b: {  	_ =	swait.ge [sflag:s10], $0x640  }
0x2c: {  	[sflag:s10] =	ssyncset.done $0x0  }
0x2d: {  	[sflag:s10] =	ssyncadd.s32 $0xFFFFF9C0  }
0x2e: {  	[spmem:s18], [sflag:s11] =	dma.local [hbm:s5], $0x640  }
0x2f: {  	_ =	swait.ge [sflag:s10], $0x640  }
0x30: {  	[sflag:s10] =	ssyncset.done $0x0  }
0x31: {  	[sflag:s10] =	ssyncadd.s32 $0xFFFFF9C0  }
0x32: {  	[tilespmem:s3], [sflag:$0x1] =	stream.linear.gather [hbm4b:s6+s3], $0x1900, $0x38;
	[tilespmem:$0x1A480] =	vst v63  }
0x33: {  	_ = 	snop  }
0x34: {  	[tilespmem:s20], [sflag:$0x1] =	stream.linear.gather [hbm4b:s19+s3], $0x1900, $0x38;
	[tilespmem:$0x1A480] =	vst v63  }
0x35: {  	_ =	swait.ge [sflag:s10], $0x3200  }
0x36: {  	[sflag:s10] =	ssyncset.done $0x0  }
0x37: {  	[sflag:s10] =	ssyncadd.s32 $0xFFFFCE00  }
0x38: {  	s23 =	simm.s32 $0x0;
	[bflag:$0x0] =	sbarrier.arrive $0xFFFF  }
.LBB2_2:
0x39: {  	p0 =	sne.s32 s23, $0x6200  }
.Ltmp0:
0x3a: {  	s24 =	sshra.s32 s23, $0x2;
	(pc) =	sbr.rel @p0 .LBB2_2-.Ltmp0, $4  }
0x3b: {  	[spmem:s2] =	stream.indirect.scatter.add.f32 [tilespmem:s9], [sflag:$0x1], $0x80, s24, s21, $0xb8;
	[tilespmem:$0x1A480] =	vst v63  }
0x3c: {  	_ =	swait.ge [sflag:s10], $0x3200  }
0x3d: {  	[sflag:s10] =	ssyncset.done $0x0  }
0x3e: {  	s23 =	sadd.s32 $0x200, s23;
	[sflag:s10] =	ssyncadd.s32 $0xFFFFCE00  }
0x3f: {  	s23 =	simm.s32 $0x1C00  }
0x40: {  	[spmem:s2] =	stream.indirect.scatter.add.f32 [tilespmem:s9], [sflag:$0x1], $0x80, s23, s21, $0xb8;
	[tilespmem:$0x1A480] =	vst v63  }
0x41: {  	s23 =	simm.s32 $0x200;
	_ =	swait.ge [sflag:s10], $0x3200  }
.LBB2_4:
0x42: {  	s24 =	sshra.s32 s23, $0x2;
	[sflag:s10] =	ssyncset.done $0x0;
	p0 =	sne.s32 s23, $0x6200  }
.Ltmp1:
0x43: {  	s24 =	sadd.s32 $0x1C00, s24;
	[sflag:s10] =	ssyncadd.s32 $0xFFFFCE00;
	(pc) =	sbr.rel @p0 .LBB2_4-.Ltmp1, $3  }
0x44: {  	[spmem:s2] =	stream.indirect.scatter.add.f32 [tilespmem:s9], [sflag:$0x1], $0x80, s24, s21, $0xb8;
	[tilespmem:$0x1A480] =	vst v63  }
0x45: {  	s23 =	sadd.s32 $0x200, s23;
	_ =	sdelay $0x1  }
0x46: {  	_ =	swait.ge [sflag:s10], $0x3200  }
0x47: {  	[sflag:s10] =	ssyncset.done $0x0;
	s22 =	sadd.s32 $0x1, s22  }
0x48: {  	[sflag:s10] =	ssyncadd.s32 $0xFFFFCE00;
	p0 =	sne.s32 s22, s8  }
.Ltmp2:
0x49: {  	[bflag:$0x0] =	sbarrier.arrive $0xFFFF;
	(pc) =	sbr.rel @p0 .LBB2_1-.Ltmp2, $4  }
0x4a: {  	[hbm:s7], [sflag:s11] =	dma.local [spmem:s12], $0x2710  }
0x4b: {  	_ =	swait.ge [sflag:s10], $0x2710  }
0x4c: {  	[sflag:s10] =	ssyncset.done $0x0  }
0x4d: {  	[sflag:s10] =	ssyncadd.s32 $0xFFFFD8F0  }
0x4e: {  	_ =	sfence.sel $0x180000  }
0x4f: {  	[bflag:$0x0] =	sbarrier.arrive $0xFFFF  }
0x50: {  	p0 =	sne.s32 s0, $0x0;
	_ =	strace $0x9000004A  }
0x51: {  	s0 =	sadd.s32 @!p0 $0x100000, s1;
	[bflag:$0x2] =	sbarrier.arrive $0xFFFF  }
0x52: {  	[sflag:s0] =	ssyncadd.tile.s32 @!p0 $0x1;
	_ =	shalt  }
.Lfunc_end2:
_tile_overlayer_lowered:
.L_overlay_start_2:
0x53: {  	(tag) =	ssettag $0x2  }
0x54: {  	s0 =	rddreg [dreg:$0x0];
	s2 =	stileid.u32  }
0x55: {  	s1 =	rddreg [dreg:$0x1];
	p0 =	sne.s32 s2, $0x0  }
0x56: {  	s3 =	rddreg [dreg:$0x2];
	[bflag:$0x3] =	sbarrier.arrive $0xFFFF;
	s2 =	simm.s32 @!p0 $0x1C01  }
0x57: {  	[timem:s3], [sflag:s2] =	dma.local @!p0 [hbm:s0], s1  }
0x58: {  	s0 =	simm.s32 @!p0 $0x1  }
0x59: {  	_ =	swait.ge @!p0 [sflag:s0], s1  }
0x5a: {  	s1 =	ssub.s32 @!p0 $0x0, s1;
	[sflag:s0] =	ssyncset.done @!p0 $0x0  }
0x5b: {  	[sflag:s0] =	ssyncadd.s32 @!p0 s1  }
0x5c: {  	[bflag:$0x3] =	sbarrier.arrive $0xFFFF  }
0x5d: {  	_ =	shalt  }

// kernel: kernel.14.cloned.1.call-start
scs
__scs_entry_jumppad:
0x0: {  	(pc) =	sbr.rel $0x88, $3  }
0x1: {  	(tag) =	ssettag $0x0;
	lr =	simm.s32 $0x1  }
0x2: {  	[smem:$0x3F99] =	sst lr;
	_ =	strace $0xD0000000  }
0x3: {  	_ = 	snop  }
0x4: {  	_ = 	snop  }
0x5: {  	_ = 	snop  }
0x6: {  	_ = 	snop  }
0x7: {  	_ = 	snop  }
__scs_overlays_trampoline_lowered:
0x8: {  	[smem:$0x3FA8] =	sst s0  }
0x9: {  	[smem:$0x3FA9] =	sst s1  }
0xa: {  	[smem:$0x3FAA] =	sst s2  }
0xb: {  	[smem:$0x3FAB] =	sst s3  }
0xc: {  	[smem:$0x3FAC] =	sst s4  }
0xd: {  	[smem:$0x3FAD] =	sst s5  }
0xe: {  	[smem:$0x3FAE] =	sst s6  }
0xf: {  	[smem:$0x3FAF] =	sst s7  }
0x10: {  	[smem:$0x3FB0] =	sst s8  }
0x11: {  	[smem:$0x3FB1] =	sst s9;
	s0 =	simm.s32 @!p0 $0x0  }
0x12: {  	s1 =	sld [smem:$0x3F97];
	s0 =	simm.s32 @p0 $0x1  }
0x13: {  	[smem:$0x3FB2] =	sst s0;
	s0 =	simm.s32 @!p1 $0x0  }
0x14: {  	s2 =	sld [smem:$0x3F96];
	s0 =	simm.s32 @p1 $0x1  }
0x15: {  	[smem:$0x3FB3] =	sst s0;
	s0 =	simm.s32 @!p2 $0x0  }
0x16: {  	s3 =	sld [smem:$0x3FDB];
	s0 =	simm.s32 @p2 $0x1  }
0x17: {  	s4 =	simm.s32 $0x1BF5;
	[smem:$0x3FB5] =	sst s0  }
0x18: {  	s0 =	sld [smem:$0x3F98];
	_ =	swait.ge [sflag:s4], $0x0  }
0x19: {  	s7 =	sld [smem:$0x3F99]  }
0x1a: {  	s8 =	sadd.s32 $0xFFFFE003, lr  }
0x1b: {  	s9 =	sadd.s32 $0xFFFFFEF7, lr;
	s5 =	simm.s32 $0xFFFFFFFF;
	p2 =	slt.u32 s8, $0xFFFFF086  }
0x1c: {  	p1 =	slt.u32 s9, $0xF7A;
	s5 =	simm.s32 @!p2 $0x0  }
0x1d: {  	s5 =	simm.s32 @p1 $0x1;
	p0 =	seq.s32 s7, s2  }
0x1e: {  	s7 =	smul.u32 @!p0 $0xF7A, s2;
	p2 =	seq.s32 @!p0 s5, $0x0  }
0x1f: {  	s9 =	smul.u32 $0xF7A, s1;
	s8 =	simm.s32 @!p0 $0x1BF5;
	p2 =	por !p2, p0  }
0x20: {  	[sflag:s8] =	ssyncset.s32 @!p0 $0xFFFFF086;
	s6 =	sadd.s32 @!p0 s3, s7;
	s7 =	simm.s32 @!p0 $0x108  }
0x21: {  	s3 =	sadd.s32 s3, s9;
	s6 =	sadd.s32 @!p0 $0x88, s6;
	s7 =	simm.s32 @p2 $0x1082  }
0x22: {  	[simem:s7], [sflag:s8] =	dma.local @!p0 [hbm:s6], $0xF7A  }
0x23: {  	s9 =	sor.u32 $0xD0000000, s2;
	s6 =	simm.s32 $0x108;
	_ =	swait.ge @!p0 [sflag:s8], $0x0  }
0x24: {  	s3 =	sadd.s32 $0x88, s3;
	s6 =	simm.s32 @!p1 $0x1082;
	[sflag:s4] =	ssyncset.s32 $0xFFFFF086  }
0x25: {  	[simem:s6], [sflag:s4] =	dma.local [hbm:s3], $0xF7A  }
0x26: {  	[smem:$0x3F99] =	sst s1;
	(tag) =	ssettag s2;
	_ =	strace s9  }
0x27: {  	s1 =	sld [smem:$0x3FA9]  }
0x28: {  	s2 =	sld [smem:$0x3FAA]  }
0x29: {  	s4 =	sld [smem:$0x3FAC]  }
0x2a: {  	p0 =	seq.s32 s5, $0x0;
	s5 =	sld [smem:$0x3FAD]  }
0x2b: {  	s6 =	sld [smem:$0x3FAE]  }
0x2c: {  	s7 =	sld [smem:$0x3FAF]  }
0x2d: {  	s3 =	simm.s32 $0x108;
	s8 =	sld [smem:$0x3FB0]  }
0x2e: {  	s3 =	simm.s32 @!p0 $0x1082;
	s9 =	sld [smem:$0x3FB1]  }
0x2f: {  	lr =	sadd.s32 s0, s3;
	s0 =	sld [smem:$0x3FA8]  }
0x30: {  	s3 =	sld [smem:$0x3FAB]  }
0x31: {  	[smem:$0x3FB4] =	sst s10  }
0x32: {  	s10 =	sld [smem:$0x3FB2];
	_ =	sdelay $0x3  }
0x33: {  	p0 =	seq.s32 s10, $0x1;
	s10 =	sld [smem:$0x3FB4];
	_ =	sdelay $0x3  }
0x34: {  	[smem:$0x3FB4] =	sst s10  }
0x35: {  	s10 =	sld [smem:$0x3FB3];
	_ =	sdelay $0x3  }
0x36: {  	p1 =	seq.s32 s10, $0x1;
	s10 =	sld [smem:$0x3FB4];
	_ =	sdelay $0x3  }
0x37: {  	[smem:$0x3FB4] =	sst s10  }
0x38: {  	s10 =	sld [smem:$0x3FB5]  }
0x39: {  	_ = 	snop;
	(pc) =	sbr.ind lr, $3  }
0x3a: {  	_ = 	snop  }
0x3b: {  	_ = 	snop  }
0x3c: {  	p2 =	seq.s32 s10, $0x1;
	s10 =	sld [smem:$0x3FB4]  }
0x3d: {  	_ =	shalt  }
0x3e: {  	_ =	shalt  }
0x3f: {  	_ =	shalt  }
0x40: {  	_ =	shalt  }
0x41: {  	_ =	shalt  }
0x42: {  	_ =	shalt  }
0x43: {  	_ =	shalt  }
0x44: {  	_ =	shalt  }
0x45: {  	_ =	shalt  }
0x46: {  	_ =	shalt  }
0x47: {  	_ =	shalt  }
0x48: {  	_ =	shalt  }
0x49: {  	_ =	shalt  }
0x4a: {  	_ =	shalt  }
0x4b: {  	_ =	shalt  }
0x4c: {  	_ =	shalt  }
0x4d: {  	_ =	shalt  }
0x4e: {  	_ =	shalt  }
0x4f: {  	_ =	shalt  }
0x50: {  	_ =	shalt  }
0x51: {  	_ =	shalt  }
0x52: {  	_ =	shalt  }
0x53: {  	_ =	shalt  }
0x54: {  	_ =	shalt  }
0x55: {  	_ =	shalt  }
0x56: {  	_ =	shalt  }
0x57: {  	_ =	shalt  }
0x58: {  	_ =	shalt  }
0x59: {  	_ =	shalt  }
0x5a: {  	_ =	shalt  }
0x5b: {  	_ =	shalt  }
0x5c: {  	_ =	shalt  }
0x5d: {  	_ =	shalt  }
0x5e: {  	_ =	shalt  }
0x5f: {  	_ =	shalt  }
0x60: {  	_ =	shalt  }
0x61: {  	_ =	shalt  }
0x62: {  	_ =	shalt  }
0x63: {  	_ =	shalt  }
0x64: {  	_ =	shalt  }
0x65: {  	_ =	shalt  }
0x66: {  	_ =	shalt  }
0x67: {  	_ =	shalt  }
0x68: {  	_ =	shalt  }
0x69: {  	_ =	shalt  }
0x6a: {  	_ =	shalt  }
0x6b: {  	_ =	shalt  }
0x6c: {  	_ =	shalt  }
0x6d: {  	_ =	shalt  }
0x6e: {  	_ =	shalt  }
0x6f: {  	_ =	shalt  }
0x70: {  	_ =	shalt  }
0x71: {  	_ =	shalt  }
0x72: {  	_ =	shalt  }
0x73: {  	_ =	shalt  }
0x74: {  	_ =	shalt  }
0x75: {  	_ =	shalt  }
0x76: {  	_ =	shalt  }
0x77: {  	_ =	shalt  }
0x78: {  	_ =	shalt  }
0x79: {  	_ =	shalt  }
0x7a: {  	_ =	shalt  }
0x7b: {  	_ =	shalt  }
0x7c: {  	_ =	shalt  }
0x7d: {  	_ =	shalt  }
0x7e: {  	_ =	shalt  }
0x7f: {  	_ =	shalt  }
0x80: {  	_ =	shalt  }
0x81: {  	_ =	shalt  }
0x82: {  	_ =	shalt  }
0x83: {  	_ =	shalt  }
0x84: {  	_ =	shalt  }
0x85: {  	_ =	shalt  }
0x86: {  	_ =	shalt  }
0x87: {  	_ =	shalt  }
.Lfunc_end0:
.L_simem_size_0:
called_computation.2_lowered:
.L_overlay_start_0:
0x88: {  	s2 =	sld [smem:$0x3FD9]  }
0x89: {  	s3 =	sld [smem:$0x3FFE];
	_ =	sdelay $0x1  }
0x8a: {  	s1 =	srdreg.scid  }
0x8b: {  	s0 =	sand.u32 $0x1, s1  }
0x8c: {  	s17 =	sshll.u32 s0, $0xA;
	s2 =	sadd.s32 s3, s2  }
0x8d: {  	s2 =	sadd.s32 s2, s17  }
0x8e: {  	[smem:$0x3FC0] =	sst s2  }
0x8f: {  	_ = 	snop  }
0x90: {  	s2 =	sld [smem:$0x3FD0];
	(tm) =	ssettm $0x1  }
0x91: {  	s18 =	sld [smem:$0x3FFB];
	_ =	sdelay $0x3  }
0x92: {  	_ =	strace s18  }
0x93: {  	s3 =	sld [smem:$0x3FFC];
	_ =	sdelay $0x3  }
0x94: {  	_ =	strace s3  }
0x95: {  	s3 =	sld [smem:$0x3FFD];
	_ =	sdelay $0x3  }
0x96: {  	_ =	strace s3  }
0x97: {  	_ =	strace $0x8FFFFFFF  }
0x98: {  	s19 =	sld [smem:$0x3FDB];
	_ =	sdelay $0x1  }
0x99: {  	s4 =	simm.s32 $_scs_section_size  }
0x9a: {  	s5 =	simm.s32 $_size__tile_overlayer_lowered;
	s6 =	simm.s32 $_tile_overlayer_lowered  }
0x9b: {  	s22 =	simm.s32 $0x1BFF;
	s21 =	sshll.u32 s6, $0x1;
	s3 =	sadd.s32 s4, s19  }
0x9c: {  	s7 =	simm.s32 $0x0;
	s20 =	sshll.u32 s5, $0x1;
	s5 =	sadd.s32 s21, s3  }
0x9d: {  	[timem:s7], [sflag:s22] =	dma.local [hbm:s5], s20  }
0x9e: {  	_ =	swait.ge [sflag:s22], s20  }
0x9f: {  	s4 =	ssub.s32 $0x0, s20;
	[sflag:s22] =	ssyncset.done $0x0  }
0xa0: {  	[sflag:s22] =	ssyncadd.s32 s4;
	_ =	sdelay $0x1  }
0xa1: {  	s23 =	simm.s32 $0x1B8B  }
0xa2: {  	_ =	swait.ge [sflag:s23], $0x1  }
0xa3: {  	[sflag:s23] =	ssyncset.done $0x0  }
0xa4: {  	s25 =	simm.s32 $0x1B8E;
	s24 =	sld [smem:$0x3FFE];
	[sflag:s23] =	ssyncadd.s32 $0xFFFFFFFF  }
0xa5: {  	s26 =	simm.s32 $execute0_lowered;
	[smem:$0x3FD2] =	sst s25  }
0xa6: {  	s5 =	sshll.u32 s26, $0x1;
	_ =	strace $0x8000004C;
	[dreg:$0x1] =	wrdreg $0xFFFFFFFF  }
0xa7: {  	s28 =	simm.s32 $_size_execute0_lowered;
	s3 =	sadd.s32 s3, s5;
	[dreg:$0x0] =	wrdreg $0x0  }
0xa8: {  	s5 =	sshll.u32 s28, $0x1;
	[dreg:$0x2] =	wrdreg s3  }
0xa9: {  	[dreg:$0x3] =	wrdreg s5  }
0xaa: {  	[dreg:$0x4] =	wrdreg $0xC0  }
0xab: {  	_ =	task [dreg:s7], $0x5FFFF  }
0xac: {  	[dreg:$0x1] =	wrdreg $0xFFFFFFFF  }
0xad: {  	[dreg:$0x0] =	wrdreg $0x60  }
0xae: {  	[dreg:$0x2] =	wrdreg s24  }
0xaf: {  	[dreg:$0x3] =	wrdreg s2  }
0xb0: {  	[dreg:$0x4] =	wrdreg $0xA0000  }
0xb1: {  	[dreg:$0x5] =	wrdreg $0x9  }
0xb2: {  	_ =	task.clear_ibuf [dreg:s7], $0x6FFFF;
	_ =	strace $0x9000004C  }
0xb3: {  	s29 =	simm.s32 $0x9;
	_ =	strace $0x8000004E  }
0xb4: {  	_ =	swait.ge [sflag:s29], $0x1  }
0xb5: {  	[sflag:s29] =	ssyncadd.s32 $0xFFFFFFFF  }
0xb6: {  	_ =	strace $0x9000004E  }
0xb7: {  	_ =	sfence  }
0xb8: {  	s30 =	sld [smem:$0x0];
	_ =	sdelay $0x2  }
0xb9: {  	s31 =	sshll.u32 s1, $0xD;
	s1 =	sshrl.u32 s1, $0x2  }
0xba: {  	s3 =	sand.u32 $0x4000, s31;
	s1 =	sadd.s32 s1, s30  }
0xbb: {  	s0 =	sor.u32 s3, s0;
	s1 =	sshll.u32 s1, $0x11  }
0xbc: {  	s0 =	sor.u32 s1, s0  }
0xbd: {  	s0 =	sadd.s32 $0x8F2B, s0  }
0xbe: {  	[sflag:s0] =	ssyncadd.remote.s32 $0x1  }
0xbf: {  	_ =	sfence.sel $0xFFFF  }
0xc0: {  	[dreg:$0x0] =	wrdreg $0xFFFFFFFF;
	(pc) =	sbr.abs _section_cstart, $3  }
0xc1: {  	[dreg:$0x1] =	wrdreg $0xFFFFFFFF  }
0xc2: {  	_ =	task.clear_ibuf [dreg:s7], $0x2FFFF;
	_ =	strace $0x9FFFFFFF  }
0xc3: {  	(tm) =	ssettm $0x7FFFFFFF  }
tec
execute0_lowered:
.L_overlay_start_1:
0x0: {  	(tag) =	ssettag $0x1  }
0x1: {  	s1 =	rddreg [dreg:$0x0]  }
0x2: {  	s0 =	srdreg.scid;
	s14 =	rddreg [dreg:$0x1]  }
0x3: {  	s30 =	stileid.u32;
	s2 =	rddreg [dreg:$0x2]  }
0x4: {  	s3 =	simm.s32 $0x0;
	s18 =	simm.s32 $0x3800;
	s19 =	simm.s32 $0x3  }
0x5: {  	s20 =	simm.s32 $0x1C00;
	s21 =	simm.s32 $0x64;
	s22 =	simm.s32 $0x6C00  }
0x6: {  	s23 =	simm.s32 $0x1;
	s24 =	simm.s32 $0x2;
	s25 =	simm.s32 $0x1880  }
0x7: {  	s26 =	simm.s32 $0x3400;
	s28 =	simm.s32 $0x3480;
	s6 =	smul.u32 $0x13C00, s30  }
0x8: {  	s29 =	simm.s32 $0x0;
	s5 =	sand.u32 $0x1, s0;
	s7 =	smul.u32 $0x4E200, s30  }
0x9: {  	[smem:$0x7FF] =	sst s3;
	s15 =	sadd.s32 $0x2A00, s1;
	s4 =	smul.u32 $0x13C000, s5  }
0xa: {  	_ =	strace $0x8000004D;
	s31 =	ssub.s32 $0x2, s5;
	s5 =	sshll.u32 s5, $0x4  }
0xb: {  	s7 =	sshrl.u32 s7, $0x2;
	s8 =	sshrl.u32 s31, $0x1;
	s9 =	sor.u32 s30, s5  }
0xc: {  	s4 =	sadd.s32 s6, s4;
	s5 =	sadd.s32 s7, s2;
	s17 =	ssub.s32 s31, s8  }
0xd: {  	s12 =	smul.u32 $0x3800, s9;
	s6 =	sshrl.u32 s4, $0x3;
	s4 =	sadd.s32 $0x85E00, s1  }
0xe: {  	s7 =	sadd.s32 $0x6400, s5;
	s8 =	sadd.s32 $0x9600, s5;
	s9 =	sadd.s32 $0xC800, s5  }
0xf: {  	s10 =	sadd.s32 $0xFA00, s5;
	s11 =	sadd.s32 $0x12C00, s5;
	s17 =	smax.u32 s17, $0x1  }
0x10: {  	s1 =	sadd.s32 s6, s1;
	s6 =	sadd.s32 $0x3200, s5;
	s16 =	sshrl.u32 s12, $0x3  }
0x11: {  	s12 =	sadd.s32 s14, s16;
	s13 =	sadd.s32 s15, s16;
	s16 =	sadd.s32 $0x380, s16  }
0x12: {  	v0 =	vimm.f32 $0.0e+00;
	s14 =	sadd.s32 s14, s16;
	s15 =	sadd.s32 s15, s16;
	s16 =	sadd.s32 $0xAD000, s1  }
.LBB2_1:
0x13: {  	s0 =	simm.s32 $0x0  }
0x14: {  	s1 =	sand.u32 $0xFE00, s0  }
0x15: {  	s31 =	sand.u32 $0x70, s0;
	s1 =	sshrl.u32 s1, $0x2  }
0x16: {  	s30 =	simm.s32 $0x40;
	s1 =	sor.u32 s31, s1;
	s31 =	simm.s32 $0x0  }
.LBB2_2:
0x17: {  	p0 =	sne.s32 s30, $0xC7C0  }
0x18: {  	[tilespmem:s1+$0x3800] =	vst v0;
	s31 =	sadd.s32 $0x10, s31;
	s1 =	smov.u32 s30;
	s30 =	sadd.s32 $0x40, s30  }
.Ltmp0:
0x19: {  	(pc) =	sbr.rel @p0 .LBB2_2-.Ltmp0, $4  }
0x1a: {  	_ = 	snop  }
0x1b: {  	s1 =	sand.u32 $0xFE00, s1  }
0x1c: {  	s0 =	sand.u32 $0x70, s31;
	s1 =	sshrl.u32 s1, $0x2  }
0x1d: {  	s1 =	sor.u32 s0, s1  }
0x1e: {  	[tilespmem:s1+$0x3800] =	vst v0  }
0x1f: {  	[spmem:s5] =	stream.linear.scatter [tilespmem:s18], [sflag:$0x3], $0x3200, $0x38;
	[tilespmem:$0x1D880] =	vst v63  }
0x20: {  	_ =	swait.ge [sflag:s19], $0x3200  }
0x21: {  	[sflag:s19] =	ssyncset.done $0x0  }
0x22: {  	[sflag:s19] =	ssyncadd.s32 $0xFFFFCE00  }
0x23: {  	[spmem:s6] =	stream.linear.scatter [tilespmem:s18], [sflag:$0x3], $0x3200, $0x38;
	[tilespmem:$0x1D880] =	vst v63  }
0x24: {  	_ =	swait.ge [sflag:s19], $0x3200  }
0x25: {  	[sflag:s19] =	ssyncset.done $0x0  }
0x26: {  	[sflag:s19] =	ssyncadd.s32 $0xFFFFCE00  }
0x27: {  	[spmem:s7] =	stream.linear.scatter [tilespmem:s18], [sflag:$0x3], $0x3200, $0x38;
	[tilespmem:$0x1D880] =	vst v63  }
0x28: {  	_ =	swait.ge [sflag:s19], $0x3200  }
0x29: {  	[sflag:s19] =	ssyncset.done $0x0  }
0x2a: {  	[sflag:s19] =	ssyncadd.s32 $0xFFFFCE00  }
0x2b: {  	[spmem:s8] =	stream.linear.scatter [tilespmem:s18], [sflag:$0x3], $0x3200, $0x38;
	[tilespmem:$0x1D880] =	vst v63  }
0x2c: {  	_ =	swait.ge [sflag:s19], $0x3200  }
0x2d: {  	[sflag:s19] =	ssyncset.done $0x0  }
0x2e: {  	[sflag:s19] =	ssyncadd.s32 $0xFFFFCE00  }
0x2f: {  	[spmem:s9] =	stream.linear.scatter [tilespmem:s18], [sflag:$0x3], $0x3200, $0x38;
	[tilespmem:$0x1D880] =	vst v63  }
0x30: {  	_ =	swait.ge [sflag:s19], $0x3200  }
0x31: {  	[sflag:s19] =	ssyncset.done $0x0  }
0x32: {  	[sflag:s19] =	ssyncadd.s32 $0xFFFFCE00  }
0x33: {  	[spmem:s10] =	stream.linear.scatter [tilespmem:s18], [sflag:$0x3], $0x3200, $0x38;
	[tilespmem:$0x1D880] =	vst v63  }
0x34: {  	_ =	swait.ge [sflag:s19], $0x3200  }
0x35: {  	[sflag:s19] =	ssyncset.done $0x0  }
0x36: {  	[sflag:s19] =	ssyncadd.s32 $0xFFFFCE00  }
0x37: {  	[spmem:s11] =	stream.linear.scatter [tilespmem:s18], [sflag:$0x3], $0xC80, $0x38;
	[tilespmem:$0x1D880] =	vst v63  }
0x38: {  	_ =	swait.ge [sflag:s19], $0xC80  }
0x39: {  	[sflag:s19] =	ssyncset.done $0x0  }
0x3a: {  	[sflag:s19] =	ssyncadd.s32 $0xFFFFF380  }
0x3b: {  	s0 =	simm.s32 $0x0;
	[bflag:$0x0] =	sbarrier.arrive $0xFFFF  }
0x3c: {  	[tilespmem:s0], [sflag:$0x3] =	stream.linear.gather [hbm4b:s12+s0], $0x1900, $0x38;
	[tilespmem:$0x1D880] =	vst v63  }
0x3d: {  	_ =	swait.ge [sflag:s19], $0x1900  }
0x3e: {  	[sflag:s19] =	ssyncset.done $0x0  }
0x3f: {  	[sflag:s19] =	ssyncadd.s32 $0xFFFFE700  }
0x40: {  	[tilespmem:s20], [sflag:$0x3] =	stream.linear.gather [hbm4b:s13+s0], $0x1900, $0x38;
	[tilespmem:$0x1D880] =	vst v63  }
0x41: {  	_ =	swait.ge [sflag:s19], $0x1900  }
0x42: {  	[sflag:s19] =	ssyncset.done $0x0  }
0x43: {  	[sflag:s19] =	ssyncadd.s32 $0xFFFFE700  }
0x44: {  	[tilespmem:s18], [sflag:$0x1] =	stream.indirect.gather [hbm4b:s4+s21], $0x80, s0, s21, $0xb8;
	[tilespmem:$0x1D880] =	vst v63  }
0x45: {  	s1 =	simm.s32 $0x80  }
0x46: {  	[tilespmem:s22], [sflag:$0x2] =	stream.indirect.gather [hbm4b:s4+s21], $0x80, s1, s21, $0xb8;
	[tilespmem:$0x1D880] =	vst v63  }
0x47: {  	_ =	swait.ge [sflag:s23], $0x3200  }
0x48: {  	[sflag:s23] =	ssyncset.done $0x0  }
0x49: {  	s3 =	simm.s32 $0x1C00;
	[sflag:s23] =	ssyncadd.s32 $0xFFFFCE00  }
0x4a: {  	[spmem:s2] =	stream.indirect.scatter.add.f32 [tilespmem:s18], [sflag:$0x3], $0x80, s3, s21, $0xb8;
	[tilespmem:$0x1D880] =	vst v63  }
0x4b: {  	_ =	swait.ge [sflag:s19], $0x3200  }
0x4c: {  	[sflag:s19] =	ssyncset.done $0x0  }
0x4d: {  	s1 =	simm.s32 $0x100;
	[sflag:s19] =	ssyncadd.s32 $0xFFFFCE00  }
0x4e: {  	[tilespmem:s18], [sflag:$0x1] =	stream.indirect.gather [hbm4b:s4+s21], $0x80, s1, s21, $0xb8;
	[tilespmem:$0x1D880] =	vst v63  }
0x4f: {  	_ =	swait.ge [sflag:s24], $0x3200  }
0x50: {  	[sflag:s24] =	ssyncset.done $0x0  }
0x51: {  	s3 =	simm.s32 $0x1C80;
	[sflag:s24] =	ssyncadd.s32 $0xFFFFCE00  }
0x52: {  	[spmem:s2] =	stream.indirect.scatter.add.f32 [tilespmem:s22], [sflag:$0x3], $0x80, s3, s21, $0xb8;
	[tilespmem:$0x1D880] =	vst v63  }
0x53: {  	_ =	swait.ge [sflag:s19], $0x3200  }
0x54: {  	s31 =	simm.s32 $0x800;
	s30 =	simm.s32 $0x100;
	[sflag:s19] =	ssyncset.done $0x0  }
.LBB2_4:
0x55: {  	s0 =	sadd.s32 $0x80, s30  }
0x56: {  	[sflag:s19] =	ssyncadd.s32 $0xFFFFCE00;
	s1 =	smov.u32 s31;
	s3 =	sadd.s32 $0x400, s31  }
0x57: {  	[tilespmem:s22], [sflag:$0x2] =	stream.indirect.gather [hbm4b:s4+s21], $0x80, s0, s21, $0xb8;
	[tilespmem:$0x1D880] =	vst v63  }
0x58: {  	p0 =	sne.s32 s31, $0x5C00;
	_ =	swait.ge [sflag:s23], $0x3200  }
0x59: {  	[sflag:s23] =	ssyncset.done $0x0  }
0x5a: {  	s0 =	sadd.s32 $0x1C00, s30;
	[sflag:s23] =	ssyncadd.s32 $0xFFFFCE00  }
0x5b: {  	[spmem:s2] =	stream.indirect.scatter.add.f32 [tilespmem:s18], [sflag:$0x3], $0x80, s0, s21, $0xb8;
	[tilespmem:$0x1D880] =	vst v63  }
0x5c: {  	_ =	swait.ge [sflag:s19], $0x3200  }
0x5d: {  	[sflag:s19] =	ssyncset.done $0x0  }
0x5e: {  	s0 =	sadd.s32 $0x100, s30;
	[sflag:s19] =	ssyncadd.s32 $0xFFFFCE00  }
0x5f: {  	[tilespmem:s18], [sflag:$0x1] =	stream.indirect.gather [hbm4b:s4+s21], $0x80, s0, s21, $0xb8;
	[tilespmem:$0x1D880] =	vst v63  }
0x60: {  	_ =	swait.ge [sflag:s24], $0x3200  }
.Ltmp1:
0x61: {  	[sflag:s24] =	ssyncset.done $0x0;
	(pc) =	sbr.rel @p0 .LBB2_4-.Ltmp1, $4  }
0x62: {  	s0 =	sadd.s32 $0x1C80, s30;
	[sflag:s24] =	ssyncadd.s32 $0xFFFFCE00  }
0x63: {  	[spmem:s2] =	stream.indirect.scatter.add.f32 [tilespmem:s22], [sflag:$0x3], $0x80, s0, s21, $0xb8;
	[tilespmem:$0x1D880] =	vst v63  }
0x64: {  	_ =	swait.ge [sflag:s19], $0x3200  }
0x65: {  	s31 =	smov.u32 s3;
	s30 =	sshra.s32 s1, $0x2;
	[sflag:s19] =	ssyncset.done $0x0  }
0x66: {  	s0 =	sadd.s32 $0x80, s30;
	[sflag:s19] =	ssyncadd.s32 $0xFFFFCE00  }
0x67: {  	[tilespmem:s22], [sflag:$0x2] =	stream.indirect.gather [hbm4b:s4+s21], $0x80, s0, s21, $0xb8;
	[tilespmem:$0x1D880] =	vst v63  }
0x68: {  	_ =	swait.ge [sflag:s23], $0x3200  }
0x69: {  	[sflag:s23] =	ssyncset.done $0x0  }
0x6a: {  	s1 =	sadd.s32 $0x1C00, s30;
	[sflag:s23] =	ssyncadd.s32 $0xFFFFCE00  }
0x6b: {  	[spmem:s2] =	stream.indirect.scatter.add.f32 [tilespmem:s18], [sflag:$0x3], $0x80, s1, s21, $0xb8;
	[tilespmem:$0x1D880] =	vst v63  }
0x6c: {  	_ =	swait.ge [sflag:s19], $0x3200  }
0x6d: {  	[sflag:s19] =	ssyncset.done $0x0  }
0x6e: {  	s3 =	sadd.s32 $0x100, s30;
	[sflag:s19] =	ssyncadd.s32 $0xFFFFCE00  }
0x6f: {  	[tilespmem:s18], [sflag:$0x1] =	stream.indirect.gather [hbm4b:s4+s21], $0x80, s3, s21, $0xb8;
	[tilespmem:$0x1D880] =	vst v63  }
0x70: {  	_ =	swait.ge [sflag:s24], $0x3200  }
0x71: {  	[sflag:s24] =	ssyncset.done $0x0  }
0x72: {  	s1 =	sadd.s32 $0x1C80, s30;
	[sflag:s24] =	ssyncadd.s32 $0xFFFFCE00  }
0x73: {  	[spmem:s2] =	stream.indirect.scatter.add.f32 [tilespmem:s22], [sflag:$0x3], $0x80, s1, s21, $0xb8;
	[tilespmem:$0x1D880] =	vst v63  }
0x74: {  	_ =	swait.ge [sflag:s19], $0x3200  }
0x75: {  	[sflag:s19] =	ssyncset.done $0x0  }
0x76: {  	[sflag:s19] =	ssyncadd.s32 $0xFFFFCE00  }
0x77: {  	[tilespmem:s22], [sflag:$0x2] =	stream.indirect.gather [hbm4b:s4+s21], $0x80, s25, s21, $0xb8;
	[tilespmem:$0x1D880] =	vst v63  }
0x78: {  	_ =	swait.ge [sflag:s23], $0x3200  }
0x79: {  	[sflag:s23] =	ssyncset.done $0x0  }
0x7a: {  	[sflag:s23] =	ssyncadd.s32 $0xFFFFCE00  }
0x7b: {  	[spmem:s2] =	stream.indirect.scatter.add.f32 [tilespmem:s18], [sflag:$0x3], $0x80, s26, s21, $0xb8;
	[tilespmem:$0x1D880] =	vst v63  }
0x7c: {  	_ =	swait.ge [sflag:s19], $0x3200  }
0x7d: {  	[sflag:s19] =	ssyncset.done $0x0  }
0x7e: {  	[sflag:s19] =	ssyncadd.s32 $0xFFFFCE00  }
0x7f: {  	_ =	swait.ge [sflag:s24], $0x3200  }
0x80: {  	[sflag:s24] =	ssyncset.done $0x0  }
0x81: {  	[sflag:s24] =	ssyncadd.s32 $0xFFFFCE00  }
0x82: {  	[spmem:s2] =	stream.indirect.scatter.add.f32 [tilespmem:s22], [sflag:$0x3], $0x80, s28, s21, $0xb8;
	[tilespmem:$0x1D880] =	vst v63  }
0x83: {  	_ =	swait.ge [sflag:s19], $0x3200  }
0x84: {  	[sflag:s19] =	ssyncset.done $0x0  }
0x85: {  	s3 =	simm.s32 $0x0;
	[sflag:s19] =	ssyncadd.s32 $0xFFFFCE00  }
0x86: {  	[tilespmem:s3], [sflag:$0x3] =	stream.linear.gather [hbm4b:s14+s3], $0x1900, $0x38;
	[tilespmem:$0x1D880] =	vst v63  }
0x87: {  	_ =	swait.ge [sflag:s19], $0x1900  }
0x88: {  	[sflag:s19] =	ssyncset.done $0x0  }
0x89: {  	[sflag:s19] =	ssyncadd.s32 $0xFFFFE700  }
0x8a: {  	[tilespmem:s20], [sflag:$0x3] =	stream.linear.gather [hbm4b:s15+s3], $0x1900, $0x38;
	[tilespmem:$0x1D880] =	vst v63  }
0x8b: {  	_ =	swait.ge [sflag:s19], $0x1900  }
0x8c: {  	[sflag:s19] =	ssyncset.done $0x0  }
0x8d: {  	[sflag:s19] =	ssyncadd.s32 $0xFFFFE700  }
0x8e: {  	[tilespmem:s18], [sflag:$0x1] =	stream.indirect.gather [hbm4b:s4+s21], $0x80, s3, s21, $0xb8;
	[tilespmem:$0x1D880] =	vst v63  }
0x8f: {  	s1 =	simm.s32 $0x80  }
0x90: {  	[tilespmem:s22], [sflag:$0x2] =	stream.indirect.gather [hbm4b:s4+s21], $0x80, s1, s21, $0xb8;
	[tilespmem:$0x1D880] =	vst v63  }
0x91: {  	_ =	swait.ge [sflag:s23], $0x3200  }
0x92: {  	[sflag:s23] =	ssyncset.done $0x0  }
0x93: {  	s3 =	simm.s32 $0x1C00;
	[sflag:s23] =	ssyncadd.s32 $0xFFFFCE00  }
0x94: {  	[spmem:s2] =	stream.indirect.scatter.add.f32 [tilespmem:s18], [sflag:$0x3], $0x80, s3, s21, $0xb8;
	[tilespmem:$0x1D880] =	vst v63  }
0x95: {  	_ =	swait.ge [sflag:s19], $0x3200  }
0x96: {  	[sflag:s19] =	ssyncset.done $0x0  }
0x97: {  	s1 =	simm.s32 $0x100;
	[sflag:s19] =	ssyncadd.s32 $0xFFFFCE00  }
0x98: {  	[tilespmem:s18], [sflag:$0x1] =	stream.indirect.gather [hbm4b:s4+s21], $0x80, s1, s21, $0xb8;
	[tilespmem:$0x1D880] =	vst v63  }
0x99: {  	_ =	swait.ge [sflag:s24], $0x3200  }
0x9a: {  	[sflag:s24] =	ssyncset.done $0x0  }
0x9b: {  	s3 =	simm.s32 $0x1C80;
	[sflag:s24] =	ssyncadd.s32 $0xFFFFCE00  }
0x9c: {  	[spmem:s2] =	stream.indirect.scatter.add.f32 [tilespmem:s22], [sflag:$0x3], $0x80, s3, s21, $0xb8;
	[tilespmem:$0x1D880] =	vst v63  }
0x9d: {  	_ =	swait.ge [sflag:s19], $0x3200  }
0x9e: {  	s31 =	simm.s32 $0x800;
	s30 =	simm.s32 $0x100;
	[sflag:s19] =	ssyncset.done $0x0  }
.LBB2_6:
0x9f: {  	s0 =	sadd.s32 $0x80, s30  }
0xa0: {  	[sflag:s19] =	ssyncadd.s32 $0xFFFFCE00;
	s1 =	smov.u32 s31;
	s3 =	sadd.s32 $0x400, s31  }
0xa1: {  	[tilespmem:s22], [sflag:$0x2] =	stream.indirect.gather [hbm4b:s4+s21], $0x80, s0, s21, $0xb8;
	[tilespmem:$0x1D880] =	vst v63  }
0xa2: {  	p0 =	sne.s32 s31, $0x5C00;
	_ =	swait.ge [sflag:s23], $0x3200  }
0xa3: {  	[sflag:s23] =	ssyncset.done $0x0  }
0xa4: {  	s0 =	sadd.s32 $0x1C00, s30;
	[sflag:s23] =	ssyncadd.s32 $0xFFFFCE00  }
0xa5: {  	[spmem:s2] =	stream.indirect.scatter.add.f32 [tilespmem:s18], [sflag:$0x3], $0x80, s0, s21, $0xb8;
	[tilespmem:$0x1D880] =	vst v63  }
0xa6: {  	_ =	swait.ge [sflag:s19], $0x3200  }
0xa7: {  	[sflag:s19] =	ssyncset.done $0x0  }
0xa8: {  	s0 =	sadd.s32 $0x100, s30;
	[sflag:s19] =	ssyncadd.s32 $0xFFFFCE00  }
0xa9: {  	[tilespmem:s18], [sflag:$0x1] =	stream.indirect.gather [hbm4b:s4+s21], $0x80, s0, s21, $0xb8;
	[tilespmem:$0x1D880] =	vst v63  }
0xaa: {  	_ =	swait.ge [sflag:s24], $0x3200  }
.Ltmp2:
0xab: {  	[sflag:s24] =	ssyncset.done $0x0;
	(pc) =	sbr.rel @p0 .LBB2_6-.Ltmp2, $4  }
0xac: {  	s0 =	sadd.s32 $0x1C80, s30;
	[sflag:s24] =	ssyncadd.s32 $0xFFFFCE00  }
0xad: {  	[spmem:s2] =	stream.indirect.scatter.add.f32 [tilespmem:s22], [sflag:$0x3], $0x80, s0, s21, $0xb8;
	[tilespmem:$0x1D880] =	vst v63  }
0xae: {  	_ =	swait.ge [sflag:s19], $0x3200  }
0xaf: {  	s31 =	smov.u32 s3;
	s30 =	sshra.s32 s1, $0x2;
	[sflag:s19] =	ssyncset.done $0x0  }
0xb0: {  	s0 =	sadd.s32 $0x80, s30;
	[sflag:s19] =	ssyncadd.s32 $0xFFFFCE00  }
0xb1: {  	[tilespmem:s22], [sflag:$0x2] =	stream.indirect.gather [hbm4b:s4+s21], $0x80, s0, s21, $0xb8;
	[tilespmem:$0x1D880] =	vst v63  }
0xb2: {  	_ =	swait.ge [sflag:s23], $0x3200  }
0xb3: {  	[sflag:s23] =	ssyncset.done $0x0  }
0xb4: {  	s1 =	sadd.s32 $0x1C00, s30;
	[sflag:s23] =	ssyncadd.s32 $0xFFFFCE00  }
0xb5: {  	[spmem:s2] =	stream.indirect.scatter.add.f32 [tilespmem:s18], [sflag:$0x3], $0x80, s1, s21, $0xb8;
	[tilespmem:$0x1D880] =	vst v63  }
0xb6: {  	_ =	swait.ge [sflag:s19], $0x3200  }
0xb7: {  	[sflag:s19] =	ssyncset.done $0x0  }
0xb8: {  	s3 =	sadd.s32 $0x100, s30;
	[sflag:s19] =	ssyncadd.s32 $0xFFFFCE00  }
0xb9: {  	[tilespmem:s18], [sflag:$0x1] =	stream.indirect.gather [hbm4b:s4+s21], $0x80, s3, s21, $0xb8;
	[tilespmem:$0x1D880] =	vst v63  }
0xba: {  	_ =	swait.ge [sflag:s24], $0x3200  }
0xbb: {  	[sflag:s24] =	ssyncset.done $0x0  }
0xbc: {  	s30 =	sadd.s32 $0x1C80, s30;
	[sflag:s24] =	ssyncadd.s32 $0xFFFFCE00  }
0xbd: {  	[spmem:s2] =	stream.indirect.scatter.add.f32 [tilespmem:s22], [sflag:$0x3], $0x80, s30, s21, $0xb8;
	[tilespmem:$0x1D880] =	vst v63  }
0xbe: {  	_ =	swait.ge [sflag:s19], $0x3200  }
0xbf: {  	[sflag:s19] =	ssyncset.done $0x0  }
0xc0: {  	[sflag:s19] =	ssyncadd.s32 $0xFFFFCE00  }
0xc1: {  	[tilespmem:s22], [sflag:$0x2] =	stream.indirect.gather [hbm4b:s4+s21], $0x80, s25, s21, $0xb8;
	[tilespmem:$0x1D880] =	vst v63  }
0xc2: {  	_ =	swait.ge [sflag:s23], $0x3200  }
0xc3: {  	[sflag:s23] =	ssyncset.done $0x0  }
0xc4: {  	[sflag:s23] =	ssyncadd.s32 $0xFFFFCE00  }
0xc5: {  	[spmem:s2] =	stream.indirect.scatter.add.f32 [tilespmem:s18], [sflag:$0x3], $0x80, s26, s21, $0xb8;
	[tilespmem:$0x1D880] =	vst v63  }
0xc6: {  	_ =	swait.ge [sflag:s19], $0x3200  }
0xc7: {  	[sflag:s19] =	ssyncset.done $0x0  }
0xc8: {  	[sflag:s19] =	ssyncadd.s32 $0xFFFFCE00  }
0xc9: {  	_ =	swait.ge [sflag:s24], $0x3200  }
0xca: {  	[sflag:s24] =	ssyncset.done $0x0  }
0xcb: {  	[sflag:s24] =	ssyncadd.s32 $0xFFFFCE00  }
0xcc: {  	[spmem:s2] =	stream.indirect.scatter.add.f32 [tilespmem:s22], [sflag:$0x3], $0x80, s28, s21, $0xb8;
	[tilespmem:$0x1D880] =	vst v63  }
0xcd: {  	s31 =	stileid.u32;
	_ =	swait.ge [sflag:s19], $0x3200  }
0xce: {  	s29 =	sadd.s32 $0x1, s29;
	s0 =	sshll.u32 s31, $0x6;
	[sflag:s19] =	ssyncset.done $0x0  }
0xcf: {  	p0 =	sne.s32 s29, s17;
	s0 =	sor.u32 $0x1C03, s0;
	[sflag:s19] =	ssyncadd.s32 $0xFFFFCE00  }
.Ltmp3:
0xd0: {  	s1 =	sshrl.u32 s5, $0x3;
	[bflag:$0x0] =	sbarrier.arrive $0xFFFF;
	(pc) =	sbr.rel @p0 .LBB2_1-.Ltmp3, $4  }
0xd1: {  	[hbm:s16], [sflag:s0] =	dma.local [spmem:s1], $0x2710  }
0xd2: {  	_ =	swait.ge [sflag:s19], $0x2710  }
0xd3: {  	[sflag:s19] =	ssyncset.done $0x0  }
0xd4: {  	[sflag:s19] =	ssyncadd.s32 $0xFFFFD8F0  }
0xd5: {  	_ =	sfence.sel $0x180000  }
0xd6: {  	[bflag:$0x0] =	sbarrier.arrive $0xFFFF  }
0xd7: {  	_ =	strace $0x9000004D  }
0xd8: {  	s0 =	stileid.u32;
	[bflag:$0x2] =	sbarrier.arrive $0xFFFF  }
0xd9: {  	p0 =	sne.s32 s0, $0x0;
	s0 =	rddreg [dreg:$0x3]  }
0xda: {  	s0 =	sadd.s32 @!p0 $0x100000, s0  }
0xdb: {  	[sflag:s0] =	ssyncadd.tile.s32 @!p0 $0x1;
	_ =	shalt  }
.Lfunc_end2:
_tile_overlayer_lowered:
.L_overlay_start_2:
0xdc: {  	(tag) =	ssettag $0x2  }
0xdd: {  	s0 =	rddreg [dreg:$0x0];
	s2 =	stileid.u32  }
0xde: {  	s1 =	rddreg [dreg:$0x1];
	p0 =	sne.s32 s2, $0x0  }
0xdf: {  	s3 =	rddreg [dreg:$0x2];
	[bflag:$0x3] =	sbarrier.arrive $0xFFFF;
	s2 =	simm.s32 @!p0 $0x1C03  }
0xe0: {  	[timem:s3], [sflag:s2] =	dma.local @!p0 [hbm:s0], s1  }
0xe1: {  	s0 =	simm.s32 @!p0 $0x3  }
0xe2: {  	_ =	swait.ge @!p0 [sflag:s0], s1  }
0xe3: {  	s1 =	ssub.s32 @!p0 $0x0, s1;
	[sflag:s0] =	ssyncset.done @!p0 $0x0  }
0xe4: {  	[sflag:s0] =	ssyncadd.s32 @!p0 s1  }
0xe5: {  	[bflag:$0x3] =	sbarrier.arrive $0xFFFF  }
0xe6: {  	_ =	shalt  }

// kernel: kernel.8.cloned.1.call-start
scs
__scs_entry_jumppad:
0x0: {  	(pc) =	sbr.rel $0x88, $3  }
0x1: {  	(tag) =	ssettag $0x0;
	lr =	simm.s32 $0x1  }
0x2: {  	[smem:$0x3F99] =	sst lr;
	_ =	strace $0xD0000000  }
0x3: {  	_ = 	snop  }
0x4: {  	_ = 	snop  }
0x5: {  	_ = 	snop  }
0x6: {  	_ = 	snop  }
0x7: {  	_ = 	snop  }
__scs_overlays_trampoline_lowered:
0x8: {  	[smem:$0x3FA8] =	sst s0  }
0x9: {  	[smem:$0x3FA9] =	sst s1  }
0xa: {  	[smem:$0x3FAA] =	sst s2  }
0xb: {  	[smem:$0x3FAB] =	sst s3  }
0xc: {  	[smem:$0x3FAC] =	sst s4  }
0xd: {  	[smem:$0x3FAD] =	sst s5  }
0xe: {  	[smem:$0x3FAE] =	sst s6  }
0xf: {  	[smem:$0x3FAF] =	sst s7  }
0x10: {  	[smem:$0x3FB0] =	sst s8  }
0x11: {  	[smem:$0x3FB1] =	sst s9;
	s0 =	simm.s32 @!p0 $0x0  }
0x12: {  	s1 =	sld [smem:$0x3F97];
	s0 =	simm.s32 @p0 $0x1  }
0x13: {  	[smem:$0x3FB2] =	sst s0;
	s0 =	simm.s32 @!p1 $0x0  }
0x14: {  	s2 =	sld [smem:$0x3F96];
	s0 =	simm.s32 @p1 $0x1  }
0x15: {  	[smem:$0x3FB3] =	sst s0;
	s0 =	simm.s32 @!p2 $0x0  }
0x16: {  	s3 =	sld [smem:$0x3FDB];
	s0 =	simm.s32 @p2 $0x1  }
0x17: {  	s4 =	simm.s32 $0x1BF5;
	[smem:$0x3FB5] =	sst s0  }
0x18: {  	s0 =	sld [smem:$0x3F98];
	_ =	swait.ge [sflag:s4], $0x0  }
0x19: {  	s7 =	sld [smem:$0x3F99]  }
0x1a: {  	s8 =	sadd.s32 $0xFFFFE003, lr  }
0x1b: {  	s9 =	sadd.s32 $0xFFFFFEF7, lr;
	s5 =	simm.s32 $0xFFFFFFFF;
	p2 =	slt.u32 s8, $0xFFFFF086  }
0x1c: {  	p1 =	slt.u32 s9, $0xF7A;
	s5 =	simm.s32 @!p2 $0x0  }
0x1d: {  	s5 =	simm.s32 @p1 $0x1;
	p0 =	seq.s32 s7, s2  }
0x1e: {  	s7 =	smul.u32 @!p0 $0xF7A, s2;
	p2 =	seq.s32 @!p0 s5, $0x0  }
0x1f: {  	s9 =	smul.u32 $0xF7A, s1;
	s8 =	simm.s32 @!p0 $0x1BF5;
	p2 =	por !p2, p0  }
0x20: {  	[sflag:s8] =	ssyncset.s32 @!p0 $0xFFFFF086;
	s6 =	sadd.s32 @!p0 s3, s7;
	s7 =	simm.s32 @!p0 $0x108  }
0x21: {  	s3 =	sadd.s32 s3, s9;
	s6 =	sadd.s32 @!p0 $0x88, s6;
	s7 =	simm.s32 @p2 $0x1082  }
0x22: {  	[simem:s7], [sflag:s8] =	dma.local @!p0 [hbm:s6], $0xF7A  }
0x23: {  	s9 =	sor.u32 $0xD0000000, s2;
	s6 =	simm.s32 $0x108;
	_ =	swait.ge @!p0 [sflag:s8], $0x0  }
0x24: {  	s3 =	sadd.s32 $0x88, s3;
	s6 =	simm.s32 @!p1 $0x1082;
	[sflag:s4] =	ssyncset.s32 $0xFFFFF086  }
0x25: {  	[simem:s6], [sflag:s4] =	dma.local [hbm:s3], $0xF7A  }
0x26: {  	[smem:$0x3F99] =	sst s1;
	(tag) =	ssettag s2;
	_ =	strace s9  }
0x27: {  	s1 =	sld [smem:$0x3FA9]  }
0x28: {  	s2 =	sld [smem:$0x3FAA]  }
0x29: {  	s4 =	sld [smem:$0x3FAC]  }
0x2a: {  	p0 =	seq.s32 s5, $0x0;
	s5 =	sld [smem:$0x3FAD]  }
0x2b: {  	s6 =	sld [smem:$0x3FAE]  }
0x2c: {  	s7 =	sld [smem:$0x3FAF]  }
0x2d: {  	s3 =	simm.s32 $0x108;
	s8 =	sld [smem:$0x3FB0]  }
0x2e: {  	s3 =	simm.s32 @!p0 $0x1082;
	s9 =	sld [smem:$0x3FB1]  }
0x2f: {  	lr =	sadd.s32 s0, s3;
	s0 =	sld [smem:$0x3FA8]  }
0x30: {  	s3 =	sld [smem:$0x3FAB]  }
0x31: {  	[smem:$0x3FB4] =	sst s10  }
0x32: {  	s10 =	sld [smem:$0x3FB2];
	_ =	sdelay $0x3  }
0x33: {  	p0 =	seq.s32 s10, $0x1;
	s10 =	sld [smem:$0x3FB4];
	_ =	sdelay $0x3  }
0x34: {  	[smem:$0x3FB4] =	sst s10  }
0x35: {  	s10 =	sld [smem:$0x3FB3];
	_ =	sdelay $0x3  }
0x36: {  	p1 =	seq.s32 s10, $0x1;
	s10 =	sld [smem:$0x3FB4];
	_ =	sdelay $0x3  }
0x37: {  	[smem:$0x3FB4] =	sst s10  }
0x38: {  	s10 =	sld [smem:$0x3FB5]  }
0x39: {  	_ = 	snop;
	(pc) =	sbr.ind lr, $3  }
0x3a: {  	_ = 	snop  }
0x3b: {  	_ = 	snop  }
0x3c: {  	p2 =	seq.s32 s10, $0x1;
	s10 =	sld [smem:$0x3FB4]  }
0x3d: {  	_ =	shalt  }
0x3e: {  	_ =	shalt  }
0x3f: {  	_ =	shalt  }
0x40: {  	_ =	shalt  }
0x41: {  	_ =	shalt  }
0x42: {  	_ =	shalt  }
0x43: {  	_ =	shalt  }
0x44: {  	_ =	shalt  }
0x45: {  	_ =	shalt  }
0x46: {  	_ =	shalt  }
0x47: {  	_ =	shalt  }
0x48: {  	_ =	shalt  }
0x49: {  	_ =	shalt  }
0x4a: {  	_ =	shalt  }
0x4b: {  	_ =	shalt  }
0x4c: {  	_ =	shalt  }
0x4d: {  	_ =	shalt  }
0x4e: {  	_ =	shalt  }
0x4f: {  	_ =	shalt  }
0x50: {  	_ =	shalt  }
0x51: {  	_ =	shalt  }
0x52: {  	_ =	shalt  }
0x53: {  	_ =	shalt  }
0x54: {  	_ =	shalt  }
0x55: {  	_ =	shalt  }
0x56: {  	_ =	shalt  }
0x57: {  	_ =	shalt  }
0x58: {  	_ =	shalt  }
0x59: {  	_ =	shalt  }
0x5a: {  	_ =	shalt  }
0x5b: {  	_ =	shalt  }
0x5c: {  	_ =	shalt  }
0x5d: {  	_ =	shalt  }
0x5e: {  	_ =	shalt  }
0x5f: {  	_ =	shalt  }
0x60: {  	_ =	shalt  }
0x61: {  	_ =	shalt  }
0x62: {  	_ =	shalt  }
0x63: {  	_ =	shalt  }
0x64: {  	_ =	shalt  }
0x65: {  	_ =	shalt  }
0x66: {  	_ =	shalt  }
0x67: {  	_ =	shalt  }
0x68: {  	_ =	shalt  }
0x69: {  	_ =	shalt  }
0x6a: {  	_ =	shalt  }
0x6b: {  	_ =	shalt  }
0x6c: {  	_ =	shalt  }
0x6d: {  	_ =	shalt  }
0x6e: {  	_ =	shalt  }
0x6f: {  	_ =	shalt  }
0x70: {  	_ =	shalt  }
0x71: {  	_ =	shalt  }
0x72: {  	_ =	shalt  }
0x73: {  	_ =	shalt  }
0x74: {  	_ =	shalt  }
0x75: {  	_ =	shalt  }
0x76: {  	_ =	shalt  }
0x77: {  	_ =	shalt  }
0x78: {  	_ =	shalt  }
0x79: {  	_ =	shalt  }
0x7a: {  	_ =	shalt  }
0x7b: {  	_ =	shalt  }
0x7c: {  	_ =	shalt  }
0x7d: {  	_ =	shalt  }
0x7e: {  	_ =	shalt  }
0x7f: {  	_ =	shalt  }
0x80: {  	_ =	shalt  }
0x81: {  	_ =	shalt  }
0x82: {  	_ =	shalt  }
0x83: {  	_ =	shalt  }
0x84: {  	_ =	shalt  }
0x85: {  	_ =	shalt  }
0x86: {  	_ =	shalt  }
0x87: {  	_ =	shalt  }
.Lfunc_end0:
.L_simem_size_0:
called_computation_lowered:
.L_overlay_start_0:
0x88: {  	s2 =	sld [smem:$0x3FD9]  }
0x89: {  	s3 =	sld [smem:$0x3FFE];
	_ =	sdelay $0x1  }
0x8a: {  	s1 =	srdreg.scid  }
0x8b: {  	s0 =	sand.u32 $0x1, s1  }
0x8c: {  	s17 =	sshll.u32 s0, $0xA;
	s2 =	sadd.s32 s3, s2  }
0x8d: {  	s2 =	sadd.s32 s2, s17  }
0x8e: {  	[smem:$0x3FC0] =	sst s2  }
0x8f: {  	_ = 	snop  }
0x90: {  	s2 =	sld [smem:$0x3FC9]  }
0x91: {  	s18 =	sld [smem:$0x3FD0];
	(tm) =	ssettm $0x1  }
0x92: {  	s4 =	sld [smem:$0x3FFB];
	_ =	sdelay $0x3  }
0x93: {  	_ =	strace s4  }
0x94: {  	s4 =	sld [smem:$0x3FFC];
	_ =	sdelay $0x3  }
0x95: {  	_ =	strace s4  }
0x96: {  	s4 =	sld [smem:$0x3FFD];
	_ =	sdelay $0x3  }
0x97: {  	_ =	strace s4  }
0x98: {  	_ =	strace $0x8FFFFFFF  }
0x99: {  	s19 =	sld [smem:$0x3FDB];
	_ =	sdelay $0x1  }
0x9a: {  	s5 =	simm.s32 $_scs_section_size  }
0x9b: {  	s6 =	simm.s32 $_size__tile_overlayer_lowered;
	s7 =	simm.s32 $_tile_overlayer_lowered  }
0x9c: {  	s22 =	simm.s32 $0x1BFF;
	s21 =	sshll.u32 s7, $0x1;
	s4 =	sadd.s32 s5, s19  }
0x9d: {  	s8 =	simm.s32 $0x0;
	s20 =	sshll.u32 s6, $0x1;
	s6 =	sadd.s32 s21, s4  }
0x9e: {  	[timem:s8], [sflag:s22] =	dma.local [hbm:s6], s20  }
0x9f: {  	_ =	swait.ge [sflag:s22], s20  }
0xa0: {  	s5 =	ssub.s32 $0x0, s20;
	[sflag:s22] =	ssyncset.done $0x0  }
0xa1: {  	[sflag:s22] =	ssyncadd.s32 s5;
	_ =	sdelay $0x1  }
0xa2: {  	s23 =	simm.s32 $0x1B8B  }
0xa3: {  	_ =	swait.ge [sflag:s23], $0x1  }
0xa4: {  	[sflag:s23] =	ssyncset.done $0x0  }
0xa5: {  	s25 =	simm.s32 $0x1B8E;
	s24 =	sld [smem:$0x3FFE];
	[sflag:s23] =	ssyncadd.s32 $0xFFFFFFFF  }
0xa6: {  	s26 =	simm.s32 $execute0_lowered;
	[smem:$0x3FD2] =	sst s25  }
0xa7: {  	s6 =	sshll.u32 s26, $0x1;
	_ =	strace $0x80000046;
	[dreg:$0x1] =	wrdreg $0xFFFFFFFF  }
0xa8: {  	s28 =	simm.s32 $_size_execute0_lowered;
	s4 =	sadd.s32 s4, s6;
	[dreg:$0x0] =	wrdreg $0x0  }
0xa9: {  	s6 =	sshll.u32 s28, $0x1;
	[dreg:$0x2] =	wrdreg s4  }
0xaa: {  	[dreg:$0x3] =	wrdreg s6  }
0xab: {  	[dreg:$0x4] =	wrdreg $0xC0  }
0xac: {  	_ =	task [dreg:s8], $0x5FFFF  }
0xad: {  	[dreg:$0x1] =	wrdreg $0xFFFFFFFF  }
0xae: {  	[dreg:$0x0] =	wrdreg $0x60  }
0xaf: {  	[dreg:$0x2] =	wrdreg s2  }
0xb0: {  	[dreg:$0x3] =	wrdreg s18  }
0xb1: {  	[dreg:$0x4] =	wrdreg s24  }
0xb2: {  	[dreg:$0x5] =	wrdreg $0xA0000  }
0xb3: {  	[dreg:$0x6] =	wrdreg $0x9  }
0xb4: {  	_ =	task.clear_ibuf [dreg:s8], $0x7FFFF;
	_ =	strace $0x90000046  }
0xb5: {  	s29 =	simm.s32 $0x9;
	_ =	strace $0x80000048  }
0xb6: {  	_ =	swait.ge [sflag:s29], $0x1  }
0xb7: {  	[sflag:s29] =	ssyncadd.s32 $0xFFFFFFFF  }
0xb8: {  	_ =	strace $0x90000048  }
0xb9: {  	_ =	sfence  }
0xba: {  	s30 =	sld [smem:$0x0];
	_ =	sdelay $0x2  }
0xbb: {  	s31 =	sshll.u32 s1, $0xD;
	s1 =	sshrl.u32 s1, $0x2  }
0xbc: {  	s3 =	sand.u32 $0x4000, s31;
	s1 =	sadd.s32 s1, s30  }
0xbd: {  	s0 =	sor.u32 s3, s0;
	s1 =	sshll.u32 s1, $0x11  }
0xbe: {  	s0 =	sor.u32 s1, s0  }
0xbf: {  	s0 =	sadd.s32 $0x8F2B, s0  }
0xc0: {  	[sflag:s0] =	ssyncadd.remote.s32 $0x1  }
0xc1: {  	_ =	sfence.sel $0xFFFF  }
0xc2: {  	[dreg:$0x0] =	wrdreg $0xFFFFFFFF;
	(pc) =	sbr.abs _section_cstart, $3  }
0xc3: {  	[dreg:$0x1] =	wrdreg $0xFFFFFFFF  }
0xc4: {  	_ =	task.clear_ibuf [dreg:s8], $0x2FFFF;
	_ =	strace $0x9FFFFFFF  }
0xc5: {  	(tm) =	ssettm $0x7FFFFFFF  }
tec
execute0_lowered:
.L_overlay_start_1:
0x0: {  	(tag) =	ssettag $0x1  }
0x1: {  	s1 =	rddreg [dreg:$0x0]  }
0x2: {  	s0 =	srdreg.scid;
	s2 =	rddreg [dreg:$0x1]  }
0x3: {  	s24 =	stileid.u32;
	s7 =	rddreg [dreg:$0x2]  }
0x4: {  	s3 =	rddreg [dreg:$0x3];
	s4 =	simm.s32 $0x0;
	s19 =	simm.s32 $0x3  }
0x5: {  	s20 =	simm.s32 $0x1C00;
	s21 =	simm.s32 $0x64;
	s22 =	simm.s32 $0x6C00  }
0x6: {  	s23 =	simm.s32 $0x1;
	s28 =	simm.s32 $0x3480;
	s8 =	smul.u32 $0x13C00, s24  }
0x7: {  	s29 =	simm.s32 $0x0;
	s5 =	sand.u32 $0x1, s0;
	s25 =	smul.u32 $0x4E200, s24  }
0x8: {  	[smem:$0x7FF] =	sst s4;
	s15 =	sadd.s32 $0x2A00, s7;
	s6 =	smul.u32 $0x13C000, s5  }
0x9: {  	_ =	strace $0x80000047;
	s26 =	ssub.s32 $0x2, s5;
	s5 =	sshll.u32 s5, $0x4  }
0xa: {  	s30 =	sshrl.u32 s25, $0x2;
	s31 =	sshrl.u32 s26, $0x1;
	s9 =	sor.u32 s24, s5  }
0xb: {  	s24 =	simm.s32 $0x2;
	s25 =	simm.s32 $0x1880;
	s6 =	sadd.s32 s8, s6  }
0xc: {  	s5 =	sadd.s32 s30, s3;
	s17 =	ssub.s32 s26, s31;
	s12 =	smul.u32 $0x3800, s9  }
0xd: {  	s26 =	simm.s32 $0x3400;
	s6 =	sshrl.u32 s6, $0x3;
	s8 =	sadd.s32 $0x9600, s5  }
0xe: {  	s9 =	sadd.s32 $0xC800, s5;
	s10 =	sadd.s32 $0xFA00, s5;
	s11 =	sadd.s32 $0x12C00, s5  }
0xf: {  	s17 =	smax.u32 s17, $0x1;
	s16 =	sadd.s32 s6, s7;
	s14 =	sshrl.u32 s12, $0x3  }
0x10: {  	s6 =	sadd.s32 $0x3200, s5;
	s7 =	sadd.s32 $0x6400, s5;
	s12 =	sadd.s32 s2, s14  }
0x11: {  	s13 =	sadd.s32 s15, s14;
	s18 =	sadd.s32 $0x380, s14;
	s16 =	sadd.s32 $0x10A00, s16  }
0x12: {  	v0 =	vimm.f32 $0.0e+00;
	s14 =	sadd.s32 s2, s18;
	s15 =	sadd.s32 s15, s18;
	s18 =	simm.s32 $0x3800  }
.LBB2_1:
0x13: {  	s0 =	simm.s32 $0x0  }
0x14: {  	s2 =	sand.u32 $0xFE00, s0  }
0x15: {  	s31 =	sand.u32 $0x70, s0;
	s2 =	sshrl.u32 s2, $0x2  }
0x16: {  	s30 =	simm.s32 $0x40;
	s2 =	sor.u32 s31, s2;
	s31 =	simm.s32 $0x0  }
.LBB2_2:
0x17: {  	p0 =	sne.s32 s30, $0xC7C0  }
0x18: {  	[tilespmem:s2+$0x3800] =	vst v0;
	s31 =	sadd.s32 $0x10, s31;
	s2 =	smov.u32 s30;
	s30 =	sadd.s32 $0x40, s30  }
.Ltmp0:
0x19: {  	(pc) =	sbr.rel @p0 .LBB2_2-.Ltmp0, $4  }
0x1a: {  	_ = 	snop  }
0x1b: {  	s2 =	sand.u32 $0xFE00, s2  }
0x1c: {  	s0 =	sand.u32 $0x70, s31;
	s2 =	sshrl.u32 s2, $0x2  }
0x1d: {  	s2 =	sor.u32 s0, s2  }
0x1e: {  	[tilespmem:s2+$0x3800] =	vst v0  }
0x1f: {  	[spmem:s5] =	stream.linear.scatter [tilespmem:s18], [sflag:$0x3], $0x3200, $0x38;
	[tilespmem:$0x1D880] =	vst v63  }
0x20: {  	_ =	swait.ge [sflag:s19], $0x3200  }
0x21: {  	[sflag:s19] =	ssyncset.done $0x0  }
0x22: {  	[sflag:s19] =	ssyncadd.s32 $0xFFFFCE00  }
0x23: {  	[spmem:s6] =	stream.linear.scatter [tilespmem:s18], [sflag:$0x3], $0x3200, $0x38;
	[tilespmem:$0x1D880] =	vst v63  }
0x24: {  	_ =	swait.ge [sflag:s19], $0x3200  }
0x25: {  	[sflag:s19] =	ssyncset.done $0x0  }
0x26: {  	[sflag:s19] =	ssyncadd.s32 $0xFFFFCE00  }
0x27: {  	[spmem:s7] =	stream.linear.scatter [tilespmem:s18], [sflag:$0x3], $0x3200, $0x38;
	[tilespmem:$0x1D880] =	vst v63  }
0x28: {  	_ =	swait.ge [sflag:s19], $0x3200  }
0x29: {  	[sflag:s19] =	ssyncset.done $0x0  }
0x2a: {  	[sflag:s19] =	ssyncadd.s32 $0xFFFFCE00  }
0x2b: {  	[spmem:s8] =	stream.linear.scatter [tilespmem:s18], [sflag:$0x3], $0x3200, $0x38;
	[tilespmem:$0x1D880] =	vst v63  }
0x2c: {  	_ =	swait.ge [sflag:s19], $0x3200  }
0x2d: {  	[sflag:s19] =	ssyncset.done $0x0  }
0x2e: {  	[sflag:s19] =	ssyncadd.s32 $0xFFFFCE00  }
0x2f: {  	[spmem:s9] =	stream.linear.scatter [tilespmem:s18], [sflag:$0x3], $0x3200, $0x38;
	[tilespmem:$0x1D880] =	vst v63  }
0x30: {  	_ =	swait.ge [sflag:s19], $0x3200  }
0x31: {  	[sflag:s19] =	ssyncset.done $0x0  }
0x32: {  	[sflag:s19] =	ssyncadd.s32 $0xFFFFCE00  }
0x33: {  	[spmem:s10] =	stream.linear.scatter [tilespmem:s18], [sflag:$0x3], $0x3200, $0x38;
	[tilespmem:$0x1D880] =	vst v63  }
0x34: {  	_ =	swait.ge [sflag:s19], $0x3200  }
0x35: {  	[sflag:s19] =	ssyncset.done $0x0  }
0x36: {  	[sflag:s19] =	ssyncadd.s32 $0xFFFFCE00  }
0x37: {  	[spmem:s11] =	stream.linear.scatter [tilespmem:s18], [sflag:$0x3], $0xC80, $0x38;
	[tilespmem:$0x1D880] =	vst v63  }
0x38: {  	_ =	swait.ge [sflag:s19], $0xC80  }
0x39: {  	[sflag:s19] =	ssyncset.done $0x0  }
0x3a: {  	[sflag:s19] =	ssyncadd.s32 $0xFFFFF380  }
0x3b: {  	s0 =	simm.s32 $0x0;
	[bflag:$0x0] =	sbarrier.arrive $0xFFFF  }
0x3c: {  	[tilespmem:s0], [sflag:$0x3] =	stream.linear.gather [hbm4b:s12+s0], $0x1900, $0x38;
	[tilespmem:$0x1D880] =	vst v63  }
0x3d: {  	_ =	swait.ge [sflag:s19], $0x1900  }
0x3e: {  	[sflag:s19] =	ssyncset.done $0x0  }
0x3f: {  	[sflag:s19] =	ssyncadd.s32 $0xFFFFE700  }
0x40: {  	[tilespmem:s20], [sflag:$0x3] =	stream.linear.gather [hbm4b:s13+s0], $0x1900, $0x38;
	[tilespmem:$0x1D880] =	vst v63  }
0x41: {  	_ =	swait.ge [sflag:s19], $0x1900  }
0x42: {  	[sflag:s19] =	ssyncset.done $0x0  }
0x43: {  	[sflag:s19] =	ssyncadd.s32 $0xFFFFE700  }
0x44: {  	[tilespmem:s18], [sflag:$0x1] =	stream.indirect.gather [hbm4b:s1+s21], $0x80, s0, s21, $0xb8;
	[tilespmem:$0x1D880] =	vst v63  }
0x45: {  	s2 =	simm.s32 $0x80  }
0x46: {  	[tilespmem:s22], [sflag:$0x2] =	stream.indirect.gather [hbm4b:s1+s21], $0x80, s2, s21, $0xb8;
	[tilespmem:$0x1D880] =	vst v63  }
0x47: {  	_ =	swait.ge [sflag:s23], $0x3200  }
0x48: {  	[sflag:s23] =	ssyncset.done $0x0  }
0x49: {  	s4 =	simm.s32 $0x1C00;
	[sflag:s23] =	ssyncadd.s32 $0xFFFFCE00  }
0x4a: {  	[spmem:s3] =	stream.indirect.scatter.add.f32 [tilespmem:s18], [sflag:$0x3], $0x80, s4, s21, $0xb8;
	[tilespmem:$0x1D880] =	vst v63  }
0x4b: {  	_ =	swait.ge [sflag:s19], $0x3200  }
0x4c: {  	[sflag:s19] =	ssyncset.done $0x0  }
0x4d: {  	s2 =	simm.s32 $0x100;
	[sflag:s19] =	ssyncadd.s32 $0xFFFFCE00  }
0x4e: {  	[tilespmem:s18], [sflag:$0x1] =	stream.indirect.gather [hbm4b:s1+s21], $0x80, s2, s21, $0xb8;
	[tilespmem:$0x1D880] =	vst v63  }
0x4f: {  	_ =	swait.ge [sflag:s24], $0x3200  }
0x50: {  	[sflag:s24] =	ssyncset.done $0x0  }
0x51: {  	s4 =	simm.s32 $0x1C80;
	[sflag:s24] =	ssyncadd.s32 $0xFFFFCE00  }
0x52: {  	[spmem:s3] =	stream.indirect.scatter.add.f32 [tilespmem:s22], [sflag:$0x3], $0x80, s4, s21, $0xb8;
	[tilespmem:$0x1D880] =	vst v63  }
0x53: {  	_ =	swait.ge [sflag:s19], $0x3200  }
0x54: {  	s31 =	simm.s32 $0x800;
	s30 =	simm.s32 $0x100;
	[sflag:s19] =	ssyncset.done $0x0  }
.LBB2_4:
0x55: {  	s0 =	sadd.s32 $0x80, s30  }
0x56: {  	[sflag:s19] =	ssyncadd.s32 $0xFFFFCE00;
	s2 =	smov.u32 s31;
	s4 =	sadd.s32 $0x400, s31  }
0x57: {  	[tilespmem:s22], [sflag:$0x2] =	stream.indirect.gather [hbm4b:s1+s21], $0x80, s0, s21, $0xb8;
	[tilespmem:$0x1D880] =	vst v63  }
0x58: {  	p0 =	sne.s32 s31, $0x5C00;
	_ =	swait.ge [sflag:s23], $0x3200  }
0x59: {  	[sflag:s23] =	ssyncset.done $0x0  }
0x5a: {  	s0 =	sadd.s32 $0x1C00, s30;
	[sflag:s23] =	ssyncadd.s32 $0xFFFFCE00  }
0x5b: {  	[spmem:s3] =	stream.indirect.scatter.add.f32 [tilespmem:s18], [sflag:$0x3], $0x80, s0, s21, $0xb8;
	[tilespmem:$0x1D880] =	vst v63  }
0x5c: {  	_ =	swait.ge [sflag:s19], $0x3200  }
0x5d: {  	[sflag:s19] =	ssyncset.done $0x0  }
0x5e: {  	s0 =	sadd.s32 $0x100, s30;
	[sflag:s19] =	ssyncadd.s32 $0xFFFFCE00  }
0x5f: {  	[tilespmem:s18], [sflag:$0x1] =	stream.indirect.gather [hbm4b:s1+s21], $0x80, s0, s21, $0xb8;
	[tilespmem:$0x1D880] =	vst v63  }
0x60: {  	_ =	swait.ge [sflag:s24], $0x3200  }
.Ltmp1:
0x61: {  	[sflag:s24] =	ssyncset.done $0x0;
	(pc) =	sbr.rel @p0 .LBB2_4-.Ltmp1, $4  }
0x62: {  	s0 =	sadd.s32 $0x1C80, s30;
	[sflag:s24] =	ssyncadd.s32 $0xFFFFCE00  }
0x63: {  	[spmem:s3] =	stream.indirect.scatter.add.f32 [tilespmem:s22], [sflag:$0x3], $0x80, s0, s21, $0xb8;
	[tilespmem:$0x1D880] =	vst v63  }
0x64: {  	_ =	swait.ge [sflag:s19], $0x3200  }
0x65: {  	s31 =	smov.u32 s4;
	s30 =	sshra.s32 s2, $0x2;
	[sflag:s19] =	ssyncset.done $0x0  }
0x66: {  	s0 =	sadd.s32 $0x80, s30;
	[sflag:s19] =	ssyncadd.s32 $0xFFFFCE00  }
0x67: {  	[tilespmem:s22], [sflag:$0x2] =	stream.indirect.gather [hbm4b:s1+s21], $0x80, s0, s21, $0xb8;
	[tilespmem:$0x1D880] =	vst v63  }
0x68: {  	_ =	swait.ge [sflag:s23], $0x3200  }
0x69: {  	[sflag:s23] =	ssyncset.done $0x0  }
0x6a: {  	s2 =	sadd.s32 $0x1C00, s30;
	[sflag:s23] =	ssyncadd.s32 $0xFFFFCE00  }
0x6b: {  	[spmem:s3] =	stream.indirect.scatter.add.f32 [tilespmem:s18], [sflag:$0x3], $0x80, s2, s21, $0xb8;
	[tilespmem:$0x1D880] =	vst v63  }
0x6c: {  	_ =	swait.ge [sflag:s19], $0x3200  }
0x6d: {  	[sflag:s19] =	ssyncset.done $0x0  }
0x6e: {  	s4 =	sadd.s32 $0x100, s30;
	[sflag:s19] =	ssyncadd.s32 $0xFFFFCE00  }
0x6f: {  	[tilespmem:s18], [sflag:$0x1] =	stream.indirect.gather [hbm4b:s1+s21], $0x80, s4, s21, $0xb8;
	[tilespmem:$0x1D880] =	vst v63  }
0x70: {  	_ =	swait.ge [sflag:s24], $0x3200  }
0x71: {  	[sflag:s24] =	ssyncset.done $0x0  }
0x72: {  	s2 =	sadd.s32 $0x1C80, s30;
	[sflag:s24] =	ssyncadd.s32 $0xFFFFCE00  }
0x73: {  	[spmem:s3] =	stream.indirect.scatter.add.f32 [tilespmem:s22], [sflag:$0x3], $0x80, s2, s21, $0xb8;
	[tilespmem:$0x1D880] =	vst v63  }
0x74: {  	_ =	swait.ge [sflag:s19], $0x3200  }
0x75: {  	[sflag:s19] =	ssyncset.done $0x0  }
0x76: {  	[sflag:s19] =	ssyncadd.s32 $0xFFFFCE00  }
0x77: {  	[tilespmem:s22], [sflag:$0x2] =	stream.indirect.gather [hbm4b:s1+s21], $0x80, s25, s21, $0xb8;
	[tilespmem:$0x1D880] =	vst v63  }
0x78: {  	_ =	swait.ge [sflag:s23], $0x3200  }
0x79: {  	[sflag:s23] =	ssyncset.done $0x0  }
0x7a: {  	[sflag:s23] =	ssyncadd.s32 $0xFFFFCE00  }
0x7b: {  	[spmem:s3] =	stream.indirect.scatter.add.f32 [tilespmem:s18], [sflag:$0x3], $0x80, s26, s21, $0xb8;
	[tilespmem:$0x1D880] =	vst v63  }
0x7c: {  	_ =	swait.ge [sflag:s19], $0x3200  }
0x7d: {  	[sflag:s19] =	ssyncset.done $0x0  }
0x7e: {  	[sflag:s19] =	ssyncadd.s32 $0xFFFFCE00  }
0x7f: {  	_ =	swait.ge [sflag:s24], $0x3200  }
0x80: {  	[sflag:s24] =	ssyncset.done $0x0  }
0x81: {  	[sflag:s24] =	ssyncadd.s32 $0xFFFFCE00  }
0x82: {  	[spmem:s3] =	stream.indirect.scatter.add.f32 [tilespmem:s22], [sflag:$0x3], $0x80, s28, s21, $0xb8;
	[tilespmem:$0x1D880] =	vst v63  }
0x83: {  	_ =	swait.ge [sflag:s19], $0x3200  }
0x84: {  	[sflag:s19] =	ssyncset.done $0x0  }
0x85: {  	s4 =	simm.s32 $0x0;
	[sflag:s19] =	ssyncadd.s32 $0xFFFFCE00  }
0x86: {  	[tilespmem:s4], [sflag:$0x3] =	stream.linear.gather [hbm4b:s14+s4], $0x1900, $0x38;
	[tilespmem:$0x1D880] =	vst v63  }
0x87: {  	_ =	swait.ge [sflag:s19], $0x1900  }
0x88: {  	[sflag:s19] =	ssyncset.done $0x0  }
0x89: {  	[sflag:s19] =	ssyncadd.s32 $0xFFFFE700  }
0x8a: {  	[tilespmem:s20], [sflag:$0x3] =	stream.linear.gather [hbm4b:s15+s4], $0x1900, $0x38;
	[tilespmem:$0x1D880] =	vst v63  }
0x8b: {  	_ =	swait.ge [sflag:s19], $0x1900  }
0x8c: {  	[sflag:s19] =	ssyncset.done $0x0  }
0x8d: {  	[sflag:s19] =	ssyncadd.s32 $0xFFFFE700  }
0x8e: {  	[tilespmem:s18], [sflag:$0x1] =	stream.indirect.gather [hbm4b:s1+s21], $0x80, s4, s21, $0xb8;
	[tilespmem:$0x1D880] =	vst v63  }
0x8f: {  	s2 =	simm.s32 $0x80  }
0x90: {  	[tilespmem:s22], [sflag:$0x2] =	stream.indirect.gather [hbm4b:s1+s21], $0x80, s2, s21, $0xb8;
	[tilespmem:$0x1D880] =	vst v63  }
0x91: {  	_ =	swait.ge [sflag:s23], $0x3200  }
0x92: {  	[sflag:s23] =	ssyncset.done $0x0  }
0x93: {  	s4 =	simm.s32 $0x1C00;
	[sflag:s23] =	ssyncadd.s32 $0xFFFFCE00  }
0x94: {  	[spmem:s3] =	stream.indirect.scatter.add.f32 [tilespmem:s18], [sflag:$0x3], $0x80, s4, s21, $0xb8;
	[tilespmem:$0x1D880] =	vst v63  }
0x95: {  	_ =	swait.ge [sflag:s19], $0x3200  }
0x96: {  	[sflag:s19] =	ssyncset.done $0x0  }
0x97: {  	s2 =	simm.s32 $0x100;
	[sflag:s19] =	ssyncadd.s32 $0xFFFFCE00  }
0x98: {  	[tilespmem:s18], [sflag:$0x1] =	stream.indirect.gather [hbm4b:s1+s21], $0x80, s2, s21, $0xb8;
	[tilespmem:$0x1D880] =	vst v63  }
0x99: {  	_ =	swait.ge [sflag:s24], $0x3200  }
0x9a: {  	[sflag:s24] =	ssyncset.done $0x0  }
0x9b: {  	s4 =	simm.s32 $0x1C80;
	[sflag:s24] =	ssyncadd.s32 $0xFFFFCE00  }
0x9c: {  	[spmem:s3] =	stream.indirect.scatter.add.f32 [tilespmem:s22], [sflag:$0x3], $0x80, s4, s21, $0xb8;
	[tilespmem:$0x1D880] =	vst v63  }
0x9d: {  	_ =	swait.ge [sflag:s19], $0x3200  }
0x9e: {  	s31 =	simm.s32 $0x800;
	s30 =	simm.s32 $0x100;
	[sflag:s19] =	ssyncset.done $0x0  }
.LBB2_6:
0x9f: {  	s0 =	sadd.s32 $0x80, s30  }
0xa0: {  	[sflag:s19] =	ssyncadd.s32 $0xFFFFCE00;
	s2 =	smov.u32 s31;
	s4 =	sadd.s32 $0x400, s31  }
0xa1: {  	[tilespmem:s22], [sflag:$0x2] =	stream.indirect.gather [hbm4b:s1+s21], $0x80, s0, s21, $0xb8;
	[tilespmem:$0x1D880] =	vst v63  }
0xa2: {  	p0 =	sne.s32 s31, $0x5C00;
	_ =	swait.ge [sflag:s23], $0x3200  }
0xa3: {  	[sflag:s23] =	ssyncset.done $0x0  }
0xa4: {  	s0 =	sadd.s32 $0x1C00, s30;
	[sflag:s23] =	ssyncadd.s32 $0xFFFFCE00  }
0xa5: {  	[spmem:s3] =	stream.indirect.scatter.add.f32 [tilespmem:s18], [sflag:$0x3], $0x80, s0, s21, $0xb8;
	[tilespmem:$0x1D880] =	vst v63  }
0xa6: {  	_ =	swait.ge [sflag:s19], $0x3200  }
0xa7: {  	[sflag:s19] =	ssyncset.done $0x0  }
0xa8: {  	s0 =	sadd.s32 $0x100, s30;
	[sflag:s19] =	ssyncadd.s32 $0xFFFFCE00  }
0xa9: {  	[tilespmem:s18], [sflag:$0x1] =	stream.indirect.gather [hbm4b:s1+s21], $0x80, s0, s21, $0xb8;
	[tilespmem:$0x1D880] =	vst v63  }
0xaa: {  	_ =	swait.ge [sflag:s24], $0x3200  }
.Ltmp2:
0xab: {  	[sflag:s24] =	ssyncset.done $0x0;
	(pc) =	sbr.rel @p0 .LBB2_6-.Ltmp2, $4  }
0xac: {  	s0 =	sadd.s32 $0x1C80, s30;
	[sflag:s24] =	ssyncadd.s32 $0xFFFFCE00  }
0xad: {  	[spmem:s3] =	stream.indirect.scatter.add.f32 [tilespmem:s22], [sflag:$0x3], $0x80, s0, s21, $0xb8;
	[tilespmem:$0x1D880] =	vst v63  }
0xae: {  	_ =	swait.ge [sflag:s19], $0x3200  }
0xaf: {  	s31 =	smov.u32 s4;
	s30 =	sshra.s32 s2, $0x2;
	[sflag:s19] =	ssyncset.done $0x0  }
0xb0: {  	s0 =	sadd.s32 $0x80, s30;
	[sflag:s19] =	ssyncadd.s32 $0xFFFFCE00  }
0xb1: {  	[tilespmem:s22], [sflag:$0x2] =	stream.indirect.gather [hbm4b:s1+s21], $0x80, s0, s21, $0xb8;
	[tilespmem:$0x1D880] =	vst v63  }
0xb2: {  	_ =	swait.ge [sflag:s23], $0x3200  }
0xb3: {  	[sflag:s23] =	ssyncset.done $0x0  }
0xb4: {  	s2 =	sadd.s32 $0x1C00, s30;
	[sflag:s23] =	ssyncadd.s32 $0xFFFFCE00  }
0xb5: {  	[spmem:s3] =	stream.indirect.scatter.add.f32 [tilespmem:s18], [sflag:$0x3], $0x80, s2, s21, $0xb8;
	[tilespmem:$0x1D880] =	vst v63  }
0xb6: {  	_ =	swait.ge [sflag:s19], $0x3200  }
0xb7: {  	[sflag:s19] =	ssyncset.done $0x0  }
0xb8: {  	s4 =	sadd.s32 $0x100, s30;
	[sflag:s19] =	ssyncadd.s32 $0xFFFFCE00  }
0xb9: {  	[tilespmem:s18], [sflag:$0x1] =	stream.indirect.gather [hbm4b:s1+s21], $0x80, s4, s21, $0xb8;
	[tilespmem:$0x1D880] =	vst v63  }
0xba: {  	_ =	swait.ge [sflag:s24], $0x3200  }
0xbb: {  	[sflag:s24] =	ssyncset.done $0x0  }
0xbc: {  	s30 =	sadd.s32 $0x1C80, s30;
	[sflag:s24] =	ssyncadd.s32 $0xFFFFCE00  }
0xbd: {  	[spmem:s3] =	stream.indirect.scatter.add.f32 [tilespmem:s22], [sflag:$0x3], $0x80, s30, s21, $0xb8;
	[tilespmem:$0x1D880] =	vst v63  }
0xbe: {  	_ =	swait.ge [sflag:s19], $0x3200  }
0xbf: {  	[sflag:s19] =	ssyncset.done $0x0  }
0xc0: {  	[sflag:s19] =	ssyncadd.s32 $0xFFFFCE00  }
0xc1: {  	[tilespmem:s22], [sflag:$0x2] =	stream.indirect.gather [hbm4b:s1+s21], $0x80, s25, s21, $0xb8;
	[tilespmem:$0x1D880] =	vst v63  }
0xc2: {  	_ =	swait.ge [sflag:s23], $0x3200  }
0xc3: {  	[sflag:s23] =	ssyncset.done $0x0  }
0xc4: {  	[sflag:s23] =	ssyncadd.s32 $0xFFFFCE00  }
0xc5: {  	[spmem:s3] =	stream.indirect.scatter.add.f32 [tilespmem:s18], [sflag:$0x3], $0x80, s26, s21, $0xb8;
	[tilespmem:$0x1D880] =	vst v63  }
0xc6: {  	_ =	swait.ge [sflag:s19], $0x3200  }
0xc7: {  	[sflag:s19] =	ssyncset.done $0x0  }
0xc8: {  	[sflag:s19] =	ssyncadd.s32 $0xFFFFCE00  }
0xc9: {  	_ =	swait.ge [sflag:s24], $0x3200  }
0xca: {  	[sflag:s24] =	ssyncset.done $0x0  }
0xcb: {  	[sflag:s24] =	ssyncadd.s32 $0xFFFFCE00  }
0xcc: {  	[spmem:s3] =	stream.indirect.scatter.add.f32 [tilespmem:s22], [sflag:$0x3], $0x80, s28, s21, $0xb8;
	[tilespmem:$0x1D880] =	vst v63  }
0xcd: {  	s31 =	stileid.u32;
	_ =	swait.ge [sflag:s19], $0x3200  }
0xce: {  	s29 =	sadd.s32 $0x1, s29;
	s0 =	sshll.u32 s31, $0x6;
	[sflag:s19] =	ssyncset.done $0x0  }
0xcf: {  	p0 =	sne.s32 s29, s17;
	s0 =	sor.u32 $0x1C03, s0;
	[sflag:s19] =	ssyncadd.s32 $0xFFFFCE00  }
.Ltmp3:
0xd0: {  	s2 =	sshrl.u32 s5, $0x3;
	[bflag:$0x0] =	sbarrier.arrive $0xFFFF;
	(pc) =	sbr.rel @p0 .LBB2_1-.Ltmp3, $4  }
0xd1: {  	[hbm:s16], [sflag:s0] =	dma.local [spmem:s2], $0x2710  }
0xd2: {  	_ =	swait.ge [sflag:s19], $0x2710  }
0xd3: {  	[sflag:s19] =	ssyncset.done $0x0  }
0xd4: {  	[sflag:s19] =	ssyncadd.s32 $0xFFFFD8F0  }
0xd5: {  	_ =	sfence.sel $0x180000  }
0xd6: {  	[bflag:$0x0] =	sbarrier.arrive $0xFFFF  }
0xd7: {  	_ =	strace $0x90000047  }
0xd8: {  	s0 =	stileid.u32;
	[bflag:$0x2] =	sbarrier.arrive $0xFFFF  }
0xd9: {  	p0 =	sne.s32 s0, $0x0;
	s0 =	rddreg [dreg:$0x4]  }
0xda: {  	s0 =	sadd.s32 @!p0 $0x100000, s0  }
0xdb: {  	[sflag:s0] =	ssyncadd.tile.s32 @!p0 $0x1;
	_ =	shalt  }
.Lfunc_end2:
_tile_overlayer_lowered:
.L_overlay_start_2:
0xdc: {  	(tag) =	ssettag $0x2  }
0xdd: {  	s0 =	rddreg [dreg:$0x0];
	s2 =	stileid.u32  }
0xde: {  	s1 =	rddreg [dreg:$0x1];
	p0 =	sne.s32 s2, $0x0  }
0xdf: {  	s3 =	rddreg [dreg:$0x2];
	[bflag:$0x3] =	sbarrier.arrive $0xFFFF;
	s2 =	simm.s32 @!p0 $0x1C03  }
0xe0: {  	[timem:s3], [sflag:s2] =	dma.local @!p0 [hbm:s0], s1  }
0xe1: {  	s0 =	simm.s32 @!p0 $0x3  }
0xe2: {  	_ =	swait.ge @!p0 [sflag:s0], s1  }
0xe3: {  	s1 =	ssub.s32 @!p0 $0x0, s1;
	[sflag:s0] =	ssyncset.done @!p0 $0x0  }
0xe4: {  	[sflag:s0] =	ssyncadd.s32 @!p0 s1  }
0xe5: {  	[bflag:$0x3] =	sbarrier.arrive $0xFFFF  }
0xe6: {  	_ =	shalt  }

</sc_bundles>
